<compile_context>
chip_gen: v7x
topology: tpu7x:2x2x1
jax: 0.10.2.dev20260603
libtpu: 0.0.44.dev20260713+nightly
codegen_flags: <defaults>
</compile_context>

<pallas_src>
import functools

import jax
import jax.numpy as jnp
from jax import lax
from jax.experimental import pallas as pl
from jax.experimental.pallas import tpu as pltpu
from jax.experimental.pallas import tpu_sc as plsc

N = 10000
D = 256
HALF = 128
E = 160000
NSC = 2
NTILES = 16
K = 80
NBUF = 3
LOOKAHEAD = NBUF - 1
EPT = E // NTILES
NCH = -(-EPT // K)
PADE = NCH * K
NPADROW = 8
RPT = 624
REM = N - RPT * NTILES

assert EPT * NTILES == E and REM % 8 == 0 and REM >= 0



def _mm_body(h_ref, w_ref, b_ref, y_ref, z_ref, *, relu_in, split_in):
    if split_in:
        h0 = h_ref[0]
        h1 = h_ref[1]
        if relu_in:
            h0 = jnp.maximum(h0, 0.0)
            h1 = jnp.maximum(h1, 0.0)
        out = jnp.dot(h0, w_ref[0:HALF, :], preferred_element_type=jnp.float32)
        out = out + jnp.dot(h1, w_ref[HALF:D, :], preferred_element_type=jnp.float32)
    else:
        h = h_ref[...]
        if relu_in:
            h = jnp.maximum(h, 0.0)
        out = jnp.dot(h, w_ref[...], preferred_element_type=jnp.float32)
    y_ref[0] = out[:, 0:HALF]
    y_ref[1] = out[:, HALF:D]
    z_ref[0] = out[:, D:D + HALF] + b_ref[0, 0:HALF]
    z_ref[1] = out[:, D + HALF:2 * D] + b_ref[0, HALF:D]


def _tc_matmul(h, wcat, brel, *, relu_in, split_in, bm=1000):
    grid = (N // bm,)
    if split_in:
        in_spec = pl.BlockSpec((NSC, bm, HALF), lambda i: (0, i, 0))
    else:
        in_spec = pl.BlockSpec((bm, D), lambda i: (i, 0))
    out_spec = pl.BlockSpec((NSC, bm, HALF), lambda i: (0, i, 0))
    return pl.pallas_call(
        functools.partial(_mm_body, relu_in=relu_in, split_in=split_in),
        grid=grid,
        in_specs=[
            in_spec,
            pl.BlockSpec((D, 2 * D), lambda i: (0, 0)),
            pl.BlockSpec((1, D), lambda i: (0, 0)),
        ],
        out_specs=[out_spec, out_spec],
        out_shape=[
            jax.ShapeDtypeStruct((NSC, N, HALF), jnp.float32),
            jax.ShapeDtypeStruct((NSC, N, HALF), jnp.float32),
        ],
    )(h, wcat, brel)



_SC_MESH = plsc.VectorSubcoreMesh(core_axis_name="c", subcore_axis_name="s")


@functools.partial(
    pl.kernel,
    out_type=jax.ShapeDtypeStruct((NSC, N, HALF), jnp.float32),
    mesh=_SC_MESH,
    scratch_types=[
        pltpu.VMEM((NCH, K), jnp.int32),
        pltpu.VMEM((NBUF, K), jnp.int32),
        pltpu.VMEM((NBUF, K), jnp.int32),
        pltpu.VMEM((NBUF, K, HALF), jnp.float32),
        pltpu.VMEM_SHARED((N + NPADROW, HALF), jnp.float32),
        pltpu.SemaphoreType.DMA((NBUF,)),
        pltpu.SemaphoreType.DMA((NBUF,)),
        pltpu.SemaphoreType.DMA,
    ],
)
def _sc_aggregate(y_hbm, z_hbm, packed_hbm, out_hbm,
                  packed_v, src_ring, dst_ring, rows_v, acc, sem, sem_s,
                  sem_i):
    c = lax.axis_index("c")
    s = lax.axis_index("s")
    pltpu.async_copy(z_hbm.at[c, pl.ds(s * RPT, RPT)],
                     acc.at[pl.ds(s * RPT, RPT)], sem_i)

    @pl.when(s == NTILES - 1)
    def _():
        pltpu.async_copy(z_hbm.at[c, pl.ds(RPT * NTILES, REM)],
                         acc.at[pl.ds(RPT * NTILES, REM)], sem_i)

    pltpu.sync_copy(packed_hbm.at[s], packed_v)

    def launch(j):
        b = lax.rem(j, NBUF)
        for t in range(K // 16):
            v = packed_v[j, pl.ds(t * 16, 16)]
            src_ring[b, pl.ds(t * 16, 16)] = jnp.bitwise_and(v, jnp.int32(0xFFFF))
            dst_ring[b, pl.ds(t * 16, 16)] = lax.shift_right_logical(v, jnp.int32(16))
        pltpu.async_copy(y_hbm.at[c].at[src_ring.at[b]], rows_v.at[b], sem.at[b])

    def wait_scatter(j):
        b = lax.rem(j, NBUF)
        pltpu.make_async_copy(rows_v.at[b], acc.at[dst_ring.at[b]],
                              sem_s.at[b]).wait()

    for j0 in range(LOOKAHEAD):
        launch(jnp.int32(j0))

    pltpu.make_async_copy(z_hbm.at[c, pl.ds(s * RPT, RPT)],
                          acc.at[pl.ds(s * RPT, RPT)], sem_i).wait()

    @pl.when(s == NTILES - 1)
    def _():
        pltpu.make_async_copy(z_hbm.at[c, pl.ds(RPT * NTILES, REM)],
                              acc.at[pl.ds(RPT * NTILES, REM)], sem_i).wait()

    plsc.subcore_barrier()

    def body(j, carry):
        @pl.when(j >= NBUF - LOOKAHEAD)
        def _():
            wait_scatter(j - (NBUF - LOOKAHEAD))

        @pl.when(j + LOOKAHEAD < NCH)
        def _():
            launch(j + LOOKAHEAD)
        b = lax.rem(j, NBUF)
        pltpu.make_async_copy(y_hbm.at[c].at[src_ring.at[b]],
                              rows_v.at[b], sem.at[b]).wait()
        pltpu.async_copy(rows_v.at[b], acc.at[dst_ring.at[b]], sem_s.at[b],
                         add=True)
        return carry

    lax.fori_loop(0, NCH, body, 0)
    for d in range(NBUF - LOOKAHEAD):
        wait_scatter(jnp.int32(NCH - 1 - d))
    plsc.subcore_barrier()
    pltpu.sync_copy(acc.at[pl.ds(s * RPT, RPT)], out_hbm.at[c, pl.ds(s * RPT, RPT)])

    @pl.when(s == NTILES - 1)
    def _():
        pltpu.sync_copy(acc.at[pl.ds(RPT * NTILES, REM)],
                        out_hbm.at[c, pl.ds(RPT * NTILES, REM)])



def _pool_body(h_ref, wm_ref, bm_ref, o_ref):
    h0 = jnp.maximum(h_ref[0], 0.0)
    h1 = jnp.maximum(h_ref[1], 0.0)
    p0 = jnp.max(h0, axis=0, keepdims=True)
    p1 = jnp.max(h1, axis=0, keepdims=True)
    pooled = jnp.concatenate([p0, p1], axis=1)
    o_ref[...] = jnp.dot(pooled, wm_ref[...],
                         preferred_element_type=jnp.float32) + bm_ref[...]


def _tc_pool_mlp(h, wmlp_t, bmlp):
    return pl.pallas_call(
        _pool_body,
        out_shape=jax.ShapeDtypeStruct((1, 10), jnp.float32),
    )(h, wmlp_t, bmlp)


def kernel(x, edge_index, Wrel0, brel0, Wroot0, Wrel1, brel1, Wroot1,
           Wrel2, brel2, Wroot2, Wmlp, bmlp):
    src = edge_index[0].reshape(NTILES, EPT)
    dst = edge_index[1].reshape(NTILES, EPT)
    npad = PADE - EPT
    pad_src = jnp.zeros((NTILES, npad), dtype=jnp.int32)
    pad_dst = jnp.broadcast_to(
        N + (jnp.arange(npad, dtype=jnp.int32) % NPADROW), (NTILES, npad))
    src = jnp.concatenate([src, pad_src], axis=1)
    dst = jnp.concatenate([dst, pad_dst], axis=1)
    packed = ((dst << 16) | src).reshape(NTILES, NCH, K)

    def layer(h, Wrel, brel, Wroot, relu_in, split_in):
        wcat = jnp.concatenate([Wrel.T, Wroot.T], axis=1)
        y, z = _tc_matmul(h, wcat, brel.reshape(1, D),
                          relu_in=relu_in, split_in=split_in)
        return _sc_aggregate(y, z, packed)

    h1 = layer(x, Wrel0, brel0, Wroot0, relu_in=False, split_in=False)
    h2 = layer(h1, Wrel1, brel1, Wroot1, relu_in=True, split_in=True)
    h3 = layer(h2, Wrel2, brel2, Wroot2, relu_in=True, split_in=True)
    return _tc_pool_mlp(h3, Wmlp.T, bmlp.reshape(1, 10))

# --- scband reference (transcript-rebuilt; emitter-appended) ---
"""Pipeline reference for scband-gnnclassifier-78211354460174 (READ-ONLY COPY).

The authoritative reference and input builder live on the scoring server;
editing this copy changes nothing except your own understanding.
"""

import jax, jax.numpy as jnp
import numpy as np

N = 10000
E = 160000
D = 256
H = 256
C = 10


def setup_inputs(seed: int = 0) -> dict:
    key = jax.random.key(seed)
    ks = jax.random.split(key, 16)
    x = jax.random.normal(ks[0], (N, D), dtype=jnp.float32)
    edge_index = jax.random.randint(ks[1], (2, E), 0, N, dtype=jnp.int32)
    s_in = 1.0 / np.sqrt(D)
    s_h = 1.0 / np.sqrt(H)
    Wrel0 = jax.random.normal(ks[2], (H, D), dtype=jnp.float32) * s_in
    brel0 = jnp.zeros((H,), dtype=jnp.float32)
    Wroot0 = jax.random.normal(ks[3], (H, D), dtype=jnp.float32) * s_in
    Wrel1 = jax.random.normal(ks[4], (H, H), dtype=jnp.float32) * s_h
    brel1 = jnp.zeros((H,), dtype=jnp.float32)
    Wroot1 = jax.random.normal(ks[5], (H, H), dtype=jnp.float32) * s_h
    Wrel2 = jax.random.normal(ks[6], (H, H), dtype=jnp.float32) * s_h
    brel2 = jnp.zeros((H,), dtype=jnp.float32)
    Wroot2 = jax.random.normal(ks[7], (H, H), dtype=jnp.float32) * s_h
    Wmlp = jax.random.normal(ks[8], (C, H), dtype=jnp.float32) * s_h
    bmlp = jnp.zeros((C,), dtype=jnp.float32)
    return {"x": x, "edge_index": edge_index,
            "Wrel0": Wrel0, "brel0": brel0, "Wroot0": Wroot0,
            "Wrel1": Wrel1, "brel1": brel1, "Wroot1": Wroot1,
            "Wrel2": Wrel2, "brel2": brel2, "Wroot2": Wroot2,
            "Wmlp": Wmlp, "bmlp": bmlp}


def reference(x, edge_index, Wrel0, brel0, Wroot0, Wrel1, brel1, Wroot1,
              Wrel2, brel2, Wroot2, Wmlp, bmlp):
    # GraphConv (PyG semantics, aggr='add', edge_weight=None):
    #   out_i = Wrel @ sum_{j in N(i)} x_j + brel + Wroot @ x_i
    src = edge_index[0]
    dst = edge_index[1]

    def conv(h, Wrel, brel, Wroot):
        msgs = h[src]  # gather source-node features per edge
        agg = jax.ops.segment_sum(msgs, dst, num_segments=N)  # scatter-add to dst
        return agg @ Wrel.T + brel + h @ Wroot.T

    h = jax.nn.relu(conv(x, Wrel0, brel0, Wroot0))
    # dropout p=0 in eval mode -> identity
    h = jax.nn.relu(conv(h, Wrel1, brel1, Wroot1))
    h = jax.nn.relu(conv(h, Wrel2, brel2, Wroot2))
    # batch is None -> global max pool over all nodes, keepdim
    pooled = jnp.max(h, axis=0, keepdims=True)  # [1, H]
    out = pooled @ Wmlp.T + bmlp  # [1, C]
    return out

if __name__ == "__main__":
    import jax
    _d = setup_inputs()
    print(jax.jit(kernel)(*tuple(_d.values())))

</pallas_src>

<mosaic_0001>
#map = affine_map<(d0, d1) -> (0, 0, 0)>
module attributes {stable_mosaic.version = 14 : i64} {
  func.func @_sc_aggregate(%arg0: i32, %arg1: i32, %arg2: memref<2x10000x128xf32, #tpu.memory_space<hbm>>, %arg3: memref<2x10000x128xf32, #tpu.memory_space<hbm>>, %arg4: memref<16x125x80xi32, #tpu.memory_space<hbm>>, %arg5: memref<2x10000x128xf32, #tpu.memory_space<hbm>>, %arg6: memref<125x80xi32, #tpu.memory_space<vmem>>, %arg7: memref<3x80xi32, #tpu.memory_space<vmem>>, %arg8: memref<3x80xi32, #tpu.memory_space<vmem>>, %arg9: memref<3x80x128xf32, #tpu.memory_space<vmem>>, %arg10: memref<10008x128xf32, #tpu.memory_space<vmem_shared>>, %arg11: memref<3x!tpu.dma_semaphore, #tpu.memory_space<semaphore_mem>>, %arg12: memref<3x!tpu.dma_semaphore, #tpu.memory_space<semaphore_mem>>, %arg13: memref<!tpu.dma_semaphore, #tpu.memory_space<semaphore_mem>>) attributes {dimension_semantics = [#tpu.dimension_semantics<core_parallel>, #tpu.dimension_semantics<subcore_parallel>], iteration_bounds = array<i64: 2, 16>, scalar_prefetch = 0 : i64, scratch_operands = 8 : i64, tpu.core_type = #tpu.core_type<sc_vector_subcore>, window_params = [{transform_indices = #map}, {transform_indices = #map}, {transform_indices = #map}, {transform_indices = #map}]} {
    %mul3A = arith.constant 624 : i32
    %mul3A_0 = arith.muli %arg1, %mul3A : i32
    %mul3A_1 = arith.constant 624 : i32
    %mul3A_2 = arith.muli %arg1, %mul3A_1 : i32
    %dma_start3A = arith.constant 0 : i32
    %dma_start3A_3 = tpu.memref_slice %arg10[%mul3A_2, %dma_start3A] : memref<10008x128xf32, #tpu.memory_space<vmem_shared>> -> memref<624x128xf32, #tpu.memory_space<vmem_shared>>
    %dma_start3A_4 = arith.constant 0 : i32
    %dma_start3A_5 = tpu.memref_slice %arg3[%arg0, %mul3A_0, %dma_start3A_4] : memref<2x10000x128xf32, #tpu.memory_space<hbm>> -> memref<1x624x128xf32, #tpu.memory_space<hbm>>
    %dma_start3A_6 = tpu.memref_squeeze %dma_start3A_5 : memref<1x624x128xf32, #tpu.memory_space<hbm>> -> memref<624x128xf32, #tpu.memory_space<hbm>>
    tpu.enqueue_dma source(%dma_start3A_6 : memref<624x128xf32, #tpu.memory_space<hbm>>) target(%dma_start3A_3 : memref<624x128xf32, #tpu.memory_space<vmem_shared>>) target_semaphore(%arg13 : memref<!tpu.dma_semaphore, #tpu.memory_space<semaphore_mem>>)
    %eq3A = arith.constant 15 : i32
    %eq3A_7 = arith.cmpi eq, %arg1, %eq3A : i32
    %convert_element_type3A = arith.extui %eq3A_7 : i1 to i32
    %cond3A = arith.constant 0 : i32
    %cond3A_8 = arith.cmpi ne, %convert_element_type3A, %cond3A : i32
    scf.if %cond3A_8 {
      %dma_start3A_295 = arith.constant 9984 : i32
      %dma_start3A_296 = arith.constant 0 : i32
      %dma_start3A_297 = tpu.memref_slice %arg10[%dma_start3A_295, %dma_start3A_296] : memref<10008x128xf32, #tpu.memory_space<vmem_shared>> -> memref<16x128xf32, #tpu.memory_space<vmem_shared>>
      %dma_start3A_298 = arith.constant 9984 : i32
      %dma_start3A_299 = arith.constant 0 : i32
      %dma_start3A_300 = tpu.memref_slice %arg3[%arg0, %dma_start3A_298, %dma_start3A_299] : memref<2x10000x128xf32, #tpu.memory_space<hbm>> -> memref<1x16x128xf32, #tpu.memory_space<hbm>>
      %dma_start3A_301 = tpu.memref_squeeze %dma_start3A_300 : memref<1x16x128xf32, #tpu.memory_space<hbm>> -> memref<16x128xf32, #tpu.memory_space<hbm>>
      tpu.enqueue_dma source(%dma_start3A_301 : memref<16x128xf32, #tpu.memory_space<hbm>>) target(%dma_start3A_297 : memref<16x128xf32, #tpu.memory_space<vmem_shared>>) target_semaphore(%arg13 : memref<!tpu.dma_semaphore, #tpu.memory_space<semaphore_mem>>)
    } else {
    }
    "tpu.region"() ({
      %run_scoped3A = tpu.sem_alloc : memref<!tpu.dma_semaphore, #tpu.memory_space<semaphore_mem>>
      %dma_start3A_295 = arith.constant 0 : i32
      %dma_start3A_296 = arith.constant 0 : i32
      %dma_start3A_297 = tpu.memref_slice %arg4[%arg1, %dma_start3A_295, %dma_start3A_296] : memref<16x125x80xi32, #tpu.memory_space<hbm>> -> memref<1x125x80xi32, #tpu.memory_space<hbm>>
      %dma_start3A_298 = tpu.memref_squeeze %dma_start3A_297 : memref<1x125x80xi32, #tpu.memory_space<hbm>> -> memref<125x80xi32, #tpu.memory_space<hbm>>
      %dma_start3A_299 = arith.constant 0 : i32
      %dma_start3A_300 = arith.constant 0 : i32
      %dma_start3A_301 = tpu.memref_slice %arg4[%arg1, %dma_start3A_299, %dma_start3A_300] : memref<16x125x80xi32, #tpu.memory_space<hbm>> -> memref<1x125x80xi32, #tpu.memory_space<hbm>>
      %dma_start3A_302 = tpu.memref_squeeze %dma_start3A_301 : memref<1x125x80xi32, #tpu.memory_space<hbm>> -> memref<125x80xi32, #tpu.memory_space<hbm>>
      tpu.enqueue_dma source(%dma_start3A_302 : memref<125x80xi32, #tpu.memory_space<hbm>>) target(%arg6 : memref<125x80xi32, #tpu.memory_space<vmem>>) target_semaphore(%run_scoped3A : memref<!tpu.dma_semaphore, #tpu.memory_space<semaphore_mem>>)
      %dma_wait3A_303 = arith.constant 0 : i32
      %dma_wait3A_304 = arith.constant 0 : i32
      %dma_wait3A_305 = tpu.memref_slice %arg4[%arg1, %dma_wait3A_303, %dma_wait3A_304] : memref<16x125x80xi32, #tpu.memory_space<hbm>> -> memref<1x125x80xi32, #tpu.memory_space<hbm>>
      %dma_wait3A_306 = tpu.memref_squeeze %dma_wait3A_305 : memref<1x125x80xi32, #tpu.memory_space<hbm>> -> memref<125x80xi32, #tpu.memory_space<hbm>>
      %dma_wait3A_307 = arith.constant 0 : i32
      %dma_wait3A_308 = arith.constant 0 : i32
      %dma_wait3A_309 = tpu.memref_slice %arg4[%arg1, %dma_wait3A_307, %dma_wait3A_308] : memref<16x125x80xi32, #tpu.memory_space<hbm>> -> memref<1x125x80xi32, #tpu.memory_space<hbm>>
      %dma_wait3A_310 = tpu.memref_squeeze %dma_wait3A_309 : memref<1x125x80xi32, #tpu.memory_space<hbm>> -> memref<125x80xi32, #tpu.memory_space<hbm>>
      tpu.wait_dma2 semaphore(%run_scoped3A : memref<!tpu.dma_semaphore, #tpu.memory_space<semaphore_mem>>) src(%dma_wait3A_310 : memref<125x80xi32, #tpu.memory_space<hbm>>) dst(%arg6 : memref<125x80xi32, #tpu.memory_space<vmem>>)
      tpu.yield
    }) : () -> ()
    %rem3A = arith.constant 0 : i32
    %rem3A_9 = arith.constant 3 : i32
    %rem3A_10 = arith.remsi %rem3A, %rem3A_9 : i32
    %get3A = arith.constant 0 : i32
    %get3A_11 = arith.index_cast %get3A : i32 to index
    %get3A_12 = arith.constant 0 : index
    %get3A_13 = tpu.vector_load %arg6[%get3A_11, %get3A_12] {strides = array<i32>} : memref<125x80xi32, #tpu.memory_space<vmem>>, vector<1x16xi32>,
    %get3A_14 = vector.shape_cast %get3A_13 : vector<1x16xi32> to vector<16xi32>
    %and3A = arith.constant 65535 : i32
    %and3A_15 = vector.broadcast %and3A : i32 to vector<16xi32>
    %and3A_16 = arith.andi %get3A_14, %and3A_15 : vector<16xi32>
    %swap3A = arith.index_cast %rem3A_10 : i32 to index
    %swap3A_17 = arith.constant 0 : index
    %swap3A_18 = tpu.vector_load %arg7[%swap3A, %swap3A_17] {strides = array<i32>} : memref<3x80xi32, #tpu.memory_space<vmem>>, vector<1x16xi32>,
    %swap3A_19 = vector.shape_cast %swap3A_18 : vector<1x16xi32> to vector<16xi32>
    %swap3A_20 = vector.shape_cast %and3A_16 : vector<16xi32> to vector<1x16xi32>
    tpu.vector_store %arg7[%swap3A, %swap3A_17], %swap3A_20 {strides = array<i32>} : memref<3x80xi32, #tpu.memory_space<vmem>>, vector<1x16xi32>,
    %shift_right_logical3A = arith.constant 16 : i32
    %shift_right_logical3A_21 = vector.broadcast %shift_right_logical3A : i32 to vector<16xi32>
    %shift_right_logical3A_22 = arith.shrui %get3A_14, %shift_right_logical3A_21 : vector<16xi32>
    %swap3A_23 = arith.index_cast %rem3A_10 : i32 to index
    %swap3A_24 = arith.constant 0 : index
    %swap3A_25 = tpu.vector_load %arg8[%swap3A_23, %swap3A_24] {strides = array<i32>} : memref<3x80xi32, #tpu.memory_space<vmem>>, vector<1x16xi32>,
    %swap3A_26 = vector.shape_cast %swap3A_25 : vector<1x16xi32> to vector<16xi32>
    %swap3A_27 = vector.shape_cast %shift_right_logical3A_22 : vector<16xi32> to vector<1x16xi32>
    tpu.vector_store %arg8[%swap3A_23, %swap3A_24], %swap3A_27 {strides = array<i32>} : memref<3x80xi32, #tpu.memory_space<vmem>>, vector<1x16xi32>,
    %get3A_28 = arith.constant 0 : i32
    %get3A_29 = arith.index_cast %get3A_28 : i32 to index
    %get3A_30 = arith.constant 16 : index
    %get3A_31 = tpu.vector_load %arg6[%get3A_29, %get3A_30] {strides = array<i32>} : memref<125x80xi32, #tpu.memory_space<vmem>>, vector<1x16xi32>,
    %get3A_32 = vector.shape_cast %get3A_31 : vector<1x16xi32> to vector<16xi32>
    %and3A_33 = arith.constant 65535 : i32
    %and3A_34 = vector.broadcast %and3A_33 : i32 to vector<16xi32>
    %and3A_35 = arith.andi %get3A_32, %and3A_34 : vector<16xi32>
    %swap3A_36 = arith.index_cast %rem3A_10 : i32 to index
    %swap3A_37 = arith.constant 16 : index
    %swap3A_38 = tpu.vector_load %arg7[%swap3A_36, %swap3A_37] {strides = array<i32>} : memref<3x80xi32, #tpu.memory_space<vmem>>, vector<1x16xi32>,
    %swap3A_39 = vector.shape_cast %swap3A_38 : vector<1x16xi32> to vector<16xi32>
    %swap3A_40 = vector.shape_cast %and3A_35 : vector<16xi32> to vector<1x16xi32>
    tpu.vector_store %arg7[%swap3A_36, %swap3A_37], %swap3A_40 {strides = array<i32>} : memref<3x80xi32, #tpu.memory_space<vmem>>, vector<1x16xi32>,
    %shift_right_logical3A_41 = arith.constant 16 : i32
    %shift_right_logical3A_42 = vector.broadcast %shift_right_logical3A_41 : i32 to vector<16xi32>
    %shift_right_logical3A_43 = arith.shrui %get3A_32, %shift_right_logical3A_42 : vector<16xi32>
    %swap3A_44 = arith.index_cast %rem3A_10 : i32 to index
    %swap3A_45 = arith.constant 16 : index
    %swap3A_46 = tpu.vector_load %arg8[%swap3A_44, %swap3A_45] {strides = array<i32>} : memref<3x80xi32, #tpu.memory_space<vmem>>, vector<1x16xi32>,
    %swap3A_47 = vector.shape_cast %swap3A_46 : vector<1x16xi32> to vector<16xi32>
    %swap3A_48 = vector.shape_cast %shift_right_logical3A_43 : vector<16xi32> to vector<1x16xi32>
    tpu.vector_store %arg8[%swap3A_44, %swap3A_45], %swap3A_48 {strides = array<i32>} : memref<3x80xi32, #tpu.memory_space<vmem>>, vector<1x16xi32>,
    %get3A_49 = arith.constant 0 : i32
    %get3A_50 = arith.index_cast %get3A_49 : i32 to index
    %get3A_51 = arith.constant 32 : index
    %get3A_52 = tpu.vector_load %arg6[%get3A_50, %get3A_51] {strides = array<i32>} : memref<125x80xi32, #tpu.memory_space<vmem>>, vector<1x16xi32>,
    %get3A_53 = vector.shape_cast %get3A_52 : vector<1x16xi32> to vector<16xi32>
    %and3A_54 = arith.constant 65535 : i32
    %and3A_55 = vector.broadcast %and3A_54 : i32 to vector<16xi32>
    %and3A_56 = arith.andi %get3A_53, %and3A_55 : vector<16xi32>
    %swap3A_57 = arith.index_cast %rem3A_10 : i32 to index
    %swap3A_58 = arith.constant 32 : index
    %swap3A_59 = tpu.vector_load %arg7[%swap3A_57, %swap3A_58] {strides = array<i32>} : memref<3x80xi32, #tpu.memory_space<vmem>>, vector<1x16xi32>,
    %swap3A_60 = vector.shape_cast %swap3A_59 : vector<1x16xi32> to vector<16xi32>
    %swap3A_61 = vector.shape_cast %and3A_56 : vector<16xi32> to vector<1x16xi32>
    tpu.vector_store %arg7[%swap3A_57, %swap3A_58], %swap3A_61 {strides = array<i32>} : memref<3x80xi32, #tpu.memory_space<vmem>>, vector<1x16xi32>,
    %shift_right_logical3A_62 = arith.constant 16 : i32
    %shift_right_logical3A_63 = vector.broadcast %shift_right_logical3A_62 : i32 to vector<16xi32>
    %shift_right_logical3A_64 = arith.shrui %get3A_53, %shift_right_logical3A_63 : vector<16xi32>
    %swap3A_65 = arith.index_cast %rem3A_10 : i32 to index
    %swap3A_66 = arith.constant 32 : index
    %swap3A_67 = tpu.vector_load %arg8[%swap3A_65, %swap3A_66] {strides = array<i32>} : memref<3x80xi32, #tpu.memory_space<vmem>>, vector<1x16xi32>,
    %swap3A_68 = vector.shape_cast %swap3A_67 : vector<1x16xi32> to vector<16xi32>
    %swap3A_69 = vector.shape_cast %shift_right_logical3A_64 : vector<16xi32> to vector<1x16xi32>
    tpu.vector_store %arg8[%swap3A_65, %swap3A_66], %swap3A_69 {strides = array<i32>} : memref<3x80xi32, #tpu.memory_space<vmem>>, vector<1x16xi32>,
    %get3A_70 = arith.constant 0 : i32
    %get3A_71 = arith.index_cast %get3A_70 : i32 to index
    %get3A_72 = arith.constant 48 : index
    %get3A_73 = tpu.vector_load %arg6[%get3A_71, %get3A_72] {strides = array<i32>} : memref<125x80xi32, #tpu.memory_space<vmem>>, vector<1x16xi32>,
    %get3A_74 = vector.shape_cast %get3A_73 : vector<1x16xi32> to vector<16xi32>
    %and3A_75 = arith.constant 65535 : i32
    %and3A_76 = vector.broadcast %and3A_75 : i32 to vector<16xi32>
    %and3A_77 = arith.andi %get3A_74, %and3A_76 : vector<16xi32>
    %swap3A_78 = arith.index_cast %rem3A_10 : i32 to index
    %swap3A_79 = arith.constant 48 : index
    %swap3A_80 = tpu.vector_load %arg7[%swap3A_78, %swap3A_79] {strides = array<i32>} : memref<3x80xi32, #tpu.memory_space<vmem>>, vector<1x16xi32>,
    %swap3A_81 = vector.shape_cast %swap3A_80 : vector<1x16xi32> to vector<16xi32>
    %swap3A_82 = vector.shape_cast %and3A_77 : vector<16xi32> to vector<1x16xi32>
    tpu.vector_store %arg7[%swap3A_78, %swap3A_79], %swap3A_82 {strides = array<i32>} : memref<3x80xi32, #tpu.memory_space<vmem>>, vector<1x16xi32>,
    %shift_right_logical3A_83 = arith.constant 16 : i32
    %shift_right_logical3A_84 = vector.broadcast %shift_right_logical3A_83 : i32 to vector<16xi32>
    %shift_right_logical3A_85 = arith.shrui %get3A_74, %shift_right_logical3A_84 : vector<16xi32>
    %swap3A_86 = arith.index_cast %rem3A_10 : i32 to index
    %swap3A_87 = arith.constant 48 : index
    %swap3A_88 = tpu.vector_load %arg8[%swap3A_86, %swap3A_87] {strides = array<i32>} : memref<3x80xi32, #tpu.memory_space<vmem>>, vector<1x16xi32>,
    %swap3A_89 = vector.shape_cast %swap3A_88 : vector<1x16xi32> to vector<16xi32>
    %swap3A_90 = vector.shape_cast %shift_right_logical3A_85 : vector<16xi32> to vector<1x16xi32>
    tpu.vector_store %arg8[%swap3A_86, %swap3A_87], %swap3A_90 {strides = array<i32>} : memref<3x80xi32, #tpu.memory_space<vmem>>, vector<1x16xi32>,
    %get3A_91 = arith.constant 0 : i32
    %get3A_92 = arith.index_cast %get3A_91 : i32 to index
    %get3A_93 = arith.constant 64 : index
    %get3A_94 = tpu.vector_load %arg6[%get3A_92, %get3A_93] {strides = array<i32>} : memref<125x80xi32, #tpu.memory_space<vmem>>, vector<1x16xi32>,
    %get3A_95 = vector.shape_cast %get3A_94 : vector<1x16xi32> to vector<16xi32>
    %and3A_96 = arith.constant 65535 : i32
    %and3A_97 = vector.broadcast %and3A_96 : i32 to vector<16xi32>
    %and3A_98 = arith.andi %get3A_95, %and3A_97 : vector<16xi32>
    %swap3A_99 = arith.index_cast %rem3A_10 : i32 to index
    %swap3A_100 = arith.constant 64 : index
    %swap3A_101 = tpu.vector_load %arg7[%swap3A_99, %swap3A_100] {strides = array<i32>} : memref<3x80xi32, #tpu.memory_space<vmem>>, vector<1x16xi32>,
    %swap3A_102 = vector.shape_cast %swap3A_101 : vector<1x16xi32> to vector<16xi32>
    %swap3A_103 = vector.shape_cast %and3A_98 : vector<16xi32> to vector<1x16xi32>
    tpu.vector_store %arg7[%swap3A_99, %swap3A_100], %swap3A_103 {strides = array<i32>} : memref<3x80xi32, #tpu.memory_space<vmem>>, vector<1x16xi32>,
    %shift_right_logical3A_104 = arith.constant 16 : i32
    %shift_right_logical3A_105 = vector.broadcast %shift_right_logical3A_104 : i32 to vector<16xi32>
    %shift_right_logical3A_106 = arith.shrui %get3A_95, %shift_right_logical3A_105 : vector<16xi32>
    %swap3A_107 = arith.index_cast %rem3A_10 : i32 to index
    %swap3A_108 = arith.constant 64 : index
    %swap3A_109 = tpu.vector_load %arg8[%swap3A_107, %swap3A_108] {strides = array<i32>} : memref<3x80xi32, #tpu.memory_space<vmem>>, vector<1x16xi32>,
    %swap3A_110 = vector.shape_cast %swap3A_109 : vector<1x16xi32> to vector<16xi32>
    %swap3A_111 = vector.shape_cast %shift_right_logical3A_106 : vector<16xi32> to vector<1x16xi32>
    tpu.vector_store %arg8[%swap3A_107, %swap3A_108], %swap3A_111 {strides = array<i32>} : memref<3x80xi32, #tpu.memory_space<vmem>>, vector<1x16xi32>,
    %dma_start3A_112 = arith.constant 0 : i32
    %dma_start3A_113 = arith.constant 0 : i32
    %dma_start3A_114 = tpu.memref_slice %arg9[%rem3A_10, %dma_start3A_112, %dma_start3A_113] : memref<3x80x128xf32, #tpu.memory_space<vmem>> -> memref<1x80x128xf32, #tpu.memory_space<vmem>>
    %dma_start3A_115 = tpu.memref_squeeze %dma_start3A_114 : memref<1x80x128xf32, #tpu.memory_space<vmem>> -> memref<80x128xf32, #tpu.memory_space<vmem>>
    %dma_start3A_116 = arith.constant 0 : i32
    %dma_start3A_117 = tpu.memref_slice %arg7[%rem3A_10, %dma_start3A_116] : memref<3x80xi32, #tpu.memory_space<vmem>> -> memref<1x80xi32, #tpu.memory_space<vmem>>
    %dma_start3A_118 = tpu.memref_squeeze %dma_start3A_117 : memref<1x80xi32, #tpu.memory_space<vmem>> -> memref<80xi32, #tpu.memory_space<vmem>>
    %dma_start3A_119 = arith.constant 0 : i32
    %dma_start3A_120 = arith.constant 0 : i32
    %dma_start3A_121 = tpu.memref_slice %arg2[%arg0, %dma_start3A_119, %dma_start3A_120] : memref<2x10000x128xf32, #tpu.memory_space<hbm>> -> memref<1x10000x128xf32, #tpu.memory_space<hbm>>
    %dma_start3A_122 = tpu.memref_squeeze %dma_start3A_121 : memref<1x10000x128xf32, #tpu.memory_space<hbm>> -> memref<10000x128xf32, #tpu.memory_space<hbm>>
    %dma_start3A_123 = arith.constant 0 : i32
    %dma_start3A_124 = arith.constant 0 : i32
    %dma_start3A_125 = tpu.memref_slice %dma_start3A_122[%dma_start3A_123, %dma_start3A_124] : memref<10000x128xf32, #tpu.memory_space<hbm>> -> memref<10000x128xf32, #tpu.memory_space<hbm>>
    %dma_start3A_126 = tpu.memref_slice %arg11[%rem3A_10] : memref<3x!tpu.dma_semaphore, #tpu.memory_space<semaphore_mem>> -> memref<1x!tpu.dma_semaphore, #tpu.memory_space<semaphore_mem>>
    %dma_start3A_127 = tpu.memref_squeeze %dma_start3A_126 : memref<1x!tpu.dma_semaphore, #tpu.memory_space<semaphore_mem>> -> memref<!tpu.dma_semaphore, #tpu.memory_space<semaphore_mem>>
    tpu.enqueue_indirect_dma source(%dma_start3A_125 : memref<10000x128xf32, #tpu.memory_space<hbm>>) target(%dma_start3A_115 : memref<80x128xf32, #tpu.memory_space<vmem>>) offsets(%dma_start3A_118 : memref<80xi32, #tpu.memory_space<vmem>>) semaphore(%dma_start3A_127 : memref<!tpu.dma_semaphore, #tpu.memory_space<semaphore_mem>>)
    %rem3A_128 = arith.constant 1 : i32
    %rem3A_129 = arith.constant 3 : i32
    %rem3A_130 = arith.remsi %rem3A_128, %rem3A_129 : i32
    %get3A_131 = arith.constant 1 : i32
    %get3A_132 = arith.index_cast %get3A_131 : i32 to index
    %get3A_133 = arith.constant 0 : index
    %get3A_134 = tpu.vector_load %arg6[%get3A_132, %get3A_133] {strides = array<i32>} : memref<125x80xi32, #tpu.memory_space<vmem>>, vector<1x16xi32>,
    %get3A_135 = vector.shape_cast %get3A_134 : vector<1x16xi32> to vector<16xi32>
    %and3A_136 = arith.constant 65535 : i32
    %and3A_137 = vector.broadcast %and3A_136 : i32 to vector<16xi32>
    %and3A_138 = arith.andi %get3A_135, %and3A_137 : vector<16xi32>
    %swap3A_139 = arith.index_cast %rem3A_130 : i32 to index
    %swap3A_140 = arith.constant 0 : index
    %swap3A_141 = tpu.vector_load %arg7[%swap3A_139, %swap3A_140] {strides = array<i32>} : memref<3x80xi32, #tpu.memory_space<vmem>>, vector<1x16xi32>,
    %swap3A_142 = vector.shape_cast %swap3A_141 : vector<1x16xi32> to vector<16xi32>
    %swap3A_143 = vector.shape_cast %and3A_138 : vector<16xi32> to vector<1x16xi32>
    tpu.vector_store %arg7[%swap3A_139, %swap3A_140], %swap3A_143 {strides = array<i32>} : memref<3x80xi32, #tpu.memory_space<vmem>>, vector<1x16xi32>,
    %shift_right_logical3A_144 = arith.constant 16 : i32
    %shift_right_logical3A_145 = vector.broadcast %shift_right_logical3A_144 : i32 to vector<16xi32>
    %shift_right_logical3A_146 = arith.shrui %get3A_135, %shift_right_logical3A_145 : vector<16xi32>
    %swap3A_147 = arith.index_cast %rem3A_130 : i32 to index
    %swap3A_148 = arith.constant 0 : index
    %swap3A_149 = tpu.vector_load %arg8[%swap3A_147, %swap3A_148] {strides = array<i32>} : memref<3x80xi32, #tpu.memory_space<vmem>>, vector<1x16xi32>,
    %swap3A_150 = vector.shape_cast %swap3A_149 : vector<1x16xi32> to vector<16xi32>
    %swap3A_151 = vector.shape_cast %shift_right_logical3A_146 : vector<16xi32> to vector<1x16xi32>
    tpu.vector_store %arg8[%swap3A_147, %swap3A_148], %swap3A_151 {strides = array<i32>} : memref<3x80xi32, #tpu.memory_space<vmem>>, vector<1x16xi32>,
    %get3A_152 = arith.constant 1 : i32
    %get3A_153 = arith.index_cast %get3A_152 : i32 to index
    %get3A_154 = arith.constant 16 : index
    %get3A_155 = tpu.vector_load %arg6[%get3A_153, %get3A_154] {strides = array<i32>} : memref<125x80xi32, #tpu.memory_space<vmem>>, vector<1x16xi32>,
    %get3A_156 = vector.shape_cast %get3A_155 : vector<1x16xi32> to vector<16xi32>
    %and3A_157 = arith.constant 65535 : i32
    %and3A_158 = vector.broadcast %and3A_157 : i32 to vector<16xi32>
    %and3A_159 = arith.andi %get3A_156, %and3A_158 : vector<16xi32>
    %swap3A_160 = arith.index_cast %rem3A_130 : i32 to index
    %swap3A_161 = arith.constant 16 : index
    %swap3A_162 = tpu.vector_load %arg7[%swap3A_160, %swap3A_161] {strides = array<i32>} : memref<3x80xi32, #tpu.memory_space<vmem>>, vector<1x16xi32>,
    %swap3A_163 = vector.shape_cast %swap3A_162 : vector<1x16xi32> to vector<16xi32>
    %swap3A_164 = vector.shape_cast %and3A_159 : vector<16xi32> to vector<1x16xi32>
    tpu.vector_store %arg7[%swap3A_160, %swap3A_161], %swap3A_164 {strides = array<i32>} : memref<3x80xi32, #tpu.memory_space<vmem>>, vector<1x16xi32>,
    %shift_right_logical3A_165 = arith.constant 16 : i32
    %shift_right_logical3A_166 = vector.broadcast %shift_right_logical3A_165 : i32 to vector<16xi32>
    %shift_right_logical3A_167 = arith.shrui %get3A_156, %shift_right_logical3A_166 : vector<16xi32>
    %swap3A_168 = arith.index_cast %rem3A_130 : i32 to index
    %swap3A_169 = arith.constant 16 : index
    %swap3A_170 = tpu.vector_load %arg8[%swap3A_168, %swap3A_169] {strides = array<i32>} : memref<3x80xi32, #tpu.memory_space<vmem>>, vector<1x16xi32>,
    %swap3A_171 = vector.shape_cast %swap3A_170 : vector<1x16xi32> to vector<16xi32>
    %swap3A_172 = vector.shape_cast %shift_right_logical3A_167 : vector<16xi32> to vector<1x16xi32>
    tpu.vector_store %arg8[%swap3A_168, %swap3A_169], %swap3A_172 {strides = array<i32>} : memref<3x80xi32, #tpu.memory_space<vmem>>, vector<1x16xi32>,
    %get3A_173 = arith.constant 1 : i32
    %get3A_174 = arith.index_cast %get3A_173 : i32 to index
    %get3A_175 = arith.constant 32 : index
    %get3A_176 = tpu.vector_load %arg6[%get3A_174, %get3A_175] {strides = array<i32>} : memref<125x80xi32, #tpu.memory_space<vmem>>, vector<1x16xi32>,
    %get3A_177 = vector.shape_cast %get3A_176 : vector<1x16xi32> to vector<16xi32>
    %and3A_178 = arith.constant 65535 : i32
    %and3A_179 = vector.broadcast %and3A_178 : i32 to vector<16xi32>
    %and3A_180 = arith.andi %get3A_177, %and3A_179 : vector<16xi32>
    %swap3A_181 = arith.index_cast %rem3A_130 : i32 to index
    %swap3A_182 = arith.constant 32 : index
    %swap3A_183 = tpu.vector_load %arg7[%swap3A_181, %swap3A_182] {strides = array<i32>} : memref<3x80xi32, #tpu.memory_space<vmem>>, vector<1x16xi32>,
    %swap3A_184 = vector.shape_cast %swap3A_183 : vector<1x16xi32> to vector<16xi32>
    %swap3A_185 = vector.shape_cast %and3A_180 : vector<16xi32> to vector<1x16xi32>
    tpu.vector_store %arg7[%swap3A_181, %swap3A_182], %swap3A_185 {strides = array<i32>} : memref<3x80xi32, #tpu.memory_space<vmem>>, vector<1x16xi32>,
    %shift_right_logical3A_186 = arith.constant 16 : i32
    %shift_right_logical3A_187 = vector.broadcast %shift_right_logical3A_186 : i32 to vector<16xi32>
    %shift_right_logical3A_188 = arith.shrui %get3A_177, %shift_right_logical3A_187 : vector<16xi32>
    %swap3A_189 = arith.index_cast %rem3A_130 : i32 to index
    %swap3A_190 = arith.constant 32 : index
    %swap3A_191 = tpu.vector_load %arg8[%swap3A_189, %swap3A_190] {strides = array<i32>} : memref<3x80xi32, #tpu.memory_space<vmem>>, vector<1x16xi32>,
    %swap3A_192 = vector.shape_cast %swap3A_191 : vector<1x16xi32> to vector<16xi32>
    %swap3A_193 = vector.shape_cast %shift_right_logical3A_188 : vector<16xi32> to vector<1x16xi32>
    tpu.vector_store %arg8[%swap3A_189, %swap3A_190], %swap3A_193 {strides = array<i32>} : memref<3x80xi32, #tpu.memory_space<vmem>>, vector<1x16xi32>,
    %get3A_194 = arith.constant 1 : i32
    %get3A_195 = arith.index_cast %get3A_194 : i32 to index
    %get3A_196 = arith.constant 48 : index
    %get3A_197 = tpu.vector_load %arg6[%get3A_195, %get3A_196] {strides = array<i32>} : memref<125x80xi32, #tpu.memory_space<vmem>>, vector<1x16xi32>,
    %get3A_198 = vector.shape_cast %get3A_197 : vector<1x16xi32> to vector<16xi32>
    %and3A_199 = arith.constant 65535 : i32
    %and3A_200 = vector.broadcast %and3A_199 : i32 to vector<16xi32>
    %and3A_201 = arith.andi %get3A_198, %and3A_200 : vector<16xi32>
    %swap3A_202 = arith.index_cast %rem3A_130 : i32 to index
    %swap3A_203 = arith.constant 48 : index
    %swap3A_204 = tpu.vector_load %arg7[%swap3A_202, %swap3A_203] {strides = array<i32>} : memref<3x80xi32, #tpu.memory_space<vmem>>, vector<1x16xi32>,
    %swap3A_205 = vector.shape_cast %swap3A_204 : vector<1x16xi32> to vector<16xi32>
    %swap3A_206 = vector.shape_cast %and3A_201 : vector<16xi32> to vector<1x16xi32>
    tpu.vector_store %arg7[%swap3A_202, %swap3A_203], %swap3A_206 {strides = array<i32>} : memref<3x80xi32, #tpu.memory_space<vmem>>, vector<1x16xi32>,
    %shift_right_logical3A_207 = arith.constant 16 : i32
    %shift_right_logical3A_208 = vector.broadcast %shift_right_logical3A_207 : i32 to vector<16xi32>
    %shift_right_logical3A_209 = arith.shrui %get3A_198, %shift_right_logical3A_208 : vector<16xi32>
    %swap3A_210 = arith.index_cast %rem3A_130 : i32 to index
    %swap3A_211 = arith.constant 48 : index
    %swap3A_212 = tpu.vector_load %arg8[%swap3A_210, %swap3A_211] {strides = array<i32>} : memref<3x80xi32, #tpu.memory_space<vmem>>, vector<1x16xi32>,
    %swap3A_213 = vector.shape_cast %swap3A_212 : vector<1x16xi32> to vector<16xi32>
    %swap3A_214 = vector.shape_cast %shift_right_logical3A_209 : vector<16xi32> to vector<1x16xi32>
    tpu.vector_store %arg8[%swap3A_210, %swap3A_211], %swap3A_214 {strides = array<i32>} : memref<3x80xi32, #tpu.memory_space<vmem>>, vector<1x16xi32>,
    %get3A_215 = arith.constant 1 : i32
    %get3A_216 = arith.index_cast %get3A_215 : i32 to index
    %get3A_217 = arith.constant 64 : index
    %get3A_218 = tpu.vector_load %arg6[%get3A_216, %get3A_217] {strides = array<i32>} : memref<125x80xi32, #tpu.memory_space<vmem>>, vector<1x16xi32>,
    %get3A_219 = vector.shape_cast %get3A_218 : vector<1x16xi32> to vector<16xi32>
    %and3A_220 = arith.constant 65535 : i32
    %and3A_221 = vector.broadcast %and3A_220 : i32 to vector<16xi32>
    %and3A_222 = arith.andi %get3A_219, %and3A_221 : vector<16xi32>
    %swap3A_223 = arith.index_cast %rem3A_130 : i32 to index
    %swap3A_224 = arith.constant 64 : index
    %swap3A_225 = tpu.vector_load %arg7[%swap3A_223, %swap3A_224] {strides = array<i32>} : memref<3x80xi32, #tpu.memory_space<vmem>>, vector<1x16xi32>,
    %swap3A_226 = vector.shape_cast %swap3A_225 : vector<1x16xi32> to vector<16xi32>
    %swap3A_227 = vector.shape_cast %and3A_222 : vector<16xi32> to vector<1x16xi32>
    tpu.vector_store %arg7[%swap3A_223, %swap3A_224], %swap3A_227 {strides = array<i32>} : memref<3x80xi32, #tpu.memory_space<vmem>>, vector<1x16xi32>,
    %shift_right_logical3A_228 = arith.constant 16 : i32
    %shift_right_logical3A_229 = vector.broadcast %shift_right_logical3A_228 : i32 to vector<16xi32>
    %shift_right_logical3A_230 = arith.shrui %get3A_219, %shift_right_logical3A_229 : vector<16xi32>
    %swap3A_231 = arith.index_cast %rem3A_130 : i32 to index
    %swap3A_232 = arith.constant 64 : index
    %swap3A_233 = tpu.vector_load %arg8[%swap3A_231, %swap3A_232] {strides = array<i32>} : memref<3x80xi32, #tpu.memory_space<vmem>>, vector<1x16xi32>,
    %swap3A_234 = vector.shape_cast %swap3A_233 : vector<1x16xi32> to vector<16xi32>
    %swap3A_235 = vector.shape_cast %shift_right_logical3A_230 : vector<16xi32> to vector<1x16xi32>
    tpu.vector_store %arg8[%swap3A_231, %swap3A_232], %swap3A_235 {strides = array<i32>} : memref<3x80xi32, #tpu.memory_space<vmem>>, vector<1x16xi32>,
    %dma_start3A_236 = arith.constant 0 : i32
    %dma_start3A_237 = arith.constant 0 : i32
    %dma_start3A_238 = tpu.memref_slice %arg9[%rem3A_130, %dma_start3A_236, %dma_start3A_237] : memref<3x80x128xf32, #tpu.memory_space<vmem>> -> memref<1x80x128xf32, #tpu.memory_space<vmem>>
    %dma_start3A_239 = tpu.memref_squeeze %dma_start3A_238 : memref<1x80x128xf32, #tpu.memory_space<vmem>> -> memref<80x128xf32, #tpu.memory_space<vmem>>
    %dma_start3A_240 = arith.constant 0 : i32
    %dma_start3A_241 = tpu.memref_slice %arg7[%rem3A_130, %dma_start3A_240] : memref<3x80xi32, #tpu.memory_space<vmem>> -> memref<1x80xi32, #tpu.memory_space<vmem>>
    %dma_start3A_242 = tpu.memref_squeeze %dma_start3A_241 : memref<1x80xi32, #tpu.memory_space<vmem>> -> memref<80xi32, #tpu.memory_space<vmem>>
    %dma_start3A_243 = arith.constant 0 : i32
    %dma_start3A_244 = arith.constant 0 : i32
    %dma_start3A_245 = tpu.memref_slice %arg2[%arg0, %dma_start3A_243, %dma_start3A_244] : memref<2x10000x128xf32, #tpu.memory_space<hbm>> -> memref<1x10000x128xf32, #tpu.memory_space<hbm>>
    %dma_start3A_246 = tpu.memref_squeeze %dma_start3A_245 : memref<1x10000x128xf32, #tpu.memory_space<hbm>> -> memref<10000x128xf32, #tpu.memory_space<hbm>>
    %dma_start3A_247 = arith.constant 0 : i32
    %dma_start3A_248 = arith.constant 0 : i32
    %dma_start3A_249 = tpu.memref_slice %dma_start3A_246[%dma_start3A_247, %dma_start3A_248] : memref<10000x128xf32, #tpu.memory_space<hbm>> -> memref<10000x128xf32, #tpu.memory_space<hbm>>
    %dma_start3A_250 = tpu.memref_slice %arg11[%rem3A_130] : memref<3x!tpu.dma_semaphore, #tpu.memory_space<semaphore_mem>> -> memref<1x!tpu.dma_semaphore, #tpu.memory_space<semaphore_mem>>
    %dma_start3A_251 = tpu.memref_squeeze %dma_start3A_250 : memref<1x!tpu.dma_semaphore, #tpu.memory_space<semaphore_mem>> -> memref<!tpu.dma_semaphore, #tpu.memory_space<semaphore_mem>>
    tpu.enqueue_indirect_dma source(%dma_start3A_249 : memref<10000x128xf32, #tpu.memory_space<hbm>>) target(%dma_start3A_239 : memref<80x128xf32, #tpu.memory_space<vmem>>) offsets(%dma_start3A_242 : memref<80xi32, #tpu.memory_space<vmem>>) semaphore(%dma_start3A_251 : memref<!tpu.dma_semaphore, #tpu.memory_space<semaphore_mem>>)
    %mul3A_252 = arith.constant 624 : i32
    %mul3A_253 = arith.muli %arg1, %mul3A_252 : i32
    %mul3A_254 = arith.constant 624 : i32
    %mul3A_255 = arith.muli %arg1, %mul3A_254 : i32
    %dma_wait3A = arith.constant 0 : i32
    %dma_wait3A_256 = tpu.memref_slice %arg10[%mul3A_255, %dma_wait3A] : memref<10008x128xf32, #tpu.memory_space<vmem_shared>> -> memref<624x128xf32, #tpu.memory_space<vmem_shared>>
    %dma_wait3A_257 = arith.constant 0 : i32
    %dma_wait3A_258 = tpu.memref_slice %arg3[%arg0, %mul3A_253, %dma_wait3A_257] : memref<2x10000x128xf32, #tpu.memory_space<hbm>> -> memref<1x624x128xf32, #tpu.memory_space<hbm>>
    %dma_wait3A_259 = tpu.memref_squeeze %dma_wait3A_258 : memref<1x624x128xf32, #tpu.memory_space<hbm>> -> memref<624x128xf32, #tpu.memory_space<hbm>>
    tpu.wait_dma2 semaphore(%arg13 : memref<!tpu.dma_semaphore, #tpu.memory_space<semaphore_mem>>) src(%dma_wait3A_259 : memref<624x128xf32, #tpu.memory_space<hbm>>) dst(%dma_wait3A_256 : memref<624x128xf32, #tpu.memory_space<vmem_shared>>)
    %eq3A_260 = arith.constant 15 : i32
    %eq3A_261 = arith.cmpi eq, %arg1, %eq3A_260 : i32
    %convert_element_type3A_262 = arith.extui %eq3A_261 : i1 to i32
    %cond3A_263 = arith.constant 0 : i32
    %cond3A_264 = arith.cmpi ne, %convert_element_type3A_262, %cond3A_263 : i32
    scf.if %cond3A_264 {
      %dma_wait3A_295 = arith.constant 9984 : i32
      %dma_wait3A_296 = arith.constant 0 : i32
      %dma_wait3A_297 = tpu.memref_slice %arg10[%dma_wait3A_295, %dma_wait3A_296] : memref<10008x128xf32, #tpu.memory_space<vmem_shared>> -> memref<16x128xf32, #tpu.memory_space<vmem_shared>>
      %dma_wait3A_298 = arith.constant 9984 : i32
      %dma_wait3A_299 = arith.constant 0 : i32
      %dma_wait3A_300 = tpu.memref_slice %arg3[%arg0, %dma_wait3A_298, %dma_wait3A_299] : memref<2x10000x128xf32, #tpu.memory_space<hbm>> -> memref<1x16x128xf32, #tpu.memory_space<hbm>>
      %dma_wait3A_301 = tpu.memref_squeeze %dma_wait3A_300 : memref<1x16x128xf32, #tpu.memory_space<hbm>> -> memref<16x128xf32, #tpu.memory_space<hbm>>
      tpu.wait_dma2 semaphore(%arg13 : memref<!tpu.dma_semaphore, #tpu.memory_space<semaphore_mem>>) src(%dma_wait3A_301 : memref<16x128xf32, #tpu.memory_space<hbm>>) dst(%dma_wait3A_297 : memref<16x128xf32, #tpu.memory_space<vmem_shared>>)
    } else {
    }
    %barrier3A = arith.constant 0 : index
    tpu.barrier barrier_id(%barrier3A)
    %scan3A = arith.constant 0 : i32
    %scan3A_265 = arith.constant 0 : i32
    %scan3A_266 = arith.constant 125 : i32
    %scan3A_267 = arith.addi %scan3A_265, %scan3A_266 : i32
    %scan3A_268 = arith.constant 1 : i32
    scf.for %scan3A_295 = %scan3A_265 to %scan3A_267 step %scan3A_268  : i32 {
      %ge3A = arith.constant 1 : i32
      %ge3A_296 = arith.cmpi sge, %scan3A_295, %ge3A : i32
      %convert_element_type3A_297 = arith.extui %ge3A_296 : i1 to i32
      %cond3A_298 = arith.constant 0 : i32
      %cond3A_299 = arith.cmpi ne, %convert_element_type3A_297, %cond3A_298 : i32
      scf.if %cond3A_299 {
        %sub3A = arith.constant 1 : i32
        %sub3A_335 = arith.subi %scan3A_295, %sub3A : i32
        %rem3A_336 = arith.constant 3 : i32
        %rem3A_337 = arith.remsi %sub3A_335, %rem3A_336 : i32
        %dma_wait3A_338 = arith.constant 0 : i32
        %dma_wait3A_339 = arith.constant 0 : i32
        %dma_wait3A_340 = tpu.memref_slice %arg9[%rem3A_337, %dma_wait3A_338, %dma_wait3A_339] : memref<3x80x128xf32, #tpu.memory_space<vmem>> -> memref<1x80x128xf32, #tpu.memory_space<vmem>>
        %dma_wait3A_341 = tpu.memref_squeeze %dma_wait3A_340 : memref<1x80x128xf32, #tpu.memory_space<vmem>> -> memref<80x128xf32, #tpu.memory_space<vmem>>
        %dma_wait3A_342 = arith.constant 0 : i32
        %dma_wait3A_343 = tpu.memref_slice %arg8[%rem3A_337, %dma_wait3A_342] : memref<3x80xi32, #tpu.memory_space<vmem>> -> memref<1x80xi32, #tpu.memory_space<vmem>>
        %dma_wait3A_344 = tpu.memref_squeeze %dma_wait3A_343 : memref<1x80xi32, #tpu.memory_space<vmem>> -> memref<80xi32, #tpu.memory_space<vmem>>
        %dma_wait3A_345 = arith.constant 0 : i32
        %dma_wait3A_346 = arith.constant 0 : i32
        %dma_wait3A_347 = tpu.memref_slice %arg10[%dma_wait3A_345, %dma_wait3A_346] : memref<10008x128xf32, #tpu.memory_space<vmem_shared>> -> memref<10008x128xf32, #tpu.memory_space<vmem_shared>>
        %dma_wait3A_348 = tpu.memref_slice %arg12[%rem3A_337] : memref<3x!tpu.dma_semaphore, #tpu.memory_space<semaphore_mem>> -> memref<1x!tpu.dma_semaphore, #tpu.memory_space<semaphore_mem>>
        %dma_wait3A_349 = tpu.memref_squeeze %dma_wait3A_348 : memref<1x!tpu.dma_semaphore, #tpu.memory_space<semaphore_mem>> -> memref<!tpu.dma_semaphore, #tpu.memory_space<semaphore_mem>>
        tpu.wait_indirect_dma semaphore(%dma_wait3A_349 : memref<!tpu.dma_semaphore, #tpu.memory_space<semaphore_mem>>) src(%dma_wait3A_341 : memref<80x128xf32, #tpu.memory_space<vmem>>) dst(%dma_wait3A_347 : memref<10008x128xf32, #tpu.memory_space<vmem_shared>>)
      } else {
      }
      %add3A = arith.constant 2 : i32
      %add3A_300 = arith.addi %scan3A_295, %add3A : i32
      %lt3A = arith.constant 125 : i32
      %lt3A_301 = arith.cmpi slt, %add3A_300, %lt3A : i32
      %convert_element_type3A_302 = arith.extui %lt3A_301 : i1 to i32
      %cond3A_303 = arith.constant 0 : i32
      %cond3A_304 = arith.cmpi ne, %convert_element_type3A_302, %cond3A_303 : i32
      scf.if %cond3A_304 {
        %add3A_335 = arith.constant 2 : i32
        %add3A_336 = arith.addi %scan3A_295, %add3A_335 : i32
        %rem3A_337 = arith.constant 3 : i32
        %rem3A_338 = arith.remsi %add3A_336, %rem3A_337 : i32
        %get3A_339 = arith.index_cast %add3A_336 : i32 to index
        %get3A_340 = arith.constant 0 : index
        %get3A_341 = tpu.vector_load %arg6[%get3A_339, %get3A_340] {strides = array<i32>} : memref<125x80xi32, #tpu.memory_space<vmem>>, vector<1x16xi32>,
        %get3A_342 = vector.shape_cast %get3A_341 : vector<1x16xi32> to vector<16xi32>
        %and3A_343 = arith.constant 65535 : i32
        %and3A_344 = vector.broadcast %and3A_343 : i32 to vector<16xi32>
        %and3A_345 = arith.andi %get3A_342, %and3A_344 : vector<16xi32>
        %swap3A_346 = arith.index_cast %rem3A_338 : i32 to index
        %swap3A_347 = arith.constant 0 : index
        %swap3A_348 = tpu.vector_load %arg7[%swap3A_346, %swap3A_347] {strides = array<i32>} : memref<3x80xi32, #tpu.memory_space<vmem>>, vector<1x16xi32>,
        %swap3A_349 = vector.shape_cast %swap3A_348 : vector<1x16xi32> to vector<16xi32>
        %swap3A_350 = vector.shape_cast %and3A_345 : vector<16xi32> to vector<1x16xi32>
        tpu.vector_store %arg7[%swap3A_346, %swap3A_347], %swap3A_350 {strides = array<i32>} : memref<3x80xi32, #tpu.memory_space<vmem>>, vector<1x16xi32>,
        %shift_right_logical3A_351 = arith.constant 16 : i32
        %shift_right_logical3A_352 = vector.broadcast %shift_right_logical3A_351 : i32 to vector<16xi32>
        %shift_right_logical3A_353 = arith.shrui %get3A_342, %shift_right_logical3A_352 : vector<16xi32>
        %swap3A_354 = arith.index_cast %rem3A_338 : i32 to index
        %swap3A_355 = arith.constant 0 : index
        %swap3A_356 = tpu.vector_load %arg8[%swap3A_354, %swap3A_355] {strides = array<i32>} : memref<3x80xi32, #tpu.memory_space<vmem>>, vector<1x16xi32>,
        %swap3A_357 = vector.shape_cast %swap3A_356 : vector<1x16xi32> to vector<16xi32>
        %swap3A_358 = vector.shape_cast %shift_right_logical3A_353 : vector<16xi32> to vector<1x16xi32>
        tpu.vector_store %arg8[%swap3A_354, %swap3A_355], %swap3A_358 {strides = array<i32>} : memref<3x80xi32, #tpu.memory_space<vmem>>, vector<1x16xi32>,
        %get3A_359 = arith.index_cast %add3A_336 : i32 to index
        %get3A_360 = arith.constant 16 : index
        %get3A_361 = tpu.vector_load %arg6[%get3A_359, %get3A_360] {strides = array<i32>} : memref<125x80xi32, #tpu.memory_space<vmem>>, vector<1x16xi32>,
        %get3A_362 = vector.shape_cast %get3A_361 : vector<1x16xi32> to vector<16xi32>
        %and3A_363 = arith.constant 65535 : i32
        %and3A_364 = vector.broadcast %and3A_363 : i32 to vector<16xi32>
        %and3A_365 = arith.andi %get3A_362, %and3A_364 : vector<16xi32>
        %swap3A_366 = arith.index_cast %rem3A_338 : i32 to index
        %swap3A_367 = arith.constant 16 : index
        %swap3A_368 = tpu.vector_load %arg7[%swap3A_366, %swap3A_367] {strides = array<i32>} : memref<3x80xi32, #tpu.memory_space<vmem>>, vector<1x16xi32>,
        %swap3A_369 = vector.shape_cast %swap3A_368 : vector<1x16xi32> to vector<16xi32>
        %swap3A_370 = vector.shape_cast %and3A_365 : vector<16xi32> to vector<1x16xi32>
        tpu.vector_store %arg7[%swap3A_366, %swap3A_367], %swap3A_370 {strides = array<i32>} : memref<3x80xi32, #tpu.memory_space<vmem>>, vector<1x16xi32>,
        %shift_right_logical3A_371 = arith.constant 16 : i32
        %shift_right_logical3A_372 = vector.broadcast %shift_right_logical3A_371 : i32 to vector<16xi32>
        %shift_right_logical3A_373 = arith.shrui %get3A_362, %shift_right_logical3A_372 : vector<16xi32>
        %swap3A_374 = arith.index_cast %rem3A_338 : i32 to index
        %swap3A_375 = arith.constant 16 : index
        %swap3A_376 = tpu.vector_load %arg8[%swap3A_374, %swap3A_375] {strides = array<i32>} : memref<3x80xi32, #tpu.memory_space<vmem>>, vector<1x16xi32>,
        %swap3A_377 = vector.shape_cast %swap3A_376 : vector<1x16xi32> to vector<16xi32>
        %swap3A_378 = vector.shape_cast %shift_right_logical3A_373 : vector<16xi32> to vector<1x16xi32>
        tpu.vector_store %arg8[%swap3A_374, %swap3A_375], %swap3A_378 {strides = array<i32>} : memref<3x80xi32, #tpu.memory_space<vmem>>, vector<1x16xi32>,
        %get3A_379 = arith.index_cast %add3A_336 : i32 to index
        %get3A_380 = arith.constant 32 : index
        %get3A_381 = tpu.vector_load %arg6[%get3A_379, %get3A_380] {strides = array<i32>} : memref<125x80xi32, #tpu.memory_space<vmem>>, vector<1x16xi32>,
        %get3A_382 = vector.shape_cast %get3A_381 : vector<1x16xi32> to vector<16xi32>
        %and3A_383 = arith.constant 65535 : i32
        %and3A_384 = vector.broadcast %and3A_383 : i32 to vector<16xi32>
        %and3A_385 = arith.andi %get3A_382, %and3A_384 : vector<16xi32>
        %swap3A_386 = arith.index_cast %rem3A_338 : i32 to index
        %swap3A_387 = arith.constant 32 : index
        %swap3A_388 = tpu.vector_load %arg7[%swap3A_386, %swap3A_387] {strides = array<i32>} : memref<3x80xi32, #tpu.memory_space<vmem>>, vector<1x16xi32>,
        %swap3A_389 = vector.shape_cast %swap3A_388 : vector<1x16xi32> to vector<16xi32>
        %swap3A_390 = vector.shape_cast %and3A_385 : vector<16xi32> to vector<1x16xi32>
        tpu.vector_store %arg7[%swap3A_386, %swap3A_387], %swap3A_390 {strides = array<i32>} : memref<3x80xi32, #tpu.memory_space<vmem>>, vector<1x16xi32>,
        %shift_right_logical3A_391 = arith.constant 16 : i32
        %shift_right_logical3A_392 = vector.broadcast %shift_right_logical3A_391 : i32 to vector<16xi32>
        %shift_right_logical3A_393 = arith.shrui %get3A_382, %shift_right_logical3A_392 : vector<16xi32>
        %swap3A_394 = arith.index_cast %rem3A_338 : i32 to index
        %swap3A_395 = arith.constant 32 : index
        %swap3A_396 = tpu.vector_load %arg8[%swap3A_394, %swap3A_395] {strides = array<i32>} : memref<3x80xi32, #tpu.memory_space<vmem>>, vector<1x16xi32>,
        %swap3A_397 = vector.shape_cast %swap3A_396 : vector<1x16xi32> to vector<16xi32>
        %swap3A_398 = vector.shape_cast %shift_right_logical3A_393 : vector<16xi32> to vector<1x16xi32>
        tpu.vector_store %arg8[%swap3A_394, %swap3A_395], %swap3A_398 {strides = array<i32>} : memref<3x80xi32, #tpu.memory_space<vmem>>, vector<1x16xi32>,
        %get3A_399 = arith.index_cast %add3A_336 : i32 to index
        %get3A_400 = arith.constant 48 : index
        %get3A_401 = tpu.vector_load %arg6[%get3A_399, %get3A_400] {strides = array<i32>} : memref<125x80xi32, #tpu.memory_space<vmem>>, vector<1x16xi32>,
        %get3A_402 = vector.shape_cast %get3A_401 : vector<1x16xi32> to vector<16xi32>
        %and3A_403 = arith.constant 65535 : i32
        %and3A_404 = vector.broadcast %and3A_403 : i32 to vector<16xi32>
        %and3A_405 = arith.andi %get3A_402, %and3A_404 : vector<16xi32>
        %swap3A_406 = arith.index_cast %rem3A_338 : i32 to index
        %swap3A_407 = arith.constant 48 : index
        %swap3A_408 = tpu.vector_load %arg7[%swap3A_406, %swap3A_407] {strides = array<i32>} : memref<3x80xi32, #tpu.memory_space<vmem>>, vector<1x16xi32>,
        %swap3A_409 = vector.shape_cast %swap3A_408 : vector<1x16xi32> to vector<16xi32>
        %swap3A_410 = vector.shape_cast %and3A_405 : vector<16xi32> to vector<1x16xi32>
        tpu.vector_store %arg7[%swap3A_406, %swap3A_407], %swap3A_410 {strides = array<i32>} : memref<3x80xi32, #tpu.memory_space<vmem>>, vector<1x16xi32>,
        %shift_right_logical3A_411 = arith.constant 16 : i32
        %shift_right_logical3A_412 = vector.broadcast %shift_right_logical3A_411 : i32 to vector<16xi32>
        %shift_right_logical3A_413 = arith.shrui %get3A_402, %shift_right_logical3A_412 : vector<16xi32>
        %swap3A_414 = arith.index_cast %rem3A_338 : i32 to index
        %swap3A_415 = arith.constant 48 : index
        %swap3A_416 = tpu.vector_load %arg8[%swap3A_414, %swap3A_415] {strides = array<i32>} : memref<3x80xi32, #tpu.memory_space<vmem>>, vector<1x16xi32>,
        %swap3A_417 = vector.shape_cast %swap3A_416 : vector<1x16xi32> to vector<16xi32>
        %swap3A_418 = vector.shape_cast %shift_right_logical3A_413 : vector<16xi32> to vector<1x16xi32>
        tpu.vector_store %arg8[%swap3A_414, %swap3A_415], %swap3A_418 {strides = array<i32>} : memref<3x80xi32, #tpu.memory_space<vmem>>, vector<1x16xi32>,
        %get3A_419 = arith.index_cast %add3A_336 : i32 to index
        %get3A_420 = arith.constant 64 : index
        %get3A_421 = tpu.vector_load %arg6[%get3A_419, %get3A_420] {strides = array<i32>} : memref<125x80xi32, #tpu.memory_space<vmem>>, vector<1x16xi32>,
        %get3A_422 = vector.shape_cast %get3A_421 : vector<1x16xi32> to vector<16xi32>
        %and3A_423 = arith.constant 65535 : i32
        %and3A_424 = vector.broadcast %and3A_423 : i32 to vector<16xi32>
        %and3A_425 = arith.andi %get3A_422, %and3A_424 : vector<16xi32>
        %swap3A_426 = arith.index_cast %rem3A_338 : i32 to index
        %swap3A_427 = arith.constant 64 : index
        %swap3A_428 = tpu.vector_load %arg7[%swap3A_426, %swap3A_427] {strides = array<i32>} : memref<3x80xi32, #tpu.memory_space<vmem>>, vector<1x16xi32>,
        %swap3A_429 = vector.shape_cast %swap3A_428 : vector<1x16xi32> to vector<16xi32>
        %swap3A_430 = vector.shape_cast %and3A_425 : vector<16xi32> to vector<1x16xi32>
        tpu.vector_store %arg7[%swap3A_426, %swap3A_427], %swap3A_430 {strides = array<i32>} : memref<3x80xi32, #tpu.memory_space<vmem>>, vector<1x16xi32>,
        %shift_right_logical3A_431 = arith.constant 16 : i32
        %shift_right_logical3A_432 = vector.broadcast %shift_right_logical3A_431 : i32 to vector<16xi32>
        %shift_right_logical3A_433 = arith.shrui %get3A_422, %shift_right_logical3A_432 : vector<16xi32>
        %swap3A_434 = arith.index_cast %rem3A_338 : i32 to index
        %swap3A_435 = arith.constant 64 : index
        %swap3A_436 = tpu.vector_load %arg8[%swap3A_434, %swap3A_435] {strides = array<i32>} : memref<3x80xi32, #tpu.memory_space<vmem>>, vector<1x16xi32>,
        %swap3A_437 = vector.shape_cast %swap3A_436 : vector<1x16xi32> to vector<16xi32>
        %swap3A_438 = vector.shape_cast %shift_right_logical3A_433 : vector<16xi32> to vector<1x16xi32>
        tpu.vector_store %arg8[%swap3A_434, %swap3A_435], %swap3A_438 {strides = array<i32>} : memref<3x80xi32, #tpu.memory_space<vmem>>, vector<1x16xi32>,
        %dma_start3A_439 = arith.constant 0 : i32
        %dma_start3A_440 = arith.constant 0 : i32
        %dma_start3A_441 = tpu.memref_slice %arg9[%rem3A_338, %dma_start3A_439, %dma_start3A_440] : memref<3x80x128xf32, #tpu.memory_space<vmem>> -> memref<1x80x128xf32, #tpu.memory_space<vmem>>
        %dma_start3A_442 = tpu.memref_squeeze %dma_start3A_441 : memref<1x80x128xf32, #tpu.memory_space<vmem>> -> memref<80x128xf32, #tpu.memory_space<vmem>>
        %dma_start3A_443 = arith.constant 0 : i32
        %dma_start3A_444 = tpu.memref_slice %arg7[%rem3A_338, %dma_start3A_443] : memref<3x80xi32, #tpu.memory_space<vmem>> -> memref<1x80xi32, #tpu.memory_space<vmem>>
        %dma_start3A_445 = tpu.memref_squeeze %dma_start3A_444 : memref<1x80xi32, #tpu.memory_space<vmem>> -> memref<80xi32, #tpu.memory_space<vmem>>
        %dma_start3A_446 = arith.constant 0 : i32
        %dma_start3A_447 = arith.constant 0 : i32
        %dma_start3A_448 = tpu.memref_slice %arg2[%arg0, %dma_start3A_446, %dma_start3A_447] : memref<2x10000x128xf32, #tpu.memory_space<hbm>> -> memref<1x10000x128xf32, #tpu.memory_space<hbm>>
        %dma_start3A_449 = tpu.memref_squeeze %dma_start3A_448 : memref<1x10000x128xf32, #tpu.memory_space<hbm>> -> memref<10000x128xf32, #tpu.memory_space<hbm>>
        %dma_start3A_450 = arith.constant 0 : i32
        %dma_start3A_451 = arith.constant 0 : i32
        %dma_start3A_452 = tpu.memref_slice %dma_start3A_449[%dma_start3A_450, %dma_start3A_451] : memref<10000x128xf32, #tpu.memory_space<hbm>> -> memref<10000x128xf32, #tpu.memory_space<hbm>>
        %dma_start3A_453 = tpu.memref_slice %arg11[%rem3A_338] : memref<3x!tpu.dma_semaphore, #tpu.memory_space<semaphore_mem>> -> memref<1x!tpu.dma_semaphore, #tpu.memory_space<semaphore_mem>>
        %dma_start3A_454 = tpu.memref_squeeze %dma_start3A_453 : memref<1x!tpu.dma_semaphore, #tpu.memory_space<semaphore_mem>> -> memref<!tpu.dma_semaphore, #tpu.memory_space<semaphore_mem>>
        tpu.enqueue_indirect_dma source(%dma_start3A_452 : memref<10000x128xf32, #tpu.memory_space<hbm>>) target(%dma_start3A_442 : memref<80x128xf32, #tpu.memory_space<vmem>>) offsets(%dma_start3A_445 : memref<80xi32, #tpu.memory_space<vmem>>) semaphore(%dma_start3A_454 : memref<!tpu.dma_semaphore, #tpu.memory_space<semaphore_mem>>)
      } else {
      }
      %rem3A_305 = arith.constant 3 : i32
      %rem3A_306 = arith.remsi %scan3A_295, %rem3A_305 : i32
      %dma_wait3A_307 = arith.constant 0 : i32
      %dma_wait3A_308 = arith.constant 0 : i32
      %dma_wait3A_309 = tpu.memref_slice %arg9[%rem3A_306, %dma_wait3A_307, %dma_wait3A_308] : memref<3x80x128xf32, #tpu.memory_space<vmem>> -> memref<1x80x128xf32, #tpu.memory_space<vmem>>
      %dma_wait3A_310 = tpu.memref_squeeze %dma_wait3A_309 : memref<1x80x128xf32, #tpu.memory_space<vmem>> -> memref<80x128xf32, #tpu.memory_space<vmem>>
      %dma_wait3A_311 = arith.constant 0 : i32
      %dma_wait3A_312 = tpu.memref_slice %arg7[%rem3A_306, %dma_wait3A_311] : memref<3x80xi32, #tpu.memory_space<vmem>> -> memref<1x80xi32, #tpu.memory_space<vmem>>
      %dma_wait3A_313 = tpu.memref_squeeze %dma_wait3A_312 : memref<1x80xi32, #tpu.memory_space<vmem>> -> memref<80xi32, #tpu.memory_space<vmem>>
      %dma_wait3A_314 = arith.constant 0 : i32
      %dma_wait3A_315 = arith.constant 0 : i32
      %dma_wait3A_316 = tpu.memref_slice %arg2[%arg0, %dma_wait3A_314, %dma_wait3A_315] : memref<2x10000x128xf32, #tpu.memory_space<hbm>> -> memref<1x10000x128xf32, #tpu.memory_space<hbm>>
      %dma_wait3A_317 = tpu.memref_squeeze %dma_wait3A_316 : memref<1x10000x128xf32, #tpu.memory_space<hbm>> -> memref<10000x128xf32, #tpu.memory_space<hbm>>
      %dma_wait3A_318 = arith.constant 0 : i32
      %dma_wait3A_319 = arith.constant 0 : i32
      %dma_wait3A_320 = tpu.memref_slice %dma_wait3A_317[%dma_wait3A_318, %dma_wait3A_319] : memref<10000x128xf32, #tpu.memory_space<hbm>> -> memref<10000x128xf32, #tpu.memory_space<hbm>>
      %dma_wait3A_321 = tpu.memref_slice %arg11[%rem3A_306] : memref<3x!tpu.dma_semaphore, #tpu.memory_space<semaphore_mem>> -> memref<1x!tpu.dma_semaphore, #tpu.memory_space<semaphore_mem>>
      %dma_wait3A_322 = tpu.memref_squeeze %dma_wait3A_321 : memref<1x!tpu.dma_semaphore, #tpu.memory_space<semaphore_mem>> -> memref<!tpu.dma_semaphore, #tpu.memory_space<semaphore_mem>>
      tpu.wait_indirect_dma semaphore(%dma_wait3A_322 : memref<!tpu.dma_semaphore, #tpu.memory_space<semaphore_mem>>) src(%dma_wait3A_320 : memref<10000x128xf32, #tpu.memory_space<hbm>>) dst(%dma_wait3A_310 : memref<80x128xf32, #tpu.memory_space<vmem>>)
      %dma_start3A_323 = arith.constant 0 : i32
      %dma_start3A_324 = arith.constant 0 : i32
      %dma_start3A_325 = tpu.memref_slice %arg9[%rem3A_306, %dma_start3A_323, %dma_start3A_324] : memref<3x80x128xf32, #tpu.memory_space<vmem>> -> memref<1x80x128xf32, #tpu.memory_space<vmem>>
      %dma_start3A_326 = tpu.memref_squeeze %dma_start3A_325 : memref<1x80x128xf32, #tpu.memory_space<vmem>> -> memref<80x128xf32, #tpu.memory_space<vmem>>
      %dma_start3A_327 = arith.constant 0 : i32
      %dma_start3A_328 = tpu.memref_slice %arg8[%rem3A_306, %dma_start3A_327] : memref<3x80xi32, #tpu.memory_space<vmem>> -> memref<1x80xi32, #tpu.memory_space<vmem>>
      %dma_start3A_329 = tpu.memref_squeeze %dma_start3A_328 : memref<1x80xi32, #tpu.memory_space<vmem>> -> memref<80xi32, #tpu.memory_space<vmem>>
      %dma_start3A_330 = arith.constant 0 : i32
      %dma_start3A_331 = arith.constant 0 : i32
      %dma_start3A_332 = tpu.memref_slice %arg10[%dma_start3A_330, %dma_start3A_331] : memref<10008x128xf32, #tpu.memory_space<vmem_shared>> -> memref<10008x128xf32, #tpu.memory_space<vmem_shared>>
      %dma_start3A_333 = tpu.memref_slice %arg12[%rem3A_306] : memref<3x!tpu.dma_semaphore, #tpu.memory_space<semaphore_mem>> -> memref<1x!tpu.dma_semaphore, #tpu.memory_space<semaphore_mem>>
      %dma_start3A_334 = tpu.memref_squeeze %dma_start3A_333 : memref<1x!tpu.dma_semaphore, #tpu.memory_space<semaphore_mem>> -> memref<!tpu.dma_semaphore, #tpu.memory_space<semaphore_mem>>
      tpu.enqueue_indirect_dma source(%dma_start3A_326 : memref<80x128xf32, #tpu.memory_space<vmem>>) target(%dma_start3A_332 : memref<10008x128xf32, #tpu.memory_space<vmem_shared>>) offsets(%dma_start3A_329 : memref<80xi32, #tpu.memory_space<vmem>>) semaphore(%dma_start3A_334 : memref<!tpu.dma_semaphore, #tpu.memory_space<semaphore_mem>>) {add = true}
    }
    %scan3A_269 = arith.constant 125 : i32
    %rem3A_270 = arith.constant 124 : i32
    %rem3A_271 = arith.constant 3 : i32
    %rem3A_272 = arith.remsi %rem3A_270, %rem3A_271 : i32
    %dma_wait3A_273 = arith.constant 0 : i32
    %dma_wait3A_274 = arith.constant 0 : i32
    %dma_wait3A_275 = tpu.memref_slice %arg9[%rem3A_272, %dma_wait3A_273, %dma_wait3A_274] : memref<3x80x128xf32, #tpu.memory_space<vmem>> -> memref<1x80x128xf32, #tpu.memory_space<vmem>>
    %dma_wait3A_276 = tpu.memref_squeeze %dma_wait3A_275 : memref<1x80x128xf32, #tpu.memory_space<vmem>> -> memref<80x128xf32, #tpu.memory_space<vmem>>
    %dma_wait3A_277 = arith.constant 0 : i32
    %dma_wait3A_278 = tpu.memref_slice %arg8[%rem3A_272, %dma_wait3A_277] : memref<3x80xi32, #tpu.memory_space<vmem>> -> memref<1x80xi32, #tpu.memory_space<vmem>>
    %dma_wait3A_279 = tpu.memref_squeeze %dma_wait3A_278 : memref<1x80xi32, #tpu.memory_space<vmem>> -> memref<80xi32, #tpu.memory_space<vmem>>
    %dma_wait3A_280 = arith.constant 0 : i32
    %dma_wait3A_281 = arith.constant 0 : i32
    %dma_wait3A_282 = tpu.memref_slice %arg10[%dma_wait3A_280, %dma_wait3A_281] : memref<10008x128xf32, #tpu.memory_space<vmem_shared>> -> memref<10008x128xf32, #tpu.memory_space<vmem_shared>>
    %dma_wait3A_283 = tpu.memref_slice %arg12[%rem3A_272] : memref<3x!tpu.dma_semaphore, #tpu.memory_space<semaphore_mem>> -> memref<1x!tpu.dma_semaphore, #tpu.memory_space<semaphore_mem>>
    %dma_wait3A_284 = tpu.memref_squeeze %dma_wait3A_283 : memref<1x!tpu.dma_semaphore, #tpu.memory_space<semaphore_mem>> -> memref<!tpu.dma_semaphore, #tpu.memory_space<semaphore_mem>>
    tpu.wait_indirect_dma semaphore(%dma_wait3A_284 : memref<!tpu.dma_semaphore, #tpu.memory_space<semaphore_mem>>) src(%dma_wait3A_276 : memref<80x128xf32, #tpu.memory_space<vmem>>) dst(%dma_wait3A_282 : memref<10008x128xf32, #tpu.memory_space<vmem_shared>>)
    %barrier3A_285 = arith.constant 0 : index
    tpu.barrier barrier_id(%barrier3A_285)
    %mul3A_286 = arith.constant 624 : i32
    %mul3A_287 = arith.muli %arg1, %mul3A_286 : i32
    %mul3A_288 = arith.constant 624 : i32
    %mul3A_289 = arith.muli %arg1, %mul3A_288 : i32
    "tpu.region"() ({
      %run_scoped3A = tpu.sem_alloc : memref<!tpu.dma_semaphore, #tpu.memory_space<semaphore_mem>>
      %dma_start3A_295 = arith.constant 0 : i32
      %dma_start3A_296 = tpu.memref_slice %arg5[%arg0, %mul3A_289, %dma_start3A_295] : memref<2x10000x128xf32, #tpu.memory_space<hbm>> -> memref<1x624x128xf32, #tpu.memory_space<hbm>>
      %dma_start3A_297 = tpu.memref_squeeze %dma_start3A_296 : memref<1x624x128xf32, #tpu.memory_space<hbm>> -> memref<624x128xf32, #tpu.memory_space<hbm>>
      %dma_start3A_298 = arith.constant 0 : i32
      %dma_start3A_299 = tpu.memref_slice %arg10[%mul3A_287, %dma_start3A_298] : memref<10008x128xf32, #tpu.memory_space<vmem_shared>> -> memref<624x128xf32, #tpu.memory_space<vmem_shared>>
      tpu.enqueue_dma source(%dma_start3A_299 : memref<624x128xf32, #tpu.memory_space<vmem_shared>>) target(%dma_start3A_297 : memref<624x128xf32, #tpu.memory_space<hbm>>) target_semaphore(%run_scoped3A : memref<!tpu.dma_semaphore, #tpu.memory_space<semaphore_mem>>)
      %dma_wait3A_300 = arith.constant 0 : i32
      %dma_wait3A_301 = tpu.memref_slice %arg5[%arg0, %mul3A_289, %dma_wait3A_300] : memref<2x10000x128xf32, #tpu.memory_space<hbm>> -> memref<1x624x128xf32, #tpu.memory_space<hbm>>
      %dma_wait3A_302 = tpu.memref_squeeze %dma_wait3A_301 : memref<1x624x128xf32, #tpu.memory_space<hbm>> -> memref<624x128xf32, #tpu.memory_space<hbm>>
      %dma_wait3A_303 = arith.constant 0 : i32
      %dma_wait3A_304 = tpu.memref_slice %arg10[%mul3A_287, %dma_wait3A_303] : memref<10008x128xf32, #tpu.memory_space<vmem_shared>> -> memref<624x128xf32, #tpu.memory_space<vmem_shared>>
      tpu.wait_dma2 semaphore(%run_scoped3A : memref<!tpu.dma_semaphore, #tpu.memory_space<semaphore_mem>>) src(%dma_wait3A_304 : memref<624x128xf32, #tpu.memory_space<vmem_shared>>) dst(%dma_wait3A_302 : memref<624x128xf32, #tpu.memory_space<hbm>>)
      tpu.yield
    }) : () -> ()
    %eq3A_290 = arith.constant 15 : i32
    %eq3A_291 = arith.cmpi eq, %arg1, %eq3A_290 : i32
    %convert_element_type3A_292 = arith.extui %eq3A_291 : i1 to i32
    %cond3A_293 = arith.constant 0 : i32
    %cond3A_294 = arith.cmpi ne, %convert_element_type3A_292, %cond3A_293 : i32
    scf.if %cond3A_294 {
      "tpu.region"() ({
        %run_scoped3A = tpu.sem_alloc : memref<!tpu.dma_semaphore, #tpu.memory_space<semaphore_mem>>
        %dma_start3A_295 = arith.constant 9984 : i32
        %dma_start3A_296 = arith.constant 0 : i32
        %dma_start3A_297 = tpu.memref_slice %arg5[%arg0, %dma_start3A_295, %dma_start3A_296] : memref<2x10000x128xf32, #tpu.memory_space<hbm>> -> memref<1x16x128xf32, #tpu.memory_space<hbm>>
        %dma_start3A_298 = tpu.memref_squeeze %dma_start3A_297 : memref<1x16x128xf32, #tpu.memory_space<hbm>> -> memref<16x128xf32, #tpu.memory_space<hbm>>
        %dma_start3A_299 = arith.constant 9984 : i32
        %dma_start3A_300 = arith.constant 0 : i32
        %dma_start3A_301 = tpu.memref_slice %arg10[%dma_start3A_299, %dma_start3A_300] : memref<10008x128xf32, #tpu.memory_space<vmem_shared>> -> memref<16x128xf32, #tpu.memory_space<vmem_shared>>
        tpu.enqueue_dma source(%dma_start3A_301 : memref<16x128xf32, #tpu.memory_space<vmem_shared>>) target(%dma_start3A_298 : memref<16x128xf32, #tpu.memory_space<hbm>>) target_semaphore(%run_scoped3A : memref<!tpu.dma_semaphore, #tpu.memory_space<semaphore_mem>>)
        %dma_wait3A_302 = arith.constant 9984 : i32
        %dma_wait3A_303 = arith.constant 0 : i32
        %dma_wait3A_304 = tpu.memref_slice %arg5[%arg0, %dma_wait3A_302, %dma_wait3A_303] : memref<2x10000x128xf32, #tpu.memory_space<hbm>> -> memref<1x16x128xf32, #tpu.memory_space<hbm>>
        %dma_wait3A_305 = tpu.memref_squeeze %dma_wait3A_304 : memref<1x16x128xf32, #tpu.memory_space<hbm>> -> memref<16x128xf32, #tpu.memory_space<hbm>>
        %dma_wait3A_306 = arith.constant 9984 : i32
        %dma_wait3A_307 = arith.constant 0 : i32
        %dma_wait3A_308 = tpu.memref_slice %arg10[%dma_wait3A_306, %dma_wait3A_307] : memref<10008x128xf32, #tpu.memory_space<vmem_shared>> -> memref<16x128xf32, #tpu.memory_space<vmem_shared>>
        tpu.wait_dma2 semaphore(%run_scoped3A : memref<!tpu.dma_semaphore, #tpu.memory_space<semaphore_mem>>) src(%dma_wait3A_308 : memref<16x128xf32, #tpu.memory_space<vmem_shared>>) dst(%dma_wait3A_305 : memref<16x128xf32, #tpu.memory_space<hbm>>)
        tpu.yield
      }) : () -> ()
    } else {
    }
    return
  }
}

#map = affine_map<(d0, d1) -> (0, 0, 0)>
module attributes {stable_mosaic.version = 14 : i64} {
  func.func @_sc_aggregate(%arg0: i32, %arg1: i32, %arg2: memref<2x10000x128xf32, #tpu.memory_space<hbm>>, %arg3: memref<2x10000x128xf32, #tpu.memory_space<hbm>>, %arg4: memref<16x125x80xi32, #tpu.memory_space<hbm>>, %arg5: memref<2x10000x128xf32, #tpu.memory_space<hbm>>, %arg6: memref<125x80xi32, #tpu.memory_space<vmem>>, %arg7: memref<3x80xi32, #tpu.memory_space<vmem>>, %arg8: memref<3x80xi32, #tpu.memory_space<vmem>>, %arg9: memref<3x80x128xf32, #tpu.memory_space<vmem>>, %arg10: memref<10008x128xf32, #tpu.memory_space<vmem_shared>>, %arg11: memref<3x!tpu.dma_semaphore, #tpu.memory_space<semaphore_mem>>, %arg12: memref<3x!tpu.dma_semaphore, #tpu.memory_space<semaphore_mem>>, %arg13: memref<!tpu.dma_semaphore, #tpu.memory_space<semaphore_mem>>) attributes {dimension_semantics = [#tpu.dimension_semantics<core_parallel>, #tpu.dimension_semantics<subcore_parallel>], iteration_bounds = array<i64: 2, 16>, scalar_prefetch = 0 : i64, scratch_operands = 8 : i64, tpu.core_type = #tpu.core_type<sc_vector_subcore>, window_params = [{transform_indices = #map}, {transform_indices = #map}, {transform_indices = #map}, {transform_indices = #map}]} {
    %mul3A = arith.constant 624 : i32
    %mul3A_0 = arith.muli %arg1, %mul3A : i32
    %mul3A_1 = arith.constant 624 : i32
    %mul3A_2 = arith.muli %arg1, %mul3A_1 : i32
    %dma_start3A = arith.constant 0 : i32
    %dma_start3A_3 = tpu.memref_slice %arg10[%mul3A_2, %dma_start3A] : memref<10008x128xf32, #tpu.memory_space<vmem_shared>> -> memref<624x128xf32, #tpu.memory_space<vmem_shared>>
    %dma_start3A_4 = arith.constant 0 : i32
    %dma_start3A_5 = tpu.memref_slice %arg3[%arg0, %mul3A_0, %dma_start3A_4] : memref<2x10000x128xf32, #tpu.memory_space<hbm>> -> memref<1x624x128xf32, #tpu.memory_space<hbm>>
    %dma_start3A_6 = tpu.memref_squeeze %dma_start3A_5 : memref<1x624x128xf32, #tpu.memory_space<hbm>> -> memref<624x128xf32, #tpu.memory_space<hbm>>
    tpu.enqueue_dma source(%dma_start3A_6 : memref<624x128xf32, #tpu.memory_space<hbm>>) target(%dma_start3A_3 : memref<624x128xf32, #tpu.memory_space<vmem_shared>>) target_semaphore(%arg13 : memref<!tpu.dma_semaphore, #tpu.memory_space<semaphore_mem>>)
    %eq3A = arith.constant 15 : i32
    %eq3A_7 = arith.cmpi eq, %arg1, %eq3A : i32
    %convert_element_type3A = arith.extui %eq3A_7 : i1 to i32
    %cond3A = arith.constant 0 : i32
    %cond3A_8 = arith.cmpi ne, %convert_element_type3A, %cond3A : i32
    scf.if %cond3A_8 {
      %dma_start3A_295 = arith.constant 9984 : i32
      %dma_start3A_296 = arith.constant 0 : i32
      %dma_start3A_297 = tpu.memref_slice %arg10[%dma_start3A_295, %dma_start3A_296] : memref<10008x128xf32, #tpu.memory_space<vmem_shared>> -> memref<16x128xf32, #tpu.memory_space<vmem_shared>>
      %dma_start3A_298 = arith.constant 9984 : i32
      %dma_start3A_299 = arith.constant 0 : i32
      %dma_start3A_300 = tpu.memref_slice %arg3[%arg0, %dma_start3A_298, %dma_start3A_299] : memref<2x10000x128xf32, #tpu.memory_space<hbm>> -> memref<1x16x128xf32, #tpu.memory_space<hbm>>
      %dma_start3A_301 = tpu.memref_squeeze %dma_start3A_300 : memref<1x16x128xf32, #tpu.memory_space<hbm>> -> memref<16x128xf32, #tpu.memory_space<hbm>>
      tpu.enqueue_dma source(%dma_start3A_301 : memref<16x128xf32, #tpu.memory_space<hbm>>) target(%dma_start3A_297 : memref<16x128xf32, #tpu.memory_space<vmem_shared>>) target_semaphore(%arg13 : memref<!tpu.dma_semaphore, #tpu.memory_space<semaphore_mem>>)
    } else {
    }
    "tpu.region"() ({
      %run_scoped3A = tpu.sem_alloc : memref<!tpu.dma_semaphore, #tpu.memory_space<semaphore_mem>>
      %dma_start3A_295 = arith.constant 0 : i32
      %dma_start3A_296 = arith.constant 0 : i32
      %dma_start3A_297 = tpu.memref_slice %arg4[%arg1, %dma_start3A_295, %dma_start3A_296] : memref<16x125x80xi32, #tpu.memory_space<hbm>> -> memref<1x125x80xi32, #tpu.memory_space<hbm>>
      %dma_start3A_298 = tpu.memref_squeeze %dma_start3A_297 : memref<1x125x80xi32, #tpu.memory_space<hbm>> -> memref<125x80xi32, #tpu.memory_space<hbm>>
      %dma_start3A_299 = arith.constant 0 : i32
      %dma_start3A_300 = arith.constant 0 : i32
      %dma_start3A_301 = tpu.memref_slice %arg4[%arg1, %dma_start3A_299, %dma_start3A_300] : memref<16x125x80xi32, #tpu.memory_space<hbm>> -> memref<1x125x80xi32, #tpu.memory_space<hbm>>
      %dma_start3A_302 = tpu.memref_squeeze %dma_start3A_301 : memref<1x125x80xi32, #tpu.memory_space<hbm>> -> memref<125x80xi32, #tpu.memory_space<hbm>>
      tpu.enqueue_dma source(%dma_start3A_302 : memref<125x80xi32, #tpu.memory_space<hbm>>) target(%arg6 : memref<125x80xi32, #tpu.memory_space<vmem>>) target_semaphore(%run_scoped3A : memref<!tpu.dma_semaphore, #tpu.memory_space<semaphore_mem>>)
      %dma_wait3A_303 = arith.constant 0 : i32
      %dma_wait3A_304 = arith.constant 0 : i32
      %dma_wait3A_305 = tpu.memref_slice %arg4[%arg1, %dma_wait3A_303, %dma_wait3A_304] : memref<16x125x80xi32, #tpu.memory_space<hbm>> -> memref<1x125x80xi32, #tpu.memory_space<hbm>>
      %dma_wait3A_306 = tpu.memref_squeeze %dma_wait3A_305 : memref<1x125x80xi32, #tpu.memory_space<hbm>> -> memref<125x80xi32, #tpu.memory_space<hbm>>
      %dma_wait3A_307 = arith.constant 0 : i32
      %dma_wait3A_308 = arith.constant 0 : i32
      %dma_wait3A_309 = tpu.memref_slice %arg4[%arg1, %dma_wait3A_307, %dma_wait3A_308] : memref<16x125x80xi32, #tpu.memory_space<hbm>> -> memref<1x125x80xi32, #tpu.memory_space<hbm>>
      %dma_wait3A_310 = tpu.memref_squeeze %dma_wait3A_309 : memref<1x125x80xi32, #tpu.memory_space<hbm>> -> memref<125x80xi32, #tpu.memory_space<hbm>>
      tpu.wait_dma2 semaphore(%run_scoped3A : memref<!tpu.dma_semaphore, #tpu.memory_space<semaphore_mem>>) src(%dma_wait3A_310 : memref<125x80xi32, #tpu.memory_space<hbm>>) dst(%arg6 : memref<125x80xi32, #tpu.memory_space<vmem>>)
      tpu.yield
    }) : () -> ()
    %rem3A = arith.constant 0 : i32
    %rem3A_9 = arith.constant 3 : i32
    %rem3A_10 = arith.remsi %rem3A, %rem3A_9 : i32
    %get3A = arith.constant 0 : i32
    %get3A_11 = arith.index_cast %get3A : i32 to index
    %get3A_12 = arith.constant 0 : index
    %get3A_13 = tpu.vector_load %arg6[%get3A_11, %get3A_12] {strides = array<i32>} : memref<125x80xi32, #tpu.memory_space<vmem>>, vector<1x16xi32>,
    %get3A_14 = vector.shape_cast %get3A_13 : vector<1x16xi32> to vector<16xi32>
    %and3A = arith.constant 65535 : i32
    %and3A_15 = vector.broadcast %and3A : i32 to vector<16xi32>
    %and3A_16 = arith.andi %get3A_14, %and3A_15 : vector<16xi32>
    %swap3A = arith.index_cast %rem3A_10 : i32 to index
    %swap3A_17 = arith.constant 0 : index
    %swap3A_18 = tpu.vector_load %arg7[%swap3A, %swap3A_17] {strides = array<i32>} : memref<3x80xi32, #tpu.memory_space<vmem>>, vector<1x16xi32>,
    %swap3A_19 = vector.shape_cast %swap3A_18 : vector<1x16xi32> to vector<16xi32>
    %swap3A_20 = vector.shape_cast %and3A_16 : vector<16xi32> to vector<1x16xi32>
    tpu.vector_store %arg7[%swap3A, %swap3A_17], %swap3A_20 {strides = array<i32>} : memref<3x80xi32, #tpu.memory_space<vmem>>, vector<1x16xi32>,
    %shift_right_logical3A = arith.constant 16 : i32
    %shift_right_logical3A_21 = vector.broadcast %shift_right_logical3A : i32 to vector<16xi32>
    %shift_right_logical3A_22 = arith.shrui %get3A_14, %shift_right_logical3A_21 : vector<16xi32>
    %swap3A_23 = arith.index_cast %rem3A_10 : i32 to index
    %swap3A_24 = arith.constant 0 : index
    %swap3A_25 = tpu.vector_load %arg8[%swap3A_23, %swap3A_24] {strides = array<i32>} : memref<3x80xi32, #tpu.memory_space<vmem>>, vector<1x16xi32>,
    %swap3A_26 = vector.shape_cast %swap3A_25 : vector<1x16xi32> to vector<16xi32>
    %swap3A_27 = vector.shape_cast %shift_right_logical3A_22 : vector<16xi32> to vector<1x16xi32>
    tpu.vector_store %arg8[%swap3A_23, %swap3A_24], %swap3A_27 {strides = array<i32>} : memref<3x80xi32, #tpu.memory_space<vmem>>, vector<1x16xi32>,
    %get3A_28 = arith.constant 0 : i32
    %get3A_29 = arith.index_cast %get3A_28 : i32 to index
    %get3A_30 = arith.constant 16 : index
    %get3A_31 = tpu.vector_load %arg6[%get3A_29, %get3A_30] {strides = array<i32>} : memref<125x80xi32, #tpu.memory_space<vmem>>, vector<1x16xi32>,
    %get3A_32 = vector.shape_cast %get3A_31 : vector<1x16xi32> to vector<16xi32>
    %and3A_33 = arith.constant 65535 : i32
    %and3A_34 = vector.broadcast %and3A_33 : i32 to vector<16xi32>
    %and3A_35 = arith.andi %get3A_32, %and3A_34 : vector<16xi32>
    %swap3A_36 = arith.index_cast %rem3A_10 : i32 to index
    %swap3A_37 = arith.constant 16 : index
    %swap3A_38 = tpu.vector_load %arg7[%swap3A_36, %swap3A_37] {strides = array<i32>} : memref<3x80xi32, #tpu.memory_space<vmem>>, vector<1x16xi32>,
    %swap3A_39 = vector.shape_cast %swap3A_38 : vector<1x16xi32> to vector<16xi32>
    %swap3A_40 = vector.shape_cast %and3A_35 : vector<16xi32> to vector<1x16xi32>
    tpu.vector_store %arg7[%swap3A_36, %swap3A_37], %swap3A_40 {strides = array<i32>} : memref<3x80xi32, #tpu.memory_space<vmem>>, vector<1x16xi32>,
    %shift_right_logical3A_41 = arith.constant 16 : i32
    %shift_right_logical3A_42 = vector.broadcast %shift_right_logical3A_41 : i32 to vector<16xi32>
    %shift_right_logical3A_43 = arith.shrui %get3A_32, %shift_right_logical3A_42 : vector<16xi32>
    %swap3A_44 = arith.index_cast %rem3A_10 : i32 to index
    %swap3A_45 = arith.constant 16 : index
    %swap3A_46 = tpu.vector_load %arg8[%swap3A_44, %swap3A_45] {strides = array<i32>} : memref<3x80xi32, #tpu.memory_space<vmem>>, vector<1x16xi32>,
    %swap3A_47 = vector.shape_cast %swap3A_46 : vector<1x16xi32> to vector<16xi32>
    %swap3A_48 = vector.shape_cast %shift_right_logical3A_43 : vector<16xi32> to vector<1x16xi32>
    tpu.vector_store %arg8[%swap3A_44, %swap3A_45], %swap3A_48 {strides = array<i32>} : memref<3x80xi32, #tpu.memory_space<vmem>>, vector<1x16xi32>,
    %get3A_49 = arith.constant 0 : i32
    %get3A_50 = arith.index_cast %get3A_49 : i32 to index
    %get3A_51 = arith.constant 32 : index
    %get3A_52 = tpu.vector_load %arg6[%get3A_50, %get3A_51] {strides = array<i32>} : memref<125x80xi32, #tpu.memory_space<vmem>>, vector<1x16xi32>,
    %get3A_53 = vector.shape_cast %get3A_52 : vector<1x16xi32> to vector<16xi32>
    %and3A_54 = arith.constant 65535 : i32
    %and3A_55 = vector.broadcast %and3A_54 : i32 to vector<16xi32>
    %and3A_56 = arith.andi %get3A_53, %and3A_55 : vector<16xi32>
    %swap3A_57 = arith.index_cast %rem3A_10 : i32 to index
    %swap3A_58 = arith.constant 32 : index
    %swap3A_59 = tpu.vector_load %arg7[%swap3A_57, %swap3A_58] {strides = array<i32>} : memref<3x80xi32, #tpu.memory_space<vmem>>, vector<1x16xi32>,
    %swap3A_60 = vector.shape_cast %swap3A_59 : vector<1x16xi32> to vector<16xi32>
    %swap3A_61 = vector.shape_cast %and3A_56 : vector<16xi32> to vector<1x16xi32>
    tpu.vector_store %arg7[%swap3A_57, %swap3A_58], %swap3A_61 {strides = array<i32>} : memref<3x80xi32, #tpu.memory_space<vmem>>, vector<1x16xi32>,
    %shift_right_logical3A_62 = arith.constant 16 : i32
    %shift_right_logical3A_63 = vector.broadcast %shift_right_logical3A_62 : i32 to vector<16xi32>
    %shift_right_logical3A_64 = arith.shrui %get3A_53, %shift_right_logical3A_63 : vector<16xi32>
    %swap3A_65 = arith.index_cast %rem3A_10 : i32 to index
    %swap3A_66 = arith.constant 32 : index
    %swap3A_67 = tpu.vector_load %arg8[%swap3A_65, %swap3A_66] {strides = array<i32>} : memref<3x80xi32, #tpu.memory_space<vmem>>, vector<1x16xi32>,
    %swap3A_68 = vector.shape_cast %swap3A_67 : vector<1x16xi32> to vector<16xi32>
    %swap3A_69 = vector.shape_cast %shift_right_logical3A_64 : vector<16xi32> to vector<1x16xi32>
    tpu.vector_store %arg8[%swap3A_65, %swap3A_66], %swap3A_69 {strides = array<i32>} : memref<3x80xi32, #tpu.memory_space<vmem>>, vector<1x16xi32>,
    %get3A_70 = arith.constant 0 : i32
    %get3A_71 = arith.index_cast %get3A_70 : i32 to index
    %get3A_72 = arith.constant 48 : index
    %get3A_73 = tpu.vector_load %arg6[%get3A_71, %get3A_72] {strides = array<i32>} : memref<125x80xi32, #tpu.memory_space<vmem>>, vector<1x16xi32>,
    %get3A_74 = vector.shape_cast %get3A_73 : vector<1x16xi32> to vector<16xi32>
    %and3A_75 = arith.constant 65535 : i32
    %and3A_76 = vector.broadcast %and3A_75 : i32 to vector<16xi32>
    %and3A_77 = arith.andi %get3A_74, %and3A_76 : vector<16xi32>
    %swap3A_78 = arith.index_cast %rem3A_10 : i32 to index
    %swap3A_79 = arith.constant 48 : index
    %swap3A_80 = tpu.vector_load %arg7[%swap3A_78, %swap3A_79] {strides = array<i32>} : memref<3x80xi32, #tpu.memory_space<vmem>>, vector<1x16xi32>,
    %swap3A_81 = vector.shape_cast %swap3A_80 : vector<1x16xi32> to vector<16xi32>
    %swap3A_82 = vector.shape_cast %and3A_77 : vector<16xi32> to vector<1x16xi32>
    tpu.vector_store %arg7[%swap3A_78, %swap3A_79], %swap3A_82 {strides = array<i32>} : memref<3x80xi32, #tpu.memory_space<vmem>>, vector<1x16xi32>,
    %shift_right_logical3A_83 = arith.constant 16 : i32
    %shift_right_logical3A_84 = vector.broadcast %shift_right_logical3A_83 : i32 to vector<16xi32>
    %shift_right_logical3A_85 = arith.shrui %get3A_74, %shift_right_logical3A_84 : vector<16xi32>
    %swap3A_86 = arith.index_cast %rem3A_10 : i32 to index
    %swap3A_87 = arith.constant 48 : index
    %swap3A_88 = tpu.vector_load %arg8[%swap3A_86, %swap3A_87] {strides = array<i32>} : memref<3x80xi32, #tpu.memory_space<vmem>>, vector<1x16xi32>,
    %swap3A_89 = vector.shape_cast %swap3A_88 : vector<1x16xi32> to vector<16xi32>
    %swap3A_90 = vector.shape_cast %shift_right_logical3A_85 : vector<16xi32> to vector<1x16xi32>
    tpu.vector_store %arg8[%swap3A_86, %swap3A_87], %swap3A_90 {strides = array<i32>} : memref<3x80xi32, #tpu.memory_space<vmem>>, vector<1x16xi32>,
    %get3A_91 = arith.constant 0 : i32
    %get3A_92 = arith.index_cast %get3A_91 : i32 to index
    %get3A_93 = arith.constant 64 : index
    %get3A_94 = tpu.vector_load %arg6[%get3A_92, %get3A_93] {strides = array<i32>} : memref<125x80xi32, #tpu.memory_space<vmem>>, vector<1x16xi32>,
    %get3A_95 = vector.shape_cast %get3A_94 : vector<1x16xi32> to vector<16xi32>
    %and3A_96 = arith.constant 65535 : i32
    %and3A_97 = vector.broadcast %and3A_96 : i32 to vector<16xi32>
    %and3A_98 = arith.andi %get3A_95, %and3A_97 : vector<16xi32>
    %swap3A_99 = arith.index_cast %rem3A_10 : i32 to index
    %swap3A_100 = arith.constant 64 : index
    %swap3A_101 = tpu.vector_load %arg7[%swap3A_99, %swap3A_100] {strides = array<i32>} : memref<3x80xi32, #tpu.memory_space<vmem>>, vector<1x16xi32>,
    %swap3A_102 = vector.shape_cast %swap3A_101 : vector<1x16xi32> to vector<16xi32>
    %swap3A_103 = vector.shape_cast %and3A_98 : vector<16xi32> to vector<1x16xi32>
    tpu.vector_store %arg7[%swap3A_99, %swap3A_100], %swap3A_103 {strides = array<i32>} : memref<3x80xi32, #tpu.memory_space<vmem>>, vector<1x16xi32>,
    %shift_right_logical3A_104 = arith.constant 16 : i32
    %shift_right_logical3A_105 = vector.broadcast %shift_right_logical3A_104 : i32 to vector<16xi32>
    %shift_right_logical3A_106 = arith.shrui %get3A_95, %shift_right_logical3A_105 : vector<16xi32>
    %swap3A_107 = arith.index_cast %rem3A_10 : i32 to index
    %swap3A_108 = arith.constant 64 : index
    %swap3A_109 = tpu.vector_load %arg8[%swap3A_107, %swap3A_108] {strides = array<i32>} : memref<3x80xi32, #tpu.memory_space<vmem>>, vector<1x16xi32>,
    %swap3A_110 = vector.shape_cast %swap3A_109 : vector<1x16xi32> to vector<16xi32>
    %swap3A_111 = vector.shape_cast %shift_right_logical3A_106 : vector<16xi32> to vector<1x16xi32>
    tpu.vector_store %arg8[%swap3A_107, %swap3A_108], %swap3A_111 {strides = array<i32>} : memref<3x80xi32, #tpu.memory_space<vmem>>, vector<1x16xi32>,
    %dma_start3A_112 = arith.constant 0 : i32
    %dma_start3A_113 = arith.constant 0 : i32
    %dma_start3A_114 = tpu.memref_slice %arg9[%rem3A_10, %dma_start3A_112, %dma_start3A_113] : memref<3x80x128xf32, #tpu.memory_space<vmem>> -> memref<1x80x128xf32, #tpu.memory_space<vmem>>
    %dma_start3A_115 = tpu.memref_squeeze %dma_start3A_114 : memref<1x80x128xf32, #tpu.memory_space<vmem>> -> memref<80x128xf32, #tpu.memory_space<vmem>>
    %dma_start3A_116 = arith.constant 0 : i32
    %dma_start3A_117 = tpu.memref_slice %arg7[%rem3A_10, %dma_start3A_116] : memref<3x80xi32, #tpu.memory_space<vmem>> -> memref<1x80xi32, #tpu.memory_space<vmem>>
    %dma_start3A_118 = tpu.memref_squeeze %dma_start3A_117 : memref<1x80xi32, #tpu.memory_space<vmem>> -> memref<80xi32, #tpu.memory_space<vmem>>
    %dma_start3A_119 = arith.constant 0 : i32
    %dma_start3A_120 = arith.constant 0 : i32
    %dma_start3A_121 = tpu.memref_slice %arg2[%arg0, %dma_start3A_119, %dma_start3A_120] : memref<2x10000x128xf32, #tpu.memory_space<hbm>> -> memref<1x10000x128xf32, #tpu.memory_space<hbm>>
    %dma_start3A_122 = tpu.memref_squeeze %dma_start3A_121 : memref<1x10000x128xf32, #tpu.memory_space<hbm>> -> memref<10000x128xf32, #tpu.memory_space<hbm>>
    %dma_start3A_123 = arith.constant 0 : i32
    %dma_start3A_124 = arith.constant 0 : i32
    %dma_start3A_125 = tpu.memref_slice %dma_start3A_122[%dma_start3A_123, %dma_start3A_124] : memref<10000x128xf32, #tpu.memory_space<hbm>> -> memref<10000x128xf32, #tpu.memory_space<hbm>>
    %dma_start3A_126 = tpu.memref_slice %arg11[%rem3A_10] : memref<3x!tpu.dma_semaphore, #tpu.memory_space<semaphore_mem>> -> memref<1x!tpu.dma_semaphore, #tpu.memory_space<semaphore_mem>>
    %dma_start3A_127 = tpu.memref_squeeze %dma_start3A_126 : memref<1x!tpu.dma_semaphore, #tpu.memory_space<semaphore_mem>> -> memref<!tpu.dma_semaphore, #tpu.memory_space<semaphore_mem>>
    tpu.enqueue_indirect_dma source(%dma_start3A_125 : memref<10000x128xf32, #tpu.memory_space<hbm>>) target(%dma_start3A_115 : memref<80x128xf32, #tpu.memory_space<vmem>>) offsets(%dma_start3A_118 : memref<80xi32, #tpu.memory_space<vmem>>) semaphore(%dma_start3A_127 : memref<!tpu.dma_semaphore, #tpu.memory_space<semaphore_mem>>)
    %rem3A_128 = arith.constant 1 : i32
    %rem3A_129 = arith.constant 3 : i32
    %rem3A_130 = arith.remsi %rem3A_128, %rem3A_129 : i32
    %get3A_131 = arith.constant 1 : i32
    %get3A_132 = arith.index_cast %get3A_131 : i32 to index
    %get3A_133 = arith.constant 0 : index
    %get3A_134 = tpu.vector_load %arg6[%get3A_132, %get3A_133] {strides = array<i32>} : memref<125x80xi32, #tpu.memory_space<vmem>>, vector<1x16xi32>,
    %get3A_135 = vector.shape_cast %get3A_134 : vector<1x16xi32> to vector<16xi32>
    %and3A_136 = arith.constant 65535 : i32
    %and3A_137 = vector.broadcast %and3A_136 : i32 to vector<16xi32>
    %and3A_138 = arith.andi %get3A_135, %and3A_137 : vector<16xi32>
    %swap3A_139 = arith.index_cast %rem3A_130 : i32 to index
    %swap3A_140 = arith.constant 0 : index
    %swap3A_141 = tpu.vector_load %arg7[%swap3A_139, %swap3A_140] {strides = array<i32>} : memref<3x80xi32, #tpu.memory_space<vmem>>, vector<1x16xi32>,
    %swap3A_142 = vector.shape_cast %swap3A_141 : vector<1x16xi32> to vector<16xi32>
    %swap3A_143 = vector.shape_cast %and3A_138 : vector<16xi32> to vector<1x16xi32>
    tpu.vector_store %arg7[%swap3A_139, %swap3A_140], %swap3A_143 {strides = array<i32>} : memref<3x80xi32, #tpu.memory_space<vmem>>, vector<1x16xi32>,
    %shift_right_logical3A_144 = arith.constant 16 : i32
    %shift_right_logical3A_145 = vector.broadcast %shift_right_logical3A_144 : i32 to vector<16xi32>
    %shift_right_logical3A_146 = arith.shrui %get3A_135, %shift_right_logical3A_145 : vector<16xi32>
    %swap3A_147 = arith.index_cast %rem3A_130 : i32 to index
    %swap3A_148 = arith.constant 0 : index
    %swap3A_149 = tpu.vector_load %arg8[%swap3A_147, %swap3A_148] {strides = array<i32>} : memref<3x80xi32, #tpu.memory_space<vmem>>, vector<1x16xi32>,
    %swap3A_150 = vector.shape_cast %swap3A_149 : vector<1x16xi32> to vector<16xi32>
    %swap3A_151 = vector.shape_cast %shift_right_logical3A_146 : vector<16xi32> to vector<1x16xi32>
    tpu.vector_store %arg8[%swap3A_147, %swap3A_148], %swap3A_151 {strides = array<i32>} : memref<3x80xi32, #tpu.memory_space<vmem>>, vector<1x16xi32>,
    %get3A_152 = arith.constant 1 : i32
    %get3A_153 = arith.index_cast %get3A_152 : i32 to index
    %get3A_154 = arith.constant 16 : index
    %get3A_155 = tpu.vector_load %arg6[%get3A_153, %get3A_154] {strides = array<i32>} : memref<125x80xi32, #tpu.memory_space<vmem>>, vector<1x16xi32>,
    %get3A_156 = vector.shape_cast %get3A_155 : vector<1x16xi32> to vector<16xi32>
    %and3A_157 = arith.constant 65535 : i32
    %and3A_158 = vector.broadcast %and3A_157 : i32 to vector<16xi32>
    %and3A_159 = arith.andi %get3A_156, %and3A_158 : vector<16xi32>
    %swap3A_160 = arith.index_cast %rem3A_130 : i32 to index
    %swap3A_161 = arith.constant 16 : index
    %swap3A_162 = tpu.vector_load %arg7[%swap3A_160, %swap3A_161] {strides = array<i32>} : memref<3x80xi32, #tpu.memory_space<vmem>>, vector<1x16xi32>,
    %swap3A_163 = vector.shape_cast %swap3A_162 : vector<1x16xi32> to vector<16xi32>
    %swap3A_164 = vector.shape_cast %and3A_159 : vector<16xi32> to vector<1x16xi32>
    tpu.vector_store %arg7[%swap3A_160, %swap3A_161], %swap3A_164 {strides = array<i32>} : memref<3x80xi32, #tpu.memory_space<vmem>>, vector<1x16xi32>,
    %shift_right_logical3A_165 = arith.constant 16 : i32
    %shift_right_logical3A_166 = vector.broadcast %shift_right_logical3A_165 : i32 to vector<16xi32>
    %shift_right_logical3A_167 = arith.shrui %get3A_156, %shift_right_logical3A_166 : vector<16xi32>
    %swap3A_168 = arith.index_cast %rem3A_130 : i32 to index
    %swap3A_169 = arith.constant 16 : index
    %swap3A_170 = tpu.vector_load %arg8[%swap3A_168, %swap3A_169] {strides = array<i32>} : memref<3x80xi32, #tpu.memory_space<vmem>>, vector<1x16xi32>,
    %swap3A_171 = vector.shape_cast %swap3A_170 : vector<1x16xi32> to vector<16xi32>
    %swap3A_172 = vector.shape_cast %shift_right_logical3A_167 : vector<16xi32> to vector<1x16xi32>
    tpu.vector_store %arg8[%swap3A_168, %swap3A_169], %swap3A_172 {strides = array<i32>} : memref<3x80xi32, #tpu.memory_space<vmem>>, vector<1x16xi32>,
    %get3A_173 = arith.constant 1 : i32
    %get3A_174 = arith.index_cast %get3A_173 : i32 to index
    %get3A_175 = arith.constant 32 : index
    %get3A_176 = tpu.vector_load %arg6[%get3A_174, %get3A_175] {strides = array<i32>} : memref<125x80xi32, #tpu.memory_space<vmem>>, vector<1x16xi32>,
    %get3A_177 = vector.shape_cast %get3A_176 : vector<1x16xi32> to vector<16xi32>
    %and3A_178 = arith.constant 65535 : i32
    %and3A_179 = vector.broadcast %and3A_178 : i32 to vector<16xi32>
    %and3A_180 = arith.andi %get3A_177, %and3A_179 : vector<16xi32>
    %swap3A_181 = arith.index_cast %rem3A_130 : i32 to index
    %swap3A_182 = arith.constant 32 : index
    %swap3A_183 = tpu.vector_load %arg7[%swap3A_181, %swap3A_182] {strides = array<i32>} : memref<3x80xi32, #tpu.memory_space<vmem>>, vector<1x16xi32>,
    %swap3A_184 = vector.shape_cast %swap3A_183 : vector<1x16xi32> to vector<16xi32>
    %swap3A_185 = vector.shape_cast %and3A_180 : vector<16xi32> to vector<1x16xi32>
    tpu.vector_store %arg7[%swap3A_181, %swap3A_182], %swap3A_185 {strides = array<i32>} : memref<3x80xi32, #tpu.memory_space<vmem>>, vector<1x16xi32>,
    %shift_right_logical3A_186 = arith.constant 16 : i32
    %shift_right_logical3A_187 = vector.broadcast %shift_right_logical3A_186 : i32 to vector<16xi32>
    %shift_right_logical3A_188 = arith.shrui %get3A_177, %shift_right_logical3A_187 : vector<16xi32>
    %swap3A_189 = arith.index_cast %rem3A_130 : i32 to index
    %swap3A_190 = arith.constant 32 : index
    %swap3A_191 = tpu.vector_load %arg8[%swap3A_189, %swap3A_190] {strides = array<i32>} : memref<3x80xi32, #tpu.memory_space<vmem>>, vector<1x16xi32>,
    %swap3A_192 = vector.shape_cast %swap3A_191 : vector<1x16xi32> to vector<16xi32>
    %swap3A_193 = vector.shape_cast %shift_right_logical3A_188 : vector<16xi32> to vector<1x16xi32>
    tpu.vector_store %arg8[%swap3A_189, %swap3A_190], %swap3A_193 {strides = array<i32>} : memref<3x80xi32, #tpu.memory_space<vmem>>, vector<1x16xi32>,
    %get3A_194 = arith.constant 1 : i32
    %get3A_195 = arith.index_cast %get3A_194 : i32 to index
    %get3A_196 = arith.constant 48 : index
    %get3A_197 = tpu.vector_load %arg6[%get3A_195, %get3A_196] {strides = array<i32>} : memref<125x80xi32, #tpu.memory_space<vmem>>, vector<1x16xi32>,
    %get3A_198 = vector.shape_cast %get3A_197 : vector<1x16xi32> to vector<16xi32>
    %and3A_199 = arith.constant 65535 : i32
    %and3A_200 = vector.broadcast %and3A_199 : i32 to vector<16xi32>
    %and3A_201 = arith.andi %get3A_198, %and3A_200 : vector<16xi32>
    %swap3A_202 = arith.index_cast %rem3A_130 : i32 to index
    %swap3A_203 = arith.constant 48 : index
    %swap3A_204 = tpu.vector_load %arg7[%swap3A_202, %swap3A_203] {strides = array<i32>} : memref<3x80xi32, #tpu.memory_space<vmem>>, vector<1x16xi32>,
    %swap3A_205 = vector.shape_cast %swap3A_204 : vector<1x16xi32> to vector<16xi32>
    %swap3A_206 = vector.shape_cast %and3A_201 : vector<16xi32> to vector<1x16xi32>
    tpu.vector_store %arg7[%swap3A_202, %swap3A_203], %swap3A_206 {strides = array<i32>} : memref<3x80xi32, #tpu.memory_space<vmem>>, vector<1x16xi32>,
    %shift_right_logical3A_207 = arith.constant 16 : i32
    %shift_right_logical3A_208 = vector.broadcast %shift_right_logical3A_207 : i32 to vector<16xi32>
    %shift_right_logical3A_209 = arith.shrui %get3A_198, %shift_right_logical3A_208 : vector<16xi32>
    %swap3A_210 = arith.index_cast %rem3A_130 : i32 to index
    %swap3A_211 = arith.constant 48 : index
    %swap3A_212 = tpu.vector_load %arg8[%swap3A_210, %swap3A_211] {strides = array<i32>} : memref<3x80xi32, #tpu.memory_space<vmem>>, vector<1x16xi32>,
    %swap3A_213 = vector.shape_cast %swap3A_212 : vector<1x16xi32> to vector<16xi32>
    %swap3A_214 = vector.shape_cast %shift_right_logical3A_209 : vector<16xi32> to vector<1x16xi32>
    tpu.vector_store %arg8[%swap3A_210, %swap3A_211], %swap3A_214 {strides = array<i32>} : memref<3x80xi32, #tpu.memory_space<vmem>>, vector<1x16xi32>,
    %get3A_215 = arith.constant 1 : i32
    %get3A_216 = arith.index_cast %get3A_215 : i32 to index
    %get3A_217 = arith.constant 64 : index
    %get3A_218 = tpu.vector_load %arg6[%get3A_216, %get3A_217] {strides = array<i32>} : memref<125x80xi32, #tpu.memory_space<vmem>>, vector<1x16xi32>,
    %get3A_219 = vector.shape_cast %get3A_218 : vector<1x16xi32> to vector<16xi32>
    %and3A_220 = arith.constant 65535 : i32
    %and3A_221 = vector.broadcast %and3A_220 : i32 to vector<16xi32>
    %and3A_222 = arith.andi %get3A_219, %and3A_221 : vector<16xi32>
    %swap3A_223 = arith.index_cast %rem3A_130 : i32 to index
    %swap3A_224 = arith.constant 64 : index
    %swap3A_225 = tpu.vector_load %arg7[%swap3A_223, %swap3A_224] {strides = array<i32>} : memref<3x80xi32, #tpu.memory_space<vmem>>, vector<1x16xi32>,
    %swap3A_226 = vector.shape_cast %swap3A_225 : vector<1x16xi32> to vector<16xi32>
    %swap3A_227 = vector.shape_cast %and3A_222 : vector<16xi32> to vector<1x16xi32>
    tpu.vector_store %arg7[%swap3A_223, %swap3A_224], %swap3A_227 {strides = array<i32>} : memref<3x80xi32, #tpu.memory_space<vmem>>, vector<1x16xi32>,
    %shift_right_logical3A_228 = arith.constant 16 : i32
    %shift_right_logical3A_229 = vector.broadcast %shift_right_logical3A_228 : i32 to vector<16xi32>
    %shift_right_logical3A_230 = arith.shrui %get3A_219, %shift_right_logical3A_229 : vector<16xi32>
    %swap3A_231 = arith.index_cast %rem3A_130 : i32 to index
    %swap3A_232 = arith.constant 64 : index
    %swap3A_233 = tpu.vector_load %arg8[%swap3A_231, %swap3A_232] {strides = array<i32>} : memref<3x80xi32, #tpu.memory_space<vmem>>, vector<1x16xi32>,
    %swap3A_234 = vector.shape_cast %swap3A_233 : vector<1x16xi32> to vector<16xi32>
    %swap3A_235 = vector.shape_cast %shift_right_logical3A_230 : vector<16xi32> to vector<1x16xi32>
    tpu.vector_store %arg8[%swap3A_231, %swap3A_232], %swap3A_235 {strides = array<i32>} : memref<3x80xi32, #tpu.memory_space<vmem>>, vector<1x16xi32>,
    %dma_start3A_236 = arith.constant 0 : i32
    %dma_start3A_237 = arith.constant 0 : i32
    %dma_start3A_238 = tpu.memref_slice %arg9[%rem3A_130, %dma_start3A_236, %dma_start3A_237] : memref<3x80x128xf32, #tpu.memory_space<vmem>> -> memref<1x80x128xf32, #tpu.memory_space<vmem>>
    %dma_start3A_239 = tpu.memref_squeeze %dma_start3A_238 : memref<1x80x128xf32, #tpu.memory_space<vmem>> -> memref<80x128xf32, #tpu.memory_space<vmem>>
    %dma_start3A_240 = arith.constant 0 : i32
    %dma_start3A_241 = tpu.memref_slice %arg7[%rem3A_130, %dma_start3A_240] : memref<3x80xi32, #tpu.memory_space<vmem>> -> memref<1x80xi32, #tpu.memory_space<vmem>>
    %dma_start3A_242 = tpu.memref_squeeze %dma_start3A_241 : memref<1x80xi32, #tpu.memory_space<vmem>> -> memref<80xi32, #tpu.memory_space<vmem>>
    %dma_start3A_243 = arith.constant 0 : i32
    %dma_start3A_244 = arith.constant 0 : i32
    %dma_start3A_245 = tpu.memref_slice %arg2[%arg0, %dma_start3A_243, %dma_start3A_244] : memref<2x10000x128xf32, #tpu.memory_space<hbm>> -> memref<1x10000x128xf32, #tpu.memory_space<hbm>>
    %dma_start3A_246 = tpu.memref_squeeze %dma_start3A_245 : memref<1x10000x128xf32, #tpu.memory_space<hbm>> -> memref<10000x128xf32, #tpu.memory_space<hbm>>
    %dma_start3A_247 = arith.constant 0 : i32
    %dma_start3A_248 = arith.constant 0 : i32
    %dma_start3A_249 = tpu.memref_slice %dma_start3A_246[%dma_start3A_247, %dma_start3A_248] : memref<10000x128xf32, #tpu.memory_space<hbm>> -> memref<10000x128xf32, #tpu.memory_space<hbm>>
    %dma_start3A_250 = tpu.memref_slice %arg11[%rem3A_130] : memref<3x!tpu.dma_semaphore, #tpu.memory_space<semaphore_mem>> -> memref<1x!tpu.dma_semaphore, #tpu.memory_space<semaphore_mem>>
    %dma_start3A_251 = tpu.memref_squeeze %dma_start3A_250 : memref<1x!tpu.dma_semaphore, #tpu.memory_space<semaphore_mem>> -> memref<!tpu.dma_semaphore, #tpu.memory_space<semaphore_mem>>
    tpu.enqueue_indirect_dma source(%dma_start3A_249 : memref<10000x128xf32, #tpu.memory_space<hbm>>) target(%dma_start3A_239 : memref<80x128xf32, #tpu.memory_space<vmem>>) offsets(%dma_start3A_242 : memref<80xi32, #tpu.memory_space<vmem>>) semaphore(%dma_start3A_251 : memref<!tpu.dma_semaphore, #tpu.memory_space<semaphore_mem>>)
    %mul3A_252 = arith.constant 624 : i32
    %mul3A_253 = arith.muli %arg1, %mul3A_252 : i32
    %mul3A_254 = arith.constant 624 : i32
    %mul3A_255 = arith.muli %arg1, %mul3A_254 : i32
    %dma_wait3A = arith.constant 0 : i32
    %dma_wait3A_256 = tpu.memref_slice %arg10[%mul3A_255, %dma_wait3A] : memref<10008x128xf32, #tpu.memory_space<vmem_shared>> -> memref<624x128xf32, #tpu.memory_space<vmem_shared>>
    %dma_wait3A_257 = arith.constant 0 : i32
    %dma_wait3A_258 = tpu.memref_slice %arg3[%arg0, %mul3A_253, %dma_wait3A_257] : memref<2x10000x128xf32, #tpu.memory_space<hbm>> -> memref<1x624x128xf32, #tpu.memory_space<hbm>>
    %dma_wait3A_259 = tpu.memref_squeeze %dma_wait3A_258 : memref<1x624x128xf32, #tpu.memory_space<hbm>> -> memref<624x128xf32, #tpu.memory_space<hbm>>
    tpu.wait_dma2 semaphore(%arg13 : memref<!tpu.dma_semaphore, #tpu.memory_space<semaphore_mem>>) src(%dma_wait3A_259 : memref<624x128xf32, #tpu.memory_space<hbm>>) dst(%dma_wait3A_256 : memref<624x128xf32, #tpu.memory_space<vmem_shared>>)
    %eq3A_260 = arith.constant 15 : i32
    %eq3A_261 = arith.cmpi eq, %arg1, %eq3A_260 : i32
    %convert_element_type3A_262 = arith.extui %eq3A_261 : i1 to i32
    %cond3A_263 = arith.constant 0 : i32
    %cond3A_264 = arith.cmpi ne, %convert_element_type3A_262, %cond3A_263 : i32
    scf.if %cond3A_264 {
      %dma_wait3A_295 = arith.constant 9984 : i32
      %dma_wait3A_296 = arith.constant 0 : i32
      %dma_wait3A_297 = tpu.memref_slice %arg10[%dma_wait3A_295, %dma_wait3A_296] : memref<10008x128xf32, #tpu.memory_space<vmem_shared>> -> memref<16x128xf32, #tpu.memory_space<vmem_shared>>
      %dma_wait3A_298 = arith.constant 9984 : i32
      %dma_wait3A_299 = arith.constant 0 : i32
      %dma_wait3A_300 = tpu.memref_slice %arg3[%arg0, %dma_wait3A_298, %dma_wait3A_299] : memref<2x10000x128xf32, #tpu.memory_space<hbm>> -> memref<1x16x128xf32, #tpu.memory_space<hbm>>
      %dma_wait3A_301 = tpu.memref_squeeze %dma_wait3A_300 : memref<1x16x128xf32, #tpu.memory_space<hbm>> -> memref<16x128xf32, #tpu.memory_space<hbm>>
      tpu.wait_dma2 semaphore(%arg13 : memref<!tpu.dma_semaphore, #tpu.memory_space<semaphore_mem>>) src(%dma_wait3A_301 : memref<16x128xf32, #tpu.memory_space<hbm>>) dst(%dma_wait3A_297 : memref<16x128xf32, #tpu.memory_space<vmem_shared>>)
    } else {
    }
    %barrier3A = arith.constant 0 : index
    tpu.barrier barrier_id(%barrier3A)
    %scan3A = arith.constant 0 : i32
    %scan3A_265 = arith.constant 0 : i32
    %scan3A_266 = arith.constant 125 : i32
    %scan3A_267 = arith.addi %scan3A_265, %scan3A_266 : i32
    %scan3A_268 = arith.constant 1 : i32
    scf.for %scan3A_295 = %scan3A_265 to %scan3A_267 step %scan3A_268  : i32 {
      %ge3A = arith.constant 1 : i32
      %ge3A_296 = arith.cmpi sge, %scan3A_295, %ge3A : i32
      %convert_element_type3A_297 = arith.extui %ge3A_296 : i1 to i32
      %cond3A_298 = arith.constant 0 : i32
      %cond3A_299 = arith.cmpi ne, %convert_element_type3A_297, %cond3A_298 : i32
      scf.if %cond3A_299 {
        %sub3A = arith.constant 1 : i32
        %sub3A_335 = arith.subi %scan3A_295, %sub3A : i32
        %rem3A_336 = arith.constant 3 : i32
        %rem3A_337 = arith.remsi %sub3A_335, %rem3A_336 : i32
        %dma_wait3A_338 = arith.constant 0 : i32
        %dma_wait3A_339 = arith.constant 0 : i32
        %dma_wait3A_340 = tpu.memref_slice %arg9[%rem3A_337, %dma_wait3A_338, %dma_wait3A_339] : memref<3x80x128xf32, #tpu.memory_space<vmem>> -> memref<1x80x128xf32, #tpu.memory_space<vmem>>
        %dma_wait3A_341 = tpu.memref_squeeze %dma_wait3A_340 : memref<1x80x128xf32, #tpu.memory_space<vmem>> -> memref<80x128xf32, #tpu.memory_space<vmem>>
        %dma_wait3A_342 = arith.constant 0 : i32
        %dma_wait3A_343 = tpu.memref_slice %arg8[%rem3A_337, %dma_wait3A_342] : memref<3x80xi32, #tpu.memory_space<vmem>> -> memref<1x80xi32, #tpu.memory_space<vmem>>
        %dma_wait3A_344 = tpu.memref_squeeze %dma_wait3A_343 : memref<1x80xi32, #tpu.memory_space<vmem>> -> memref<80xi32, #tpu.memory_space<vmem>>
        %dma_wait3A_345 = arith.constant 0 : i32
        %dma_wait3A_346 = arith.constant 0 : i32
        %dma_wait3A_347 = tpu.memref_slice %arg10[%dma_wait3A_345, %dma_wait3A_346] : memref<10008x128xf32, #tpu.memory_space<vmem_shared>> -> memref<10008x128xf32, #tpu.memory_space<vmem_shared>>
        %dma_wait3A_348 = tpu.memref_slice %arg12[%rem3A_337] : memref<3x!tpu.dma_semaphore, #tpu.memory_space<semaphore_mem>> -> memref<1x!tpu.dma_semaphore, #tpu.memory_space<semaphore_mem>>
        %dma_wait3A_349 = tpu.memref_squeeze %dma_wait3A_348 : memref<1x!tpu.dma_semaphore, #tpu.memory_space<semaphore_mem>> -> memref<!tpu.dma_semaphore, #tpu.memory_space<semaphore_mem>>
        tpu.wait_indirect_dma semaphore(%dma_wait3A_349 : memref<!tpu.dma_semaphore, #tpu.memory_space<semaphore_mem>>) src(%dma_wait3A_341 : memref<80x128xf32, #tpu.memory_space<vmem>>) dst(%dma_wait3A_347 : memref<10008x128xf32, #tpu.memory_space<vmem_shared>>)
      } else {
      }
      %add3A = arith.constant 2 : i32
      %add3A_300 = arith.addi %scan3A_295, %add3A : i32
      %lt3A = arith.constant 125 : i32
      %lt3A_301 = arith.cmpi slt, %add3A_300, %lt3A : i32
      %convert_element_type3A_302 = arith.extui %lt3A_301 : i1 to i32
      %cond3A_303 = arith.constant 0 : i32
      %cond3A_304 = arith.cmpi ne, %convert_element_type3A_302, %cond3A_303 : i32
      scf.if %cond3A_304 {
        %add3A_335 = arith.constant 2 : i32
        %add3A_336 = arith.addi %scan3A_295, %add3A_335 : i32
        %rem3A_337 = arith.constant 3 : i32
        %rem3A_338 = arith.remsi %add3A_336, %rem3A_337 : i32
        %get3A_339 = arith.index_cast %add3A_336 : i32 to index
        %get3A_340 = arith.constant 0 : index
        %get3A_341 = tpu.vector_load %arg6[%get3A_339, %get3A_340] {strides = array<i32>} : memref<125x80xi32, #tpu.memory_space<vmem>>, vector<1x16xi32>,
        %get3A_342 = vector.shape_cast %get3A_341 : vector<1x16xi32> to vector<16xi32>
        %and3A_343 = arith.constant 65535 : i32
        %and3A_344 = vector.broadcast %and3A_343 : i32 to vector<16xi32>
        %and3A_345 = arith.andi %get3A_342, %and3A_344 : vector<16xi32>
        %swap3A_346 = arith.index_cast %rem3A_338 : i32 to index
        %swap3A_347 = arith.constant 0 : index
        %swap3A_348 = tpu.vector_load %arg7[%swap3A_346, %swap3A_347] {strides = array<i32>} : memref<3x80xi32, #tpu.memory_space<vmem>>, vector<1x16xi32>,
        %swap3A_349 = vector.shape_cast %swap3A_348 : vector<1x16xi32> to vector<16xi32>
        %swap3A_350 = vector.shape_cast %and3A_345 : vector<16xi32> to vector<1x16xi32>
        tpu.vector_store %arg7[%swap3A_346, %swap3A_347], %swap3A_350 {strides = array<i32>} : memref<3x80xi32, #tpu.memory_space<vmem>>, vector<1x16xi32>,
        %shift_right_logical3A_351 = arith.constant 16 : i32
        %shift_right_logical3A_352 = vector.broadcast %shift_right_logical3A_351 : i32 to vector<16xi32>
        %shift_right_logical3A_353 = arith.shrui %get3A_342, %shift_right_logical3A_352 : vector<16xi32>
        %swap3A_354 = arith.index_cast %rem3A_338 : i32 to index
        %swap3A_355 = arith.constant 0 : index
        %swap3A_356 = tpu.vector_load %arg8[%swap3A_354, %swap3A_355] {strides = array<i32>} : memref<3x80xi32, #tpu.memory_space<vmem>>, vector<1x16xi32>,
        %swap3A_357 = vector.shape_cast %swap3A_356 : vector<1x16xi32> to vector<16xi32>
        %swap3A_358 = vector.shape_cast %shift_right_logical3A_353 : vector<16xi32> to vector<1x16xi32>
        tpu.vector_store %arg8[%swap3A_354, %swap3A_355], %swap3A_358 {strides = array<i32>} : memref<3x80xi32, #tpu.memory_space<vmem>>, vector<1x16xi32>,
        %get3A_359 = arith.index_cast %add3A_336 : i32 to index
        %get3A_360 = arith.constant 16 : index
        %get3A_361 = tpu.vector_load %arg6[%get3A_359, %get3A_360] {strides = array<i32>} : memref<125x80xi32, #tpu.memory_space<vmem>>, vector<1x16xi32>,
        %get3A_362 = vector.shape_cast %get3A_361 : vector<1x16xi32> to vector<16xi32>
        %and3A_363 = arith.constant 65535 : i32
        %and3A_364 = vector.broadcast %and3A_363 : i32 to vector<16xi32>
        %and3A_365 = arith.andi %get3A_362, %and3A_364 : vector<16xi32>
        %swap3A_366 = arith.index_cast %rem3A_338 : i32 to index
        %swap3A_367 = arith.constant 16 : index
        %swap3A_368 = tpu.vector_load %arg7[%swap3A_366, %swap3A_367] {strides = array<i32>} : memref<3x80xi32, #tpu.memory_space<vmem>>, vector<1x16xi32>,
        %swap3A_369 = vector.shape_cast %swap3A_368 : vector<1x16xi32> to vector<16xi32>
        %swap3A_370 = vector.shape_cast %and3A_365 : vector<16xi32> to vector<1x16xi32>
        tpu.vector_store %arg7[%swap3A_366, %swap3A_367], %swap3A_370 {strides = array<i32>} : memref<3x80xi32, #tpu.memory_space<vmem>>, vector<1x16xi32>,
        %shift_right_logical3A_371 = arith.constant 16 : i32
        %shift_right_logical3A_372 = vector.broadcast %shift_right_logical3A_371 : i32 to vector<16xi32>
        %shift_right_logical3A_373 = arith.shrui %get3A_362, %shift_right_logical3A_372 : vector<16xi32>
        %swap3A_374 = arith.index_cast %rem3A_338 : i32 to index
        %swap3A_375 = arith.constant 16 : index
        %swap3A_376 = tpu.vector_load %arg8[%swap3A_374, %swap3A_375] {strides = array<i32>} : memref<3x80xi32, #tpu.memory_space<vmem>>, vector<1x16xi32>,
        %swap3A_377 = vector.shape_cast %swap3A_376 : vector<1x16xi32> to vector<16xi32>
        %swap3A_378 = vector.shape_cast %shift_right_logical3A_373 : vector<16xi32> to vector<1x16xi32>
        tpu.vector_store %arg8[%swap3A_374, %swap3A_375], %swap3A_378 {strides = array<i32>} : memref<3x80xi32, #tpu.memory_space<vmem>>, vector<1x16xi32>,
        %get3A_379 = arith.index_cast %add3A_336 : i32 to index
        %get3A_380 = arith.constant 32 : index
        %get3A_381 = tpu.vector_load %arg6[%get3A_379, %get3A_380] {strides = array<i32>} : memref<125x80xi32, #tpu.memory_space<vmem>>, vector<1x16xi32>,
        %get3A_382 = vector.shape_cast %get3A_381 : vector<1x16xi32> to vector<16xi32>
        %and3A_383 = arith.constant 65535 : i32
        %and3A_384 = vector.broadcast %and3A_383 : i32 to vector<16xi32>
        %and3A_385 = arith.andi %get3A_382, %and3A_384 : vector<16xi32>
        %swap3A_386 = arith.index_cast %rem3A_338 : i32 to index
        %swap3A_387 = arith.constant 32 : index
        %swap3A_388 = tpu.vector_load %arg7[%swap3A_386, %swap3A_387] {strides = array<i32>} : memref<3x80xi32, #tpu.memory_space<vmem>>, vector<1x16xi32>,
        %swap3A_389 = vector.shape_cast %swap3A_388 : vector<1x16xi32> to vector<16xi32>
        %swap3A_390 = vector.shape_cast %and3A_385 : vector<16xi32> to vector<1x16xi32>
        tpu.vector_store %arg7[%swap3A_386, %swap3A_387], %swap3A_390 {strides = array<i32>} : memref<3x80xi32, #tpu.memory_space<vmem>>, vector<1x16xi32>,
        %shift_right_logical3A_391 = arith.constant 16 : i32
        %shift_right_logical3A_392 = vector.broadcast %shift_right_logical3A_391 : i32 to vector<16xi32>
        %shift_right_logical3A_393 = arith.shrui %get3A_382, %shift_right_logical3A_392 : vector<16xi32>
        %swap3A_394 = arith.index_cast %rem3A_338 : i32 to index
        %swap3A_395 = arith.constant 32 : index
        %swap3A_396 = tpu.vector_load %arg8[%swap3A_394, %swap3A_395] {strides = array<i32>} : memref<3x80xi32, #tpu.memory_space<vmem>>, vector<1x16xi32>,
        %swap3A_397 = vector.shape_cast %swap3A_396 : vector<1x16xi32> to vector<16xi32>
        %swap3A_398 = vector.shape_cast %shift_right_logical3A_393 : vector<16xi32> to vector<1x16xi32>
        tpu.vector_store %arg8[%swap3A_394, %swap3A_395], %swap3A_398 {strides = array<i32>} : memref<3x80xi32, #tpu.memory_space<vmem>>, vector<1x16xi32>,
        %get3A_399 = arith.index_cast %add3A_336 : i32 to index
        %get3A_400 = arith.constant 48 : index
        %get3A_401 = tpu.vector_load %arg6[%get3A_399, %get3A_400] {strides = array<i32>} : memref<125x80xi32, #tpu.memory_space<vmem>>, vector<1x16xi32>,
        %get3A_402 = vector.shape_cast %get3A_401 : vector<1x16xi32> to vector<16xi32>
        %and3A_403 = arith.constant 65535 : i32
        %and3A_404 = vector.broadcast %and3A_403 : i32 to vector<16xi32>
        %and3A_405 = arith.andi %get3A_402, %and3A_404 : vector<16xi32>
        %swap3A_406 = arith.index_cast %rem3A_338 : i32 to index
        %swap3A_407 = arith.constant 48 : index
        %swap3A_408 = tpu.vector_load %arg7[%swap3A_406, %swap3A_407] {strides = array<i32>} : memref<3x80xi32, #tpu.memory_space<vmem>>, vector<1x16xi32>,
        %swap3A_409 = vector.shape_cast %swap3A_408 : vector<1x16xi32> to vector<16xi32>
        %swap3A_410 = vector.shape_cast %and3A_405 : vector<16xi32> to vector<1x16xi32>
        tpu.vector_store %arg7[%swap3A_406, %swap3A_407], %swap3A_410 {strides = array<i32>} : memref<3x80xi32, #tpu.memory_space<vmem>>, vector<1x16xi32>,
        %shift_right_logical3A_411 = arith.constant 16 : i32
        %shift_right_logical3A_412 = vector.broadcast %shift_right_logical3A_411 : i32 to vector<16xi32>
        %shift_right_logical3A_413 = arith.shrui %get3A_402, %shift_right_logical3A_412 : vector<16xi32>
        %swap3A_414 = arith.index_cast %rem3A_338 : i32 to index
        %swap3A_415 = arith.constant 48 : index
        %swap3A_416 = tpu.vector_load %arg8[%swap3A_414, %swap3A_415] {strides = array<i32>} : memref<3x80xi32, #tpu.memory_space<vmem>>, vector<1x16xi32>,
        %swap3A_417 = vector.shape_cast %swap3A_416 : vector<1x16xi32> to vector<16xi32>
        %swap3A_418 = vector.shape_cast %shift_right_logical3A_413 : vector<16xi32> to vector<1x16xi32>
        tpu.vector_store %arg8[%swap3A_414, %swap3A_415], %swap3A_418 {strides = array<i32>} : memref<3x80xi32, #tpu.memory_space<vmem>>, vector<1x16xi32>,
        %get3A_419 = arith.index_cast %add3A_336 : i32 to index
        %get3A_420 = arith.constant 64 : index
        %get3A_421 = tpu.vector_load %arg6[%get3A_419, %get3A_420] {strides = array<i32>} : memref<125x80xi32, #tpu.memory_space<vmem>>, vector<1x16xi32>,
        %get3A_422 = vector.shape_cast %get3A_421 : vector<1x16xi32> to vector<16xi32>
        %and3A_423 = arith.constant 65535 : i32
        %and3A_424 = vector.broadcast %and3A_423 : i32 to vector<16xi32>
        %and3A_425 = arith.andi %get3A_422, %and3A_424 : vector<16xi32>
        %swap3A_426 = arith.index_cast %rem3A_338 : i32 to index
        %swap3A_427 = arith.constant 64 : index
        %swap3A_428 = tpu.vector_load %arg7[%swap3A_426, %swap3A_427] {strides = array<i32>} : memref<3x80xi32, #tpu.memory_space<vmem>>, vector<1x16xi32>,
        %swap3A_429 = vector.shape_cast %swap3A_428 : vector<1x16xi32> to vector<16xi32>
        %swap3A_430 = vector.shape_cast %and3A_425 : vector<16xi32> to vector<1x16xi32>
        tpu.vector_store %arg7[%swap3A_426, %swap3A_427], %swap3A_430 {strides = array<i32>} : memref<3x80xi32, #tpu.memory_space<vmem>>, vector<1x16xi32>,
        %shift_right_logical3A_431 = arith.constant 16 : i32
        %shift_right_logical3A_432 = vector.broadcast %shift_right_logical3A_431 : i32 to vector<16xi32>
        %shift_right_logical3A_433 = arith.shrui %get3A_422, %shift_right_logical3A_432 : vector<16xi32>
        %swap3A_434 = arith.index_cast %rem3A_338 : i32 to index
        %swap3A_435 = arith.constant 64 : index
        %swap3A_436 = tpu.vector_load %arg8[%swap3A_434, %swap3A_435] {strides = array<i32>} : memref<3x80xi32, #tpu.memory_space<vmem>>, vector<1x16xi32>,
        %swap3A_437 = vector.shape_cast %swap3A_436 : vector<1x16xi32> to vector<16xi32>
        %swap3A_438 = vector.shape_cast %shift_right_logical3A_433 : vector<16xi32> to vector<1x16xi32>
        tpu.vector_store %arg8[%swap3A_434, %swap3A_435], %swap3A_438 {strides = array<i32>} : memref<3x80xi32, #tpu.memory_space<vmem>>, vector<1x16xi32>,
        %dma_start3A_439 = arith.constant 0 : i32
        %dma_start3A_440 = arith.constant 0 : i32
        %dma_start3A_441 = tpu.memref_slice %arg9[%rem3A_338, %dma_start3A_439, %dma_start3A_440] : memref<3x80x128xf32, #tpu.memory_space<vmem>> -> memref<1x80x128xf32, #tpu.memory_space<vmem>>
        %dma_start3A_442 = tpu.memref_squeeze %dma_start3A_441 : memref<1x80x128xf32, #tpu.memory_space<vmem>> -> memref<80x128xf32, #tpu.memory_space<vmem>>
        %dma_start3A_443 = arith.constant 0 : i32
        %dma_start3A_444 = tpu.memref_slice %arg7[%rem3A_338, %dma_start3A_443] : memref<3x80xi32, #tpu.memory_space<vmem>> -> memref<1x80xi32, #tpu.memory_space<vmem>>
        %dma_start3A_445 = tpu.memref_squeeze %dma_start3A_444 : memref<1x80xi32, #tpu.memory_space<vmem>> -> memref<80xi32, #tpu.memory_space<vmem>>
        %dma_start3A_446 = arith.constant 0 : i32
        %dma_start3A_447 = arith.constant 0 : i32
        %dma_start3A_448 = tpu.memref_slice %arg2[%arg0, %dma_start3A_446, %dma_start3A_447] : memref<2x10000x128xf32, #tpu.memory_space<hbm>> -> memref<1x10000x128xf32, #tpu.memory_space<hbm>>
        %dma_start3A_449 = tpu.memref_squeeze %dma_start3A_448 : memref<1x10000x128xf32, #tpu.memory_space<hbm>> -> memref<10000x128xf32, #tpu.memory_space<hbm>>
        %dma_start3A_450 = arith.constant 0 : i32
        %dma_start3A_451 = arith.constant 0 : i32
        %dma_start3A_452 = tpu.memref_slice %dma_start3A_449[%dma_start3A_450, %dma_start3A_451] : memref<10000x128xf32, #tpu.memory_space<hbm>> -> memref<10000x128xf32, #tpu.memory_space<hbm>>
        %dma_start3A_453 = tpu.memref_slice %arg11[%rem3A_338] : memref<3x!tpu.dma_semaphore, #tpu.memory_space<semaphore_mem>> -> memref<1x!tpu.dma_semaphore, #tpu.memory_space<semaphore_mem>>
        %dma_start3A_454 = tpu.memref_squeeze %dma_start3A_453 : memref<1x!tpu.dma_semaphore, #tpu.memory_space<semaphore_mem>> -> memref<!tpu.dma_semaphore, #tpu.memory_space<semaphore_mem>>
        tpu.enqueue_indirect_dma source(%dma_start3A_452 : memref<10000x128xf32, #tpu.memory_space<hbm>>) target(%dma_start3A_442 : memref<80x128xf32, #tpu.memory_space<vmem>>) offsets(%dma_start3A_445 : memref<80xi32, #tpu.memory_space<vmem>>) semaphore(%dma_start3A_454 : memref<!tpu.dma_semaphore, #tpu.memory_space<semaphore_mem>>)
      } else {
      }
      %rem3A_305 = arith.constant 3 : i32
      %rem3A_306 = arith.remsi %scan3A_295, %rem3A_305 : i32
      %dma_wait3A_307 = arith.constant 0 : i32
      %dma_wait3A_308 = arith.constant 0 : i32
      %dma_wait3A_309 = tpu.memref_slice %arg9[%rem3A_306, %dma_wait3A_307, %dma_wait3A_308] : memref<3x80x128xf32, #tpu.memory_space<vmem>> -> memref<1x80x128xf32, #tpu.memory_space<vmem>>
      %dma_wait3A_310 = tpu.memref_squeeze %dma_wait3A_309 : memref<1x80x128xf32, #tpu.memory_space<vmem>> -> memref<80x128xf32, #tpu.memory_space<vmem>>
      %dma_wait3A_311 = arith.constant 0 : i32
      %dma_wait3A_312 = tpu.memref_slice %arg7[%rem3A_306, %dma_wait3A_311] : memref<3x80xi32, #tpu.memory_space<vmem>> -> memref<1x80xi32, #tpu.memory_space<vmem>>
      %dma_wait3A_313 = tpu.memref_squeeze %dma_wait3A_312 : memref<1x80xi32, #tpu.memory_space<vmem>> -> memref<80xi32, #tpu.memory_space<vmem>>
      %dma_wait3A_314 = arith.constant 0 : i32
      %dma_wait3A_315 = arith.constant 0 : i32
      %dma_wait3A_316 = tpu.memref_slice %arg2[%arg0, %dma_wait3A_314, %dma_wait3A_315] : memref<2x10000x128xf32, #tpu.memory_space<hbm>> -> memref<1x10000x128xf32, #tpu.memory_space<hbm>>
      %dma_wait3A_317 = tpu.memref_squeeze %dma_wait3A_316 : memref<1x10000x128xf32, #tpu.memory_space<hbm>> -> memref<10000x128xf32, #tpu.memory_space<hbm>>
      %dma_wait3A_318 = arith.constant 0 : i32
      %dma_wait3A_319 = arith.constant 0 : i32
      %dma_wait3A_320 = tpu.memref_slice %dma_wait3A_317[%dma_wait3A_318, %dma_wait3A_319] : memref<10000x128xf32, #tpu.memory_space<hbm>> -> memref<10000x128xf32, #tpu.memory_space<hbm>>
      %dma_wait3A_321 = tpu.memref_slice %arg11[%rem3A_306] : memref<3x!tpu.dma_semaphore, #tpu.memory_space<semaphore_mem>> -> memref<1x!tpu.dma_semaphore, #tpu.memory_space<semaphore_mem>>
      %dma_wait3A_322 = tpu.memref_squeeze %dma_wait3A_321 : memref<1x!tpu.dma_semaphore, #tpu.memory_space<semaphore_mem>> -> memref<!tpu.dma_semaphore, #tpu.memory_space<semaphore_mem>>
      tpu.wait_indirect_dma semaphore(%dma_wait3A_322 : memref<!tpu.dma_semaphore, #tpu.memory_space<semaphore_mem>>) src(%dma_wait3A_320 : memref<10000x128xf32, #tpu.memory_space<hbm>>) dst(%dma_wait3A_310 : memref<80x128xf32, #tpu.memory_space<vmem>>)
      %dma_start3A_323 = arith.constant 0 : i32
      %dma_start3A_324 = arith.constant 0 : i32
      %dma_start3A_325 = tpu.memref_slice %arg9[%rem3A_306, %dma_start3A_323, %dma_start3A_324] : memref<3x80x128xf32, #tpu.memory_space<vmem>> -> memref<1x80x128xf32, #tpu.memory_space<vmem>>
      %dma_start3A_326 = tpu.memref_squeeze %dma_start3A_325 : memref<1x80x128xf32, #tpu.memory_space<vmem>> -> memref<80x128xf32, #tpu.memory_space<vmem>>
      %dma_start3A_327 = arith.constant 0 : i32
      %dma_start3A_328 = tpu.memref_slice %arg8[%rem3A_306, %dma_start3A_327] : memref<3x80xi32, #tpu.memory_space<vmem>> -> memref<1x80xi32, #tpu.memory_space<vmem>>
      %dma_start3A_329 = tpu.memref_squeeze %dma_start3A_328 : memref<1x80xi32, #tpu.memory_space<vmem>> -> memref<80xi32, #tpu.memory_space<vmem>>
      %dma_start3A_330 = arith.constant 0 : i32
      %dma_start3A_331 = arith.constant 0 : i32
      %dma_start3A_332 = tpu.memref_slice %arg10[%dma_start3A_330, %dma_start3A_331] : memref<10008x128xf32, #tpu.memory_space<vmem_shared>> -> memref<10008x128xf32, #tpu.memory_space<vmem_shared>>
      %dma_start3A_333 = tpu.memref_slice %arg12[%rem3A_306] : memref<3x!tpu.dma_semaphore, #tpu.memory_space<semaphore_mem>> -> memref<1x!tpu.dma_semaphore, #tpu.memory_space<semaphore_mem>>
      %dma_start3A_334 = tpu.memref_squeeze %dma_start3A_333 : memref<1x!tpu.dma_semaphore, #tpu.memory_space<semaphore_mem>> -> memref<!tpu.dma_semaphore, #tpu.memory_space<semaphore_mem>>
      tpu.enqueue_indirect_dma source(%dma_start3A_326 : memref<80x128xf32, #tpu.memory_space<vmem>>) target(%dma_start3A_332 : memref<10008x128xf32, #tpu.memory_space<vmem_shared>>) offsets(%dma_start3A_329 : memref<80xi32, #tpu.memory_space<vmem>>) semaphore(%dma_start3A_334 : memref<!tpu.dma_semaphore, #tpu.memory_space<semaphore_mem>>) {add = true}
    }
    %scan3A_269 = arith.constant 125 : i32
    %rem3A_270 = arith.constant 124 : i32
    %rem3A_271 = arith.constant 3 : i32
    %rem3A_272 = arith.remsi %rem3A_270, %rem3A_271 : i32
    %dma_wait3A_273 = arith.constant 0 : i32
    %dma_wait3A_274 = arith.constant 0 : i32
    %dma_wait3A_275 = tpu.memref_slice %arg9[%rem3A_272, %dma_wait3A_273, %dma_wait3A_274] : memref<3x80x128xf32, #tpu.memory_space<vmem>> -> memref<1x80x128xf32, #tpu.memory_space<vmem>>
    %dma_wait3A_276 = tpu.memref_squeeze %dma_wait3A_275 : memref<1x80x128xf32, #tpu.memory_space<vmem>> -> memref<80x128xf32, #tpu.memory_space<vmem>>
    %dma_wait3A_277 = arith.constant 0 : i32
    %dma_wait3A_278 = tpu.memref_slice %arg8[%rem3A_272, %dma_wait3A_277] : memref<3x80xi32, #tpu.memory_space<vmem>> -> memref<1x80xi32, #tpu.memory_space<vmem>>
    %dma_wait3A_279 = tpu.memref_squeeze %dma_wait3A_278 : memref<1x80xi32, #tpu.memory_space<vmem>> -> memref<80xi32, #tpu.memory_space<vmem>>
    %dma_wait3A_280 = arith.constant 0 : i32
    %dma_wait3A_281 = arith.constant 0 : i32
    %dma_wait3A_282 = tpu.memref_slice %arg10[%dma_wait3A_280, %dma_wait3A_281] : memref<10008x128xf32, #tpu.memory_space<vmem_shared>> -> memref<10008x128xf32, #tpu.memory_space<vmem_shared>>
    %dma_wait3A_283 = tpu.memref_slice %arg12[%rem3A_272] : memref<3x!tpu.dma_semaphore, #tpu.memory_space<semaphore_mem>> -> memref<1x!tpu.dma_semaphore, #tpu.memory_space<semaphore_mem>>
    %dma_wait3A_284 = tpu.memref_squeeze %dma_wait3A_283 : memref<1x!tpu.dma_semaphore, #tpu.memory_space<semaphore_mem>> -> memref<!tpu.dma_semaphore, #tpu.memory_space<semaphore_mem>>
    tpu.wait_indirect_dma semaphore(%dma_wait3A_284 : memref<!tpu.dma_semaphore, #tpu.memory_space<semaphore_mem>>) src(%dma_wait3A_276 : memref<80x128xf32, #tpu.memory_space<vmem>>) dst(%dma_wait3A_282 : memref<10008x128xf32, #tpu.memory_space<vmem_shared>>)
    %barrier3A_285 = arith.constant 0 : index
    tpu.barrier barrier_id(%barrier3A_285)
    %mul3A_286 = arith.constant 624 : i32
    %mul3A_287 = arith.muli %arg1, %mul3A_286 : i32
    %mul3A_288 = arith.constant 624 : i32
    %mul3A_289 = arith.muli %arg1, %mul3A_288 : i32
    "tpu.region"() ({
      %run_scoped3A = tpu.sem_alloc : memref<!tpu.dma_semaphore, #tpu.memory_space<semaphore_mem>>
      %dma_start3A_295 = arith.constant 0 : i32
      %dma_start3A_296 = tpu.memref_slice %arg5[%arg0, %mul3A_289, %dma_start3A_295] : memref<2x10000x128xf32, #tpu.memory_space<hbm>> -> memref<1x624x128xf32, #tpu.memory_space<hbm>>
      %dma_start3A_297 = tpu.memref_squeeze %dma_start3A_296 : memref<1x624x128xf32, #tpu.memory_space<hbm>> -> memref<624x128xf32, #tpu.memory_space<hbm>>
      %dma_start3A_298 = arith.constant 0 : i32
      %dma_start3A_299 = tpu.memref_slice %arg10[%mul3A_287, %dma_start3A_298] : memref<10008x128xf32, #tpu.memory_space<vmem_shared>> -> memref<624x128xf32, #tpu.memory_space<vmem_shared>>
      tpu.enqueue_dma source(%dma_start3A_299 : memref<624x128xf32, #tpu.memory_space<vmem_shared>>) target(%dma_start3A_297 : memref<624x128xf32, #tpu.memory_space<hbm>>) target_semaphore(%run_scoped3A : memref<!tpu.dma_semaphore, #tpu.memory_space<semaphore_mem>>)
      %dma_wait3A_300 = arith.constant 0 : i32
      %dma_wait3A_301 = tpu.memref_slice %arg5[%arg0, %mul3A_289, %dma_wait3A_300] : memref<2x10000x128xf32, #tpu.memory_space<hbm>> -> memref<1x624x128xf32, #tpu.memory_space<hbm>>
      %dma_wait3A_302 = tpu.memref_squeeze %dma_wait3A_301 : memref<1x624x128xf32, #tpu.memory_space<hbm>> -> memref<624x128xf32, #tpu.memory_space<hbm>>
      %dma_wait3A_303 = arith.constant 0 : i32
      %dma_wait3A_304 = tpu.memref_slice %arg10[%mul3A_287, %dma_wait3A_303] : memref<10008x128xf32, #tpu.memory_space<vmem_shared>> -> memref<624x128xf32, #tpu.memory_space<vmem_shared>>
      tpu.wait_dma2 semaphore(%run_scoped3A : memref<!tpu.dma_semaphore, #tpu.memory_space<semaphore_mem>>) src(%dma_wait3A_304 : memref<624x128xf32, #tpu.memory_space<vmem_shared>>) dst(%dma_wait3A_302 : memref<624x128xf32, #tpu.memory_space<hbm>>)
      tpu.yield
    }) : () -> ()
    %eq3A_290 = arith.constant 15 : i32
    %eq3A_291 = arith.cmpi eq, %arg1, %eq3A_290 : i32
    %convert_element_type3A_292 = arith.extui %eq3A_291 : i1 to i32
    %cond3A_293 = arith.constant 0 : i32
    %cond3A_294 = arith.cmpi ne, %convert_element_type3A_292, %cond3A_293 : i32
    scf.if %cond3A_294 {
      "tpu.region"() ({
        %run_scoped3A = tpu.sem_alloc : memref<!tpu.dma_semaphore, #tpu.memory_space<semaphore_mem>>
        %dma_start3A_295 = arith.constant 9984 : i32
        %dma_start3A_296 = arith.constant 0 : i32
        %dma_start3A_297 = tpu.memref_slice %arg5[%arg0, %dma_start3A_295, %dma_start3A_296] : memref<2x10000x128xf32, #tpu.memory_space<hbm>> -> memref<1x16x128xf32, #tpu.memory_space<hbm>>
        %dma_start3A_298 = tpu.memref_squeeze %dma_start3A_297 : memref<1x16x128xf32, #tpu.memory_space<hbm>> -> memref<16x128xf32, #tpu.memory_space<hbm>>
        %dma_start3A_299 = arith.constant 9984 : i32
        %dma_start3A_300 = arith.constant 0 : i32
        %dma_start3A_301 = tpu.memref_slice %arg10[%dma_start3A_299, %dma_start3A_300] : memref<10008x128xf32, #tpu.memory_space<vmem_shared>> -> memref<16x128xf32, #tpu.memory_space<vmem_shared>>
        tpu.enqueue_dma source(%dma_start3A_301 : memref<16x128xf32, #tpu.memory_space<vmem_shared>>) target(%dma_start3A_298 : memref<16x128xf32, #tpu.memory_space<hbm>>) target_semaphore(%run_scoped3A : memref<!tpu.dma_semaphore, #tpu.memory_space<semaphore_mem>>)
        %dma_wait3A_302 = arith.constant 9984 : i32
        %dma_wait3A_303 = arith.constant 0 : i32
        %dma_wait3A_304 = tpu.memref_slice %arg5[%arg0, %dma_wait3A_302, %dma_wait3A_303] : memref<2x10000x128xf32, #tpu.memory_space<hbm>> -> memref<1x16x128xf32, #tpu.memory_space<hbm>>
        %dma_wait3A_305 = tpu.memref_squeeze %dma_wait3A_304 : memref<1x16x128xf32, #tpu.memory_space<hbm>> -> memref<16x128xf32, #tpu.memory_space<hbm>>
        %dma_wait3A_306 = arith.constant 9984 : i32
        %dma_wait3A_307 = arith.constant 0 : i32
        %dma_wait3A_308 = tpu.memref_slice %arg10[%dma_wait3A_306, %dma_wait3A_307] : memref<10008x128xf32, #tpu.memory_space<vmem_shared>> -> memref<16x128xf32, #tpu.memory_space<vmem_shared>>
        tpu.wait_dma2 semaphore(%run_scoped3A : memref<!tpu.dma_semaphore, #tpu.memory_space<semaphore_mem>>) src(%dma_wait3A_308 : memref<16x128xf32, #tpu.memory_space<vmem_shared>>) dst(%dma_wait3A_305 : memref<16x128xf32, #tpu.memory_space<hbm>>)
        tpu.yield
      }) : () -> ()
    } else {
    }
    return
  }
}

#map = affine_map<(d0, d1) -> (0, 0, 0)>
module attributes {stable_mosaic.version = 14 : i64} {
  func.func @_sc_aggregate(%arg0: i32, %arg1: i32, %arg2: memref<2x10000x128xf32, #tpu.memory_space<hbm>>, %arg3: memref<2x10000x128xf32, #tpu.memory_space<hbm>>, %arg4: memref<16x125x80xi32, #tpu.memory_space<hbm>>, %arg5: memref<2x10000x128xf32, #tpu.memory_space<hbm>>, %arg6: memref<125x80xi32, #tpu.memory_space<vmem>>, %arg7: memref<3x80xi32, #tpu.memory_space<vmem>>, %arg8: memref<3x80xi32, #tpu.memory_space<vmem>>, %arg9: memref<3x80x128xf32, #tpu.memory_space<vmem>>, %arg10: memref<10008x128xf32, #tpu.memory_space<vmem_shared>>, %arg11: memref<3x!tpu.dma_semaphore, #tpu.memory_space<semaphore_mem>>, %arg12: memref<3x!tpu.dma_semaphore, #tpu.memory_space<semaphore_mem>>, %arg13: memref<!tpu.dma_semaphore, #tpu.memory_space<semaphore_mem>>) attributes {dimension_semantics = [#tpu.dimension_semantics<core_parallel>, #tpu.dimension_semantics<subcore_parallel>], iteration_bounds = array<i64: 2, 16>, scalar_prefetch = 0 : i64, scratch_operands = 8 : i64, tpu.core_type = #tpu.core_type<sc_vector_subcore>, window_params = [{transform_indices = #map}, {transform_indices = #map}, {transform_indices = #map}, {transform_indices = #map}]} {
    %mul3A = arith.constant 624 : i32
    %mul3A_0 = arith.muli %arg1, %mul3A : i32
    %mul3A_1 = arith.constant 624 : i32
    %mul3A_2 = arith.muli %arg1, %mul3A_1 : i32
    %dma_start3A = arith.constant 0 : i32
    %dma_start3A_3 = tpu.memref_slice %arg10[%mul3A_2, %dma_start3A] : memref<10008x128xf32, #tpu.memory_space<vmem_shared>> -> memref<624x128xf32, #tpu.memory_space<vmem_shared>>
    %dma_start3A_4 = arith.constant 0 : i32
    %dma_start3A_5 = tpu.memref_slice %arg3[%arg0, %mul3A_0, %dma_start3A_4] : memref<2x10000x128xf32, #tpu.memory_space<hbm>> -> memref<1x624x128xf32, #tpu.memory_space<hbm>>
    %dma_start3A_6 = tpu.memref_squeeze %dma_start3A_5 : memref<1x624x128xf32, #tpu.memory_space<hbm>> -> memref<624x128xf32, #tpu.memory_space<hbm>>
    tpu.enqueue_dma source(%dma_start3A_6 : memref<624x128xf32, #tpu.memory_space<hbm>>) target(%dma_start3A_3 : memref<624x128xf32, #tpu.memory_space<vmem_shared>>) target_semaphore(%arg13 : memref<!tpu.dma_semaphore, #tpu.memory_space<semaphore_mem>>)
    %eq3A = arith.constant 15 : i32
    %eq3A_7 = arith.cmpi eq, %arg1, %eq3A : i32
    %convert_element_type3A = arith.extui %eq3A_7 : i1 to i32
    %cond3A = arith.constant 0 : i32
    %cond3A_8 = arith.cmpi ne, %convert_element_type3A, %cond3A : i32
    scf.if %cond3A_8 {
      %dma_start3A_295 = arith.constant 9984 : i32
      %dma_start3A_296 = arith.constant 0 : i32
      %dma_start3A_297 = tpu.memref_slice %arg10[%dma_start3A_295, %dma_start3A_296] : memref<10008x128xf32, #tpu.memory_space<vmem_shared>> -> memref<16x128xf32, #tpu.memory_space<vmem_shared>>
      %dma_start3A_298 = arith.constant 9984 : i32
      %dma_start3A_299 = arith.constant 0 : i32
      %dma_start3A_300 = tpu.memref_slice %arg3[%arg0, %dma_start3A_298, %dma_start3A_299] : memref<2x10000x128xf32, #tpu.memory_space<hbm>> -> memref<1x16x128xf32, #tpu.memory_space<hbm>>
      %dma_start3A_301 = tpu.memref_squeeze %dma_start3A_300 : memref<1x16x128xf32, #tpu.memory_space<hbm>> -> memref<16x128xf32, #tpu.memory_space<hbm>>
      tpu.enqueue_dma source(%dma_start3A_301 : memref<16x128xf32, #tpu.memory_space<hbm>>) target(%dma_start3A_297 : memref<16x128xf32, #tpu.memory_space<vmem_shared>>) target_semaphore(%arg13 : memref<!tpu.dma_semaphore, #tpu.memory_space<semaphore_mem>>)
    } else {
    }
    "tpu.region"() ({
      %run_scoped3A = tpu.sem_alloc : memref<!tpu.dma_semaphore, #tpu.memory_space<semaphore_mem>>
      %dma_start3A_295 = arith.constant 0 : i32
      %dma_start3A_296 = arith.constant 0 : i32
      %dma_start3A_297 = tpu.memref_slice %arg4[%arg1, %dma_start3A_295, %dma_start3A_296] : memref<16x125x80xi32, #tpu.memory_space<hbm>> -> memref<1x125x80xi32, #tpu.memory_space<hbm>>
      %dma_start3A_298 = tpu.memref_squeeze %dma_start3A_297 : memref<1x125x80xi32, #tpu.memory_space<hbm>> -> memref<125x80xi32, #tpu.memory_space<hbm>>
      %dma_start3A_299 = arith.constant 0 : i32
      %dma_start3A_300 = arith.constant 0 : i32
      %dma_start3A_301 = tpu.memref_slice %arg4[%arg1, %dma_start3A_299, %dma_start3A_300] : memref<16x125x80xi32, #tpu.memory_space<hbm>> -> memref<1x125x80xi32, #tpu.memory_space<hbm>>
      %dma_start3A_302 = tpu.memref_squeeze %dma_start3A_301 : memref<1x125x80xi32, #tpu.memory_space<hbm>> -> memref<125x80xi32, #tpu.memory_space<hbm>>
      tpu.enqueue_dma source(%dma_start3A_302 : memref<125x80xi32, #tpu.memory_space<hbm>>) target(%arg6 : memref<125x80xi32, #tpu.memory_space<vmem>>) target_semaphore(%run_scoped3A : memref<!tpu.dma_semaphore, #tpu.memory_space<semaphore_mem>>)
      %dma_wait3A_303 = arith.constant 0 : i32
      %dma_wait3A_304 = arith.constant 0 : i32
      %dma_wait3A_305 = tpu.memref_slice %arg4[%arg1, %dma_wait3A_303, %dma_wait3A_304] : memref<16x125x80xi32, #tpu.memory_space<hbm>> -> memref<1x125x80xi32, #tpu.memory_space<hbm>>
      %dma_wait3A_306 = tpu.memref_squeeze %dma_wait3A_305 : memref<1x125x80xi32, #tpu.memory_space<hbm>> -> memref<125x80xi32, #tpu.memory_space<hbm>>
      %dma_wait3A_307 = arith.constant 0 : i32
      %dma_wait3A_308 = arith.constant 0 : i32
      %dma_wait3A_309 = tpu.memref_slice %arg4[%arg1, %dma_wait3A_307, %dma_wait3A_308] : memref<16x125x80xi32, #tpu.memory_space<hbm>> -> memref<1x125x80xi32, #tpu.memory_space<hbm>>
      %dma_wait3A_310 = tpu.memref_squeeze %dma_wait3A_309 : memref<1x125x80xi32, #tpu.memory_space<hbm>> -> memref<125x80xi32, #tpu.memory_space<hbm>>
      tpu.wait_dma2 semaphore(%run_scoped3A : memref<!tpu.dma_semaphore, #tpu.memory_space<semaphore_mem>>) src(%dma_wait3A_310 : memref<125x80xi32, #tpu.memory_space<hbm>>) dst(%arg6 : memref<125x80xi32, #tpu.memory_space<vmem>>)
      tpu.yield
    }) : () -> ()
    %rem3A = arith.constant 0 : i32
    %rem3A_9 = arith.constant 3 : i32
    %rem3A_10 = arith.remsi %rem3A, %rem3A_9 : i32
    %get3A = arith.constant 0 : i32
    %get3A_11 = arith.index_cast %get3A : i32 to index
    %get3A_12 = arith.constant 0 : index
    %get3A_13 = tpu.vector_load %arg6[%get3A_11, %get3A_12] {strides = array<i32>} : memref<125x80xi32, #tpu.memory_space<vmem>>, vector<1x16xi32>,
    %get3A_14 = vector.shape_cast %get3A_13 : vector<1x16xi32> to vector<16xi32>
    %and3A = arith.constant 65535 : i32
    %and3A_15 = vector.broadcast %and3A : i32 to vector<16xi32>
    %and3A_16 = arith.andi %get3A_14, %and3A_15 : vector<16xi32>
    %swap3A = arith.index_cast %rem3A_10 : i32 to index
    %swap3A_17 = arith.constant 0 : index
    %swap3A_18 = tpu.vector_load %arg7[%swap3A, %swap3A_17] {strides = array<i32>} : memref<3x80xi32, #tpu.memory_space<vmem>>, vector<1x16xi32>,
    %swap3A_19 = vector.shape_cast %swap3A_18 : vector<1x16xi32> to vector<16xi32>
    %swap3A_20 = vector.shape_cast %and3A_16 : vector<16xi32> to vector<1x16xi32>
    tpu.vector_store %arg7[%swap3A, %swap3A_17], %swap3A_20 {strides = array<i32>} : memref<3x80xi32, #tpu.memory_space<vmem>>, vector<1x16xi32>,
    %shift_right_logical3A = arith.constant 16 : i32
    %shift_right_logical3A_21 = vector.broadcast %shift_right_logical3A : i32 to vector<16xi32>
    %shift_right_logical3A_22 = arith.shrui %get3A_14, %shift_right_logical3A_21 : vector<16xi32>
    %swap3A_23 = arith.index_cast %rem3A_10 : i32 to index
    %swap3A_24 = arith.constant 0 : index
    %swap3A_25 = tpu.vector_load %arg8[%swap3A_23, %swap3A_24] {strides = array<i32>} : memref<3x80xi32, #tpu.memory_space<vmem>>, vector<1x16xi32>,
    %swap3A_26 = vector.shape_cast %swap3A_25 : vector<1x16xi32> to vector<16xi32>
    %swap3A_27 = vector.shape_cast %shift_right_logical3A_22 : vector<16xi32> to vector<1x16xi32>
    tpu.vector_store %arg8[%swap3A_23, %swap3A_24], %swap3A_27 {strides = array<i32>} : memref<3x80xi32, #tpu.memory_space<vmem>>, vector<1x16xi32>,
    %get3A_28 = arith.constant 0 : i32
    %get3A_29 = arith.index_cast %get3A_28 : i32 to index
    %get3A_30 = arith.constant 16 : index
    %get3A_31 = tpu.vector_load %arg6[%get3A_29, %get3A_30] {strides = array<i32>} : memref<125x80xi32, #tpu.memory_space<vmem>>, vector<1x16xi32>,
    %get3A_32 = vector.shape_cast %get3A_31 : vector<1x16xi32> to vector<16xi32>
    %and3A_33 = arith.constant 65535 : i32
    %and3A_34 = vector.broadcast %and3A_33 : i32 to vector<16xi32>
    %and3A_35 = arith.andi %get3A_32, %and3A_34 : vector<16xi32>
    %swap3A_36 = arith.index_cast %rem3A_10 : i32 to index
    %swap3A_37 = arith.constant 16 : index
    %swap3A_38 = tpu.vector_load %arg7[%swap3A_36, %swap3A_37] {strides = array<i32>} : memref<3x80xi32, #tpu.memory_space<vmem>>, vector<1x16xi32>,
    %swap3A_39 = vector.shape_cast %swap3A_38 : vector<1x16xi32> to vector<16xi32>
    %swap3A_40 = vector.shape_cast %and3A_35 : vector<16xi32> to vector<1x16xi32>
    tpu.vector_store %arg7[%swap3A_36, %swap3A_37], %swap3A_40 {strides = array<i32>} : memref<3x80xi32, #tpu.memory_space<vmem>>, vector<1x16xi32>,
    %shift_right_logical3A_41 = arith.constant 16 : i32
    %shift_right_logical3A_42 = vector.broadcast %shift_right_logical3A_41 : i32 to vector<16xi32>
    %shift_right_logical3A_43 = arith.shrui %get3A_32, %shift_right_logical3A_42 : vector<16xi32>
    %swap3A_44 = arith.index_cast %rem3A_10 : i32 to index
    %swap3A_45 = arith.constant 16 : index
    %swap3A_46 = tpu.vector_load %arg8[%swap3A_44, %swap3A_45] {strides = array<i32>} : memref<3x80xi32, #tpu.memory_space<vmem>>, vector<1x16xi32>,
    %swap3A_47 = vector.shape_cast %swap3A_46 : vector<1x16xi32> to vector<16xi32>
    %swap3A_48 = vector.shape_cast %shift_right_logical3A_43 : vector<16xi32> to vector<1x16xi32>
    tpu.vector_store %arg8[%swap3A_44, %swap3A_45], %swap3A_48 {strides = array<i32>} : memref<3x80xi32, #tpu.memory_space<vmem>>, vector<1x16xi32>,
    %get3A_49 = arith.constant 0 : i32
    %get3A_50 = arith.index_cast %get3A_49 : i32 to index
    %get3A_51 = arith.constant 32 : index
    %get3A_52 = tpu.vector_load %arg6[%get3A_50, %get3A_51] {strides = array<i32>} : memref<125x80xi32, #tpu.memory_space<vmem>>, vector<1x16xi32>,
    %get3A_53 = vector.shape_cast %get3A_52 : vector<1x16xi32> to vector<16xi32>
    %and3A_54 = arith.constant 65535 : i32
    %and3A_55 = vector.broadcast %and3A_54 : i32 to vector<16xi32>
    %and3A_56 = arith.andi %get3A_53, %and3A_55 : vector<16xi32>
    %swap3A_57 = arith.index_cast %rem3A_10 : i32 to index
    %swap3A_58 = arith.constant 32 : index
    %swap3A_59 = tpu.vector_load %arg7[%swap3A_57, %swap3A_58] {strides = array<i32>} : memref<3x80xi32, #tpu.memory_space<vmem>>, vector<1x16xi32>,
    %swap3A_60 = vector.shape_cast %swap3A_59 : vector<1x16xi32> to vector<16xi32>
    %swap3A_61 = vector.shape_cast %and3A_56 : vector<16xi32> to vector<1x16xi32>
    tpu.vector_store %arg7[%swap3A_57, %swap3A_58], %swap3A_61 {strides = array<i32>} : memref<3x80xi32, #tpu.memory_space<vmem>>, vector<1x16xi32>,
    %shift_right_logical3A_62 = arith.constant 16 : i32
    %shift_right_logical3A_63 = vector.broadcast %shift_right_logical3A_62 : i32 to vector<16xi32>
    %shift_right_logical3A_64 = arith.shrui %get3A_53, %shift_right_logical3A_63 : vector<16xi32>
    %swap3A_65 = arith.index_cast %rem3A_10 : i32 to index
    %swap3A_66 = arith.constant 32 : index
    %swap3A_67 = tpu.vector_load %arg8[%swap3A_65, %swap3A_66] {strides = array<i32>} : memref<3x80xi32, #tpu.memory_space<vmem>>, vector<1x16xi32>,
    %swap3A_68 = vector.shape_cast %swap3A_67 : vector<1x16xi32> to vector<16xi32>
    %swap3A_69 = vector.shape_cast %shift_right_logical3A_64 : vector<16xi32> to vector<1x16xi32>
    tpu.vector_store %arg8[%swap3A_65, %swap3A_66], %swap3A_69 {strides = array<i32>} : memref<3x80xi32, #tpu.memory_space<vmem>>, vector<1x16xi32>,
    %get3A_70 = arith.constant 0 : i32
    %get3A_71 = arith.index_cast %get3A_70 : i32 to index
    %get3A_72 = arith.constant 48 : index
    %get3A_73 = tpu.vector_load %arg6[%get3A_71, %get3A_72] {strides = array<i32>} : memref<125x80xi32, #tpu.memory_space<vmem>>, vector<1x16xi32>,
    %get3A_74 = vector.shape_cast %get3A_73 : vector<1x16xi32> to vector<16xi32>
    %and3A_75 = arith.constant 65535 : i32
    %and3A_76 = vector.broadcast %and3A_75 : i32 to vector<16xi32>
    %and3A_77 = arith.andi %get3A_74, %and3A_76 : vector<16xi32>
    %swap3A_78 = arith.index_cast %rem3A_10 : i32 to index
    %swap3A_79 = arith.constant 48 : index
    %swap3A_80 = tpu.vector_load %arg7[%swap3A_78, %swap3A_79] {strides = array<i32>} : memref<3x80xi32, #tpu.memory_space<vmem>>, vector<1x16xi32>,
    %swap3A_81 = vector.shape_cast %swap3A_80 : vector<1x16xi32> to vector<16xi32>
    %swap3A_82 = vector.shape_cast %and3A_77 : vector<16xi32> to vector<1x16xi32>
    tpu.vector_store %arg7[%swap3A_78, %swap3A_79], %swap3A_82 {strides = array<i32>} : memref<3x80xi32, #tpu.memory_space<vmem>>, vector<1x16xi32>,
    %shift_right_logical3A_83 = arith.constant 16 : i32
    %shift_right_logical3A_84 = vector.broadcast %shift_right_logical3A_83 : i32 to vector<16xi32>
    %shift_right_logical3A_85 = arith.shrui %get3A_74, %shift_right_logical3A_84 : vector<16xi32>
    %swap3A_86 = arith.index_cast %rem3A_10 : i32 to index
    %swap3A_87 = arith.constant 48 : index
    %swap3A_88 = tpu.vector_load %arg8[%swap3A_86, %swap3A_87] {strides = array<i32>} : memref<3x80xi32, #tpu.memory_space<vmem>>, vector<1x16xi32>,
    %swap3A_89 = vector.shape_cast %swap3A_88 : vector<1x16xi32> to vector<16xi32>
    %swap3A_90 = vector.shape_cast %shift_right_logical3A_85 : vector<16xi32> to vector<1x16xi32>
    tpu.vector_store %arg8[%swap3A_86, %swap3A_87], %swap3A_90 {strides = array<i32>} : memref<3x80xi32, #tpu.memory_space<vmem>>, vector<1x16xi32>,
    %get3A_91 = arith.constant 0 : i32
    %get3A_92 = arith.index_cast %get3A_91 : i32 to index
    %get3A_93 = arith.constant 64 : index
    %get3A_94 = tpu.vector_load %arg6[%get3A_92, %get3A_93] {strides = array<i32>} : memref<125x80xi32, #tpu.memory_space<vmem>>, vector<1x16xi32>,
    %get3A_95 = vector.shape_cast %get3A_94 : vector<1x16xi32> to vector<16xi32>
    %and3A_96 = arith.constant 65535 : i32
    %and3A_97 = vector.broadcast %and3A_96 : i32 to vector<16xi32>
    %and3A_98 = arith.andi %get3A_95, %and3A_97 : vector<16xi32>
    %swap3A_99 = arith.index_cast %rem3A_10 : i32 to index
    %swap3A_100 = arith.constant 64 : index
    %swap3A_101 = tpu.vector_load %arg7[%swap3A_99, %swap3A_100] {strides = array<i32>} : memref<3x80xi32, #tpu.memory_space<vmem>>, vector<1x16xi32>,
    %swap3A_102 = vector.shape_cast %swap3A_101 : vector<1x16xi32> to vector<16xi32>
    %swap3A_103 = vector.shape_cast %and3A_98 : vector<16xi32> to vector<1x16xi32>
    tpu.vector_store %arg7[%swap3A_99, %swap3A_100], %swap3A_103 {strides = array<i32>} : memref<3x80xi32, #tpu.memory_space<vmem>>, vector<1x16xi32>,
    %shift_right_logical3A_104 = arith.constant 16 : i32
    %shift_right_logical3A_105 = vector.broadcast %shift_right_logical3A_104 : i32 to vector<16xi32>
    %shift_right_logical3A_106 = arith.shrui %get3A_95, %shift_right_logical3A_105 : vector<16xi32>
    %swap3A_107 = arith.index_cast %rem3A_10 : i32 to index
    %swap3A_108 = arith.constant 64 : index
    %swap3A_109 = tpu.vector_load %arg8[%swap3A_107, %swap3A_108] {strides = array<i32>} : memref<3x80xi32, #tpu.memory_space<vmem>>, vector<1x16xi32>,
    %swap3A_110 = vector.shape_cast %swap3A_109 : vector<1x16xi32> to vector<16xi32>
    %swap3A_111 = vector.shape_cast %shift_right_logical3A_106 : vector<16xi32> to vector<1x16xi32>
    tpu.vector_store %arg8[%swap3A_107, %swap3A_108], %swap3A_111 {strides = array<i32>} : memref<3x80xi32, #tpu.memory_space<vmem>>, vector<1x16xi32>,
    %dma_start3A_112 = arith.constant 0 : i32
    %dma_start3A_113 = arith.constant 0 : i32
    %dma_start3A_114 = tpu.memref_slice %arg9[%rem3A_10, %dma_start3A_112, %dma_start3A_113] : memref<3x80x128xf32, #tpu.memory_space<vmem>> -> memref<1x80x128xf32, #tpu.memory_space<vmem>>
    %dma_start3A_115 = tpu.memref_squeeze %dma_start3A_114 : memref<1x80x128xf32, #tpu.memory_space<vmem>> -> memref<80x128xf32, #tpu.memory_space<vmem>>
    %dma_start3A_116 = arith.constant 0 : i32
    %dma_start3A_117 = tpu.memref_slice %arg7[%rem3A_10, %dma_start3A_116] : memref<3x80xi32, #tpu.memory_space<vmem>> -> memref<1x80xi32, #tpu.memory_space<vmem>>
    %dma_start3A_118 = tpu.memref_squeeze %dma_start3A_117 : memref<1x80xi32, #tpu.memory_space<vmem>> -> memref<80xi32, #tpu.memory_space<vmem>>
    %dma_start3A_119 = arith.constant 0 : i32
    %dma_start3A_120 = arith.constant 0 : i32
    %dma_start3A_121 = tpu.memref_slice %arg2[%arg0, %dma_start3A_119, %dma_start3A_120] : memref<2x10000x128xf32, #tpu.memory_space<hbm>> -> memref<1x10000x128xf32, #tpu.memory_space<hbm>>
    %dma_start3A_122 = tpu.memref_squeeze %dma_start3A_121 : memref<1x10000x128xf32, #tpu.memory_space<hbm>> -> memref<10000x128xf32, #tpu.memory_space<hbm>>
    %dma_start3A_123 = arith.constant 0 : i32
    %dma_start3A_124 = arith.constant 0 : i32
    %dma_start3A_125 = tpu.memref_slice %dma_start3A_122[%dma_start3A_123, %dma_start3A_124] : memref<10000x128xf32, #tpu.memory_space<hbm>> -> memref<10000x128xf32, #tpu.memory_space<hbm>>
    %dma_start3A_126 = tpu.memref_slice %arg11[%rem3A_10] : memref<3x!tpu.dma_semaphore, #tpu.memory_space<semaphore_mem>> -> memref<1x!tpu.dma_semaphore, #tpu.memory_space<semaphore_mem>>
    %dma_start3A_127 = tpu.memref_squeeze %dma_start3A_126 : memref<1x!tpu.dma_semaphore, #tpu.memory_space<semaphore_mem>> -> memref<!tpu.dma_semaphore, #tpu.memory_space<semaphore_mem>>
    tpu.enqueue_indirect_dma source(%dma_start3A_125 : memref<10000x128xf32, #tpu.memory_space<hbm>>) target(%dma_start3A_115 : memref<80x128xf32, #tpu.memory_space<vmem>>) offsets(%dma_start3A_118 : memref<80xi32, #tpu.memory_space<vmem>>) semaphore(%dma_start3A_127 : memref<!tpu.dma_semaphore, #tpu.memory_space<semaphore_mem>>)
    %rem3A_128 = arith.constant 1 : i32
    %rem3A_129 = arith.constant 3 : i32
    %rem3A_130 = arith.remsi %rem3A_128, %rem3A_129 : i32
    %get3A_131 = arith.constant 1 : i32
    %get3A_132 = arith.index_cast %get3A_131 : i32 to index
    %get3A_133 = arith.constant 0 : index
    %get3A_134 = tpu.vector_load %arg6[%get3A_132, %get3A_133] {strides = array<i32>} : memref<125x80xi32, #tpu.memory_space<vmem>>, vector<1x16xi32>,
    %get3A_135 = vector.shape_cast %get3A_134 : vector<1x16xi32> to vector<16xi32>
    %and3A_136 = arith.constant 65535 : i32
    %and3A_137 = vector.broadcast %and3A_136 : i32 to vector<16xi32>
    %and3A_138 = arith.andi %get3A_135, %and3A_137 : vector<16xi32>
    %swap3A_139 = arith.index_cast %rem3A_130 : i32 to index
    %swap3A_140 = arith.constant 0 : index
    %swap3A_141 = tpu.vector_load %arg7[%swap3A_139, %swap3A_140] {strides = array<i32>} : memref<3x80xi32, #tpu.memory_space<vmem>>, vector<1x16xi32>,
    %swap3A_142 = vector.shape_cast %swap3A_141 : vector<1x16xi32> to vector<16xi32>
    %swap3A_143 = vector.shape_cast %and3A_138 : vector<16xi32> to vector<1x16xi32>
    tpu.vector_store %arg7[%swap3A_139, %swap3A_140], %swap3A_143 {strides = array<i32>} : memref<3x80xi32, #tpu.memory_space<vmem>>, vector<1x16xi32>,
    %shift_right_logical3A_144 = arith.constant 16 : i32
    %shift_right_logical3A_145 = vector.broadcast %shift_right_logical3A_144 : i32 to vector<16xi32>
    %shift_right_logical3A_146 = arith.shrui %get3A_135, %shift_right_logical3A_145 : vector<16xi32>
    %swap3A_147 = arith.index_cast %rem3A_130 : i32 to index
    %swap3A_148 = arith.constant 0 : index
    %swap3A_149 = tpu.vector_load %arg8[%swap3A_147, %swap3A_148] {strides = array<i32>} : memref<3x80xi32, #tpu.memory_space<vmem>>, vector<1x16xi32>,
    %swap3A_150 = vector.shape_cast %swap3A_149 : vector<1x16xi32> to vector<16xi32>
    %swap3A_151 = vector.shape_cast %shift_right_logical3A_146 : vector<16xi32> to vector<1x16xi32>
    tpu.vector_store %arg8[%swap3A_147, %swap3A_148], %swap3A_151 {strides = array<i32>} : memref<3x80xi32, #tpu.memory_space<vmem>>, vector<1x16xi32>,
    %get3A_152 = arith.constant 1 : i32
    %get3A_153 = arith.index_cast %get3A_152 : i32 to index
    %get3A_154 = arith.constant 16 : index
    %get3A_155 = tpu.vector_load %arg6[%get3A_153, %get3A_154] {strides = array<i32>} : memref<125x80xi32, #tpu.memory_space<vmem>>, vector<1x16xi32>,
    %get3A_156 = vector.shape_cast %get3A_155 : vector<1x16xi32> to vector<16xi32>
    %and3A_157 = arith.constant 65535 : i32
    %and3A_158 = vector.broadcast %and3A_157 : i32 to vector<16xi32>
    %and3A_159 = arith.andi %get3A_156, %and3A_158 : vector<16xi32>
    %swap3A_160 = arith.index_cast %rem3A_130 : i32 to index
    %swap3A_161 = arith.constant 16 : index
    %swap3A_162 = tpu.vector_load %arg7[%swap3A_160, %swap3A_161] {strides = array<i32>} : memref<3x80xi32, #tpu.memory_space<vmem>>, vector<1x16xi32>,
    %swap3A_163 = vector.shape_cast %swap3A_162 : vector<1x16xi32> to vector<16xi32>
    %swap3A_164 = vector.shape_cast %and3A_159 : vector<16xi32> to vector<1x16xi32>
    tpu.vector_store %arg7[%swap3A_160, %swap3A_161], %swap3A_164 {strides = array<i32>} : memref<3x80xi32, #tpu.memory_space<vmem>>, vector<1x16xi32>,
    %shift_right_logical3A_165 = arith.constant 16 : i32
    %shift_right_logical3A_166 = vector.broadcast %shift_right_logical3A_165 : i32 to vector<16xi32>
    %shift_right_logical3A_167 = arith.shrui %get3A_156, %shift_right_logical3A_166 : vector<16xi32>
    %swap3A_168 = arith.index_cast %rem3A_130 : i32 to index
    %swap3A_169 = arith.constant 16 : index
    %swap3A_170 = tpu.vector_load %arg8[%swap3A_168, %swap3A_169] {strides = array<i32>} : memref<3x80xi32, #tpu.memory_space<vmem>>, vector<1x16xi32>,
    %swap3A_171 = vector.shape_cast %swap3A_170 : vector<1x16xi32> to vector<16xi32>
    %swap3A_172 = vector.shape_cast %shift_right_logical3A_167 : vector<16xi32> to vector<1x16xi32>
    tpu.vector_store %arg8[%swap3A_168, %swap3A_169], %swap3A_172 {strides = array<i32>} : memref<3x80xi32, #tpu.memory_space<vmem>>, vector<1x16xi32>,
    %get3A_173 = arith.constant 1 : i32
    %get3A_174 = arith.index_cast %get3A_173 : i32 to index
    %get3A_175 = arith.constant 32 : index
    %get3A_176 = tpu.vector_load %arg6[%get3A_174, %get3A_175] {strides = array<i32>} : memref<125x80xi32, #tpu.memory_space<vmem>>, vector<1x16xi32>,
    %get3A_177 = vector.shape_cast %get3A_176 : vector<1x16xi32> to vector<16xi32>
    %and3A_178 = arith.constant 65535 : i32
    %and3A_179 = vector.broadcast %and3A_178 : i32 to vector<16xi32>
    %and3A_180 = arith.andi %get3A_177, %and3A_179 : vector<16xi32>
    %swap3A_181 = arith.index_cast %rem3A_130 : i32 to index
    %swap3A_182 = arith.constant 32 : index
    %swap3A_183 = tpu.vector_load %arg7[%swap3A_181, %swap3A_182] {strides = array<i32>} : memref<3x80xi32, #tpu.memory_space<vmem>>, vector<1x16xi32>,
    %swap3A_184 = vector.shape_cast %swap3A_183 : vector<1x16xi32> to vector<16xi32>
    %swap3A_185 = vector.shape_cast %and3A_180 : vector<16xi32> to vector<1x16xi32>
    tpu.vector_store %arg7[%swap3A_181, %swap3A_182], %swap3A_185 {strides = array<i32>} : memref<3x80xi32, #tpu.memory_space<vmem>>, vector<1x16xi32>,
    %shift_right_logical3A_186 = arith.constant 16 : i32
    %shift_right_logical3A_187 = vector.broadcast %shift_right_logical3A_186 : i32 to vector<16xi32>
    %shift_right_logical3A_188 = arith.shrui %get3A_177, %shift_right_logical3A_187 : vector<16xi32>
    %swap3A_189 = arith.index_cast %rem3A_130 : i32 to index
    %swap3A_190 = arith.constant 32 : index
    %swap3A_191 = tpu.vector_load %arg8[%swap3A_189, %swap3A_190] {strides = array<i32>} : memref<3x80xi32, #tpu.memory_space<vmem>>, vector<1x16xi32>,
    %swap3A_192 = vector.shape_cast %swap3A_191 : vector<1x16xi32> to vector<16xi32>
    %swap3A_193 = vector.shape_cast %shift_right_logical3A_188 : vector<16xi32> to vector<1x16xi32>
    tpu.vector_store %arg8[%swap3A_189, %swap3A_190], %swap3A_193 {strides = array<i32>} : memref<3x80xi32, #tpu.memory_space<vmem>>, vector<1x16xi32>,
    %get3A_194 = arith.constant 1 : i32
    %get3A_195 = arith.index_cast %get3A_194 : i32 to index
    %get3A_196 = arith.constant 48 : index
    %get3A_197 = tpu.vector_load %arg6[%get3A_195, %get3A_196] {strides = array<i32>} : memref<125x80xi32, #tpu.memory_space<vmem>>, vector<1x16xi32>,
    %get3A_198 = vector.shape_cast %get3A_197 : vector<1x16xi32> to vector<16xi32>
    %and3A_199 = arith.constant 65535 : i32
    %and3A_200 = vector.broadcast %and3A_199 : i32 to vector<16xi32>
    %and3A_201 = arith.andi %get3A_198, %and3A_200 : vector<16xi32>
    %swap3A_202 = arith.index_cast %rem3A_130 : i32 to index
    %swap3A_203 = arith.constant 48 : index
    %swap3A_204 = tpu.vector_load %arg7[%swap3A_202, %swap3A_203] {strides = array<i32>} : memref<3x80xi32, #tpu.memory_space<vmem>>, vector<1x16xi32>,
    %swap3A_205 = vector.shape_cast %swap3A_204 : vector<1x16xi32> to vector<16xi32>
    %swap3A_206 = vector.shape_cast %and3A_201 : vector<16xi32> to vector<1x16xi32>
    tpu.vector_store %arg7[%swap3A_202, %swap3A_203], %swap3A_206 {strides = array<i32>} : memref<3x80xi32, #tpu.memory_space<vmem>>, vector<1x16xi32>,
    %shift_right_logical3A_207 = arith.constant 16 : i32
    %shift_right_logical3A_208 = vector.broadcast %shift_right_logical3A_207 : i32 to vector<16xi32>
    %shift_right_logical3A_209 = arith.shrui %get3A_198, %shift_right_logical3A_208 : vector<16xi32>
    %swap3A_210 = arith.index_cast %rem3A_130 : i32 to index
    %swap3A_211 = arith.constant 48 : index
    %swap3A_212 = tpu.vector_load %arg8[%swap3A_210, %swap3A_211] {strides = array<i32>} : memref<3x80xi32, #tpu.memory_space<vmem>>, vector<1x16xi32>,
    %swap3A_213 = vector.shape_cast %swap3A_212 : vector<1x16xi32> to vector<16xi32>
    %swap3A_214 = vector.shape_cast %shift_right_logical3A_209 : vector<16xi32> to vector<1x16xi32>
    tpu.vector_store %arg8[%swap3A_210, %swap3A_211], %swap3A_214 {strides = array<i32>} : memref<3x80xi32, #tpu.memory_space<vmem>>, vector<1x16xi32>,
    %get3A_215 = arith.constant 1 : i32
    %get3A_216 = arith.index_cast %get3A_215 : i32 to index
    %get3A_217 = arith.constant 64 : index
    %get3A_218 = tpu.vector_load %arg6[%get3A_216, %get3A_217] {strides = array<i32>} : memref<125x80xi32, #tpu.memory_space<vmem>>, vector<1x16xi32>,
    %get3A_219 = vector.shape_cast %get3A_218 : vector<1x16xi32> to vector<16xi32>
    %and3A_220 = arith.constant 65535 : i32
    %and3A_221 = vector.broadcast %and3A_220 : i32 to vector<16xi32>
    %and3A_222 = arith.andi %get3A_219, %and3A_221 : vector<16xi32>
    %swap3A_223 = arith.index_cast %rem3A_130 : i32 to index
    %swap3A_224 = arith.constant 64 : index
    %swap3A_225 = tpu.vector_load %arg7[%swap3A_223, %swap3A_224] {strides = array<i32>} : memref<3x80xi32, #tpu.memory_space<vmem>>, vector<1x16xi32>,
    %swap3A_226 = vector.shape_cast %swap3A_225 : vector<1x16xi32> to vector<16xi32>
    %swap3A_227 = vector.shape_cast %and3A_222 : vector<16xi32> to vector<1x16xi32>
    tpu.vector_store %arg7[%swap3A_223, %swap3A_224], %swap3A_227 {strides = array<i32>} : memref<3x80xi32, #tpu.memory_space<vmem>>, vector<1x16xi32>,
    %shift_right_logical3A_228 = arith.constant 16 : i32
    %shift_right_logical3A_229 = vector.broadcast %shift_right_logical3A_228 : i32 to vector<16xi32>
    %shift_right_logical3A_230 = arith.shrui %get3A_219, %shift_right_logical3A_229 : vector<16xi32>
    %swap3A_231 = arith.index_cast %rem3A_130 : i32 to index
    %swap3A_232 = arith.constant 64 : index
    %swap3A_233 = tpu.vector_load %arg8[%swap3A_231, %swap3A_232] {strides = array<i32>} : memref<3x80xi32, #tpu.memory_space<vmem>>, vector<1x16xi32>,
    %swap3A_234 = vector.shape_cast %swap3A_233 : vector<1x16xi32> to vector<16xi32>
    %swap3A_235 = vector.shape_cast %shift_right_logical3A_230 : vector<16xi32> to vector<1x16xi32>
    tpu.vector_store %arg8[%swap3A_231, %swap3A_232], %swap3A_235 {strides = array<i32>} : memref<3x80xi32, #tpu.memory_space<vmem>>, vector<1x16xi32>,
    %dma_start3A_236 = arith.constant 0 : i32
    %dma_start3A_237 = arith.constant 0 : i32
    %dma_start3A_238 = tpu.memref_slice %arg9[%rem3A_130, %dma_start3A_236, %dma_start3A_237] : memref<3x80x128xf32, #tpu.memory_space<vmem>> -> memref<1x80x128xf32, #tpu.memory_space<vmem>>
    %dma_start3A_239 = tpu.memref_squeeze %dma_start3A_238 : memref<1x80x128xf32, #tpu.memory_space<vmem>> -> memref<80x128xf32, #tpu.memory_space<vmem>>
    %dma_start3A_240 = arith.constant 0 : i32
    %dma_start3A_241 = tpu.memref_slice %arg7[%rem3A_130, %dma_start3A_240] : memref<3x80xi32, #tpu.memory_space<vmem>> -> memref<1x80xi32, #tpu.memory_space<vmem>>
    %dma_start3A_242 = tpu.memref_squeeze %dma_start3A_241 : memref<1x80xi32, #tpu.memory_space<vmem>> -> memref<80xi32, #tpu.memory_space<vmem>>
    %dma_start3A_243 = arith.constant 0 : i32
    %dma_start3A_244 = arith.constant 0 : i32
    %dma_start3A_245 = tpu.memref_slice %arg2[%arg0, %dma_start3A_243, %dma_start3A_244] : memref<2x10000x128xf32, #tpu.memory_space<hbm>> -> memref<1x10000x128xf32, #tpu.memory_space<hbm>>
    %dma_start3A_246 = tpu.memref_squeeze %dma_start3A_245 : memref<1x10000x128xf32, #tpu.memory_space<hbm>> -> memref<10000x128xf32, #tpu.memory_space<hbm>>
    %dma_start3A_247 = arith.constant 0 : i32
    %dma_start3A_248 = arith.constant 0 : i32
    %dma_start3A_249 = tpu.memref_slice %dma_start3A_246[%dma_start3A_247, %dma_start3A_248] : memref<10000x128xf32, #tpu.memory_space<hbm>> -> memref<10000x128xf32, #tpu.memory_space<hbm>>
    %dma_start3A_250 = tpu.memref_slice %arg11[%rem3A_130] : memref<3x!tpu.dma_semaphore, #tpu.memory_space<semaphore_mem>> -> memref<1x!tpu.dma_semaphore, #tpu.memory_space<semaphore_mem>>
    %dma_start3A_251 = tpu.memref_squeeze %dma_start3A_250 : memref<1x!tpu.dma_semaphore, #tpu.memory_space<semaphore_mem>> -> memref<!tpu.dma_semaphore, #tpu.memory_space<semaphore_mem>>
    tpu.enqueue_indirect_dma source(%dma_start3A_249 : memref<10000x128xf32, #tpu.memory_space<hbm>>) target(%dma_start3A_239 : memref<80x128xf32, #tpu.memory_space<vmem>>) offsets(%dma_start3A_242 : memref<80xi32, #tpu.memory_space<vmem>>) semaphore(%dma_start3A_251 : memref<!tpu.dma_semaphore, #tpu.memory_space<semaphore_mem>>)
    %mul3A_252 = arith.constant 624 : i32
    %mul3A_253 = arith.muli %arg1, %mul3A_252 : i32
    %mul3A_254 = arith.constant 624 : i32
    %mul3A_255 = arith.muli %arg1, %mul3A_254 : i32
    %dma_wait3A = arith.constant 0 : i32
    %dma_wait3A_256 = tpu.memref_slice %arg10[%mul3A_255, %dma_wait3A] : memref<10008x128xf32, #tpu.memory_space<vmem_shared>> -> memref<624x128xf32, #tpu.memory_space<vmem_shared>>
    %dma_wait3A_257 = arith.constant 0 : i32
    %dma_wait3A_258 = tpu.memref_slice %arg3[%arg0, %mul3A_253, %dma_wait3A_257] : memref<2x10000x128xf32, #tpu.memory_space<hbm>> -> memref<1x624x128xf32, #tpu.memory_space<hbm>>
    %dma_wait3A_259 = tpu.memref_squeeze %dma_wait3A_258 : memref<1x624x128xf32, #tpu.memory_space<hbm>> -> memref<624x128xf32, #tpu.memory_space<hbm>>
    tpu.wait_dma2 semaphore(%arg13 : memref<!tpu.dma_semaphore, #tpu.memory_space<semaphore_mem>>) src(%dma_wait3A_259 : memref<624x128xf32, #tpu.memory_space<hbm>>) dst(%dma_wait3A_256 : memref<624x128xf32, #tpu.memory_space<vmem_shared>>)
    %eq3A_260 = arith.constant 15 : i32
    %eq3A_261 = arith.cmpi eq, %arg1, %eq3A_260 : i32
    %convert_element_type3A_262 = arith.extui %eq3A_261 : i1 to i32
    %cond3A_263 = arith.constant 0 : i32
    %cond3A_264 = arith.cmpi ne, %convert_element_type3A_262, %cond3A_263 : i32
    scf.if %cond3A_264 {
      %dma_wait3A_295 = arith.constant 9984 : i32
      %dma_wait3A_296 = arith.constant 0 : i32
      %dma_wait3A_297 = tpu.memref_slice %arg10[%dma_wait3A_295, %dma_wait3A_296] : memref<10008x128xf32, #tpu.memory_space<vmem_shared>> -> memref<16x128xf32, #tpu.memory_space<vmem_shared>>
      %dma_wait3A_298 = arith.constant 9984 : i32
      %dma_wait3A_299 = arith.constant 0 : i32
      %dma_wait3A_300 = tpu.memref_slice %arg3[%arg0, %dma_wait3A_298, %dma_wait3A_299] : memref<2x10000x128xf32, #tpu.memory_space<hbm>> -> memref<1x16x128xf32, #tpu.memory_space<hbm>>
      %dma_wait3A_301 = tpu.memref_squeeze %dma_wait3A_300 : memref<1x16x128xf32, #tpu.memory_space<hbm>> -> memref<16x128xf32, #tpu.memory_space<hbm>>
      tpu.wait_dma2 semaphore(%arg13 : memref<!tpu.dma_semaphore, #tpu.memory_space<semaphore_mem>>) src(%dma_wait3A_301 : memref<16x128xf32, #tpu.memory_space<hbm>>) dst(%dma_wait3A_297 : memref<16x128xf32, #tpu.memory_space<vmem_shared>>)
    } else {
    }
    %barrier3A = arith.constant 0 : index
    tpu.barrier barrier_id(%barrier3A)
    %scan3A = arith.constant 0 : i32
    %scan3A_265 = arith.constant 0 : i32
    %scan3A_266 = arith.constant 125 : i32
    %scan3A_267 = arith.addi %scan3A_265, %scan3A_266 : i32
    %scan3A_268 = arith.constant 1 : i32
    scf.for %scan3A_295 = %scan3A_265 to %scan3A_267 step %scan3A_268  : i32 {
      %ge3A = arith.constant 1 : i32
      %ge3A_296 = arith.cmpi sge, %scan3A_295, %ge3A : i32
      %convert_element_type3A_297 = arith.extui %ge3A_296 : i1 to i32
      %cond3A_298 = arith.constant 0 : i32
      %cond3A_299 = arith.cmpi ne, %convert_element_type3A_297, %cond3A_298 : i32
      scf.if %cond3A_299 {
        %sub3A = arith.constant 1 : i32
        %sub3A_335 = arith.subi %scan3A_295, %sub3A : i32
        %rem3A_336 = arith.constant 3 : i32
        %rem3A_337 = arith.remsi %sub3A_335, %rem3A_336 : i32
        %dma_wait3A_338 = arith.constant 0 : i32
        %dma_wait3A_339 = arith.constant 0 : i32
        %dma_wait3A_340 = tpu.memref_slice %arg9[%rem3A_337, %dma_wait3A_338, %dma_wait3A_339] : memref<3x80x128xf32, #tpu.memory_space<vmem>> -> memref<1x80x128xf32, #tpu.memory_space<vmem>>
        %dma_wait3A_341 = tpu.memref_squeeze %dma_wait3A_340 : memref<1x80x128xf32, #tpu.memory_space<vmem>> -> memref<80x128xf32, #tpu.memory_space<vmem>>
        %dma_wait3A_342 = arith.constant 0 : i32
        %dma_wait3A_343 = tpu.memref_slice %arg8[%rem3A_337, %dma_wait3A_342] : memref<3x80xi32, #tpu.memory_space<vmem>> -> memref<1x80xi32, #tpu.memory_space<vmem>>
        %dma_wait3A_344 = tpu.memref_squeeze %dma_wait3A_343 : memref<1x80xi32, #tpu.memory_space<vmem>> -> memref<80xi32, #tpu.memory_space<vmem>>
        %dma_wait3A_345 = arith.constant 0 : i32
        %dma_wait3A_346 = arith.constant 0 : i32
        %dma_wait3A_347 = tpu.memref_slice %arg10[%dma_wait3A_345, %dma_wait3A_346] : memref<10008x128xf32, #tpu.memory_space<vmem_shared>> -> memref<10008x128xf32, #tpu.memory_space<vmem_shared>>
        %dma_wait3A_348 = tpu.memref_slice %arg12[%rem3A_337] : memref<3x!tpu.dma_semaphore, #tpu.memory_space<semaphore_mem>> -> memref<1x!tpu.dma_semaphore, #tpu.memory_space<semaphore_mem>>
        %dma_wait3A_349 = tpu.memref_squeeze %dma_wait3A_348 : memref<1x!tpu.dma_semaphore, #tpu.memory_space<semaphore_mem>> -> memref<!tpu.dma_semaphore, #tpu.memory_space<semaphore_mem>>
        tpu.wait_indirect_dma semaphore(%dma_wait3A_349 : memref<!tpu.dma_semaphore, #tpu.memory_space<semaphore_mem>>) src(%dma_wait3A_341 : memref<80x128xf32, #tpu.memory_space<vmem>>) dst(%dma_wait3A_347 : memref<10008x128xf32, #tpu.memory_space<vmem_shared>>)
      } else {
      }
      %add3A = arith.constant 2 : i32
      %add3A_300 = arith.addi %scan3A_295, %add3A : i32
      %lt3A = arith.constant 125 : i32
      %lt3A_301 = arith.cmpi slt, %add3A_300, %lt3A : i32
      %convert_element_type3A_302 = arith.extui %lt3A_301 : i1 to i32
      %cond3A_303 = arith.constant 0 : i32
      %cond3A_304 = arith.cmpi ne, %convert_element_type3A_302, %cond3A_303 : i32
      scf.if %cond3A_304 {
        %add3A_335 = arith.constant 2 : i32
        %add3A_336 = arith.addi %scan3A_295, %add3A_335 : i32
        %rem3A_337 = arith.constant 3 : i32
        %rem3A_338 = arith.remsi %add3A_336, %rem3A_337 : i32
        %get3A_339 = arith.index_cast %add3A_336 : i32 to index
        %get3A_340 = arith.constant 0 : index
        %get3A_341 = tpu.vector_load %arg6[%get3A_339, %get3A_340] {strides = array<i32>} : memref<125x80xi32, #tpu.memory_space<vmem>>, vector<1x16xi32>,
        %get3A_342 = vector.shape_cast %get3A_341 : vector<1x16xi32> to vector<16xi32>
        %and3A_343 = arith.constant 65535 : i32
        %and3A_344 = vector.broadcast %and3A_343 : i32 to vector<16xi32>
        %and3A_345 = arith.andi %get3A_342, %and3A_344 : vector<16xi32>
        %swap3A_346 = arith.index_cast %rem3A_338 : i32 to index
        %swap3A_347 = arith.constant 0 : index
        %swap3A_348 = tpu.vector_load %arg7[%swap3A_346, %swap3A_347] {strides = array<i32>} : memref<3x80xi32, #tpu.memory_space<vmem>>, vector<1x16xi32>,
        %swap3A_349 = vector.shape_cast %swap3A_348 : vector<1x16xi32> to vector<16xi32>
        %swap3A_350 = vector.shape_cast %and3A_345 : vector<16xi32> to vector<1x16xi32>
        tpu.vector_store %arg7[%swap3A_346, %swap3A_347], %swap3A_350 {strides = array<i32>} : memref<3x80xi32, #tpu.memory_space<vmem>>, vector<1x16xi32>,
        %shift_right_logical3A_351 = arith.constant 16 : i32
        %shift_right_logical3A_352 = vector.broadcast %shift_right_logical3A_351 : i32 to vector<16xi32>
        %shift_right_logical3A_353 = arith.shrui %get3A_342, %shift_right_logical3A_352 : vector<16xi32>
        %swap3A_354 = arith.index_cast %rem3A_338 : i32 to index
        %swap3A_355 = arith.constant 0 : index
        %swap3A_356 = tpu.vector_load %arg8[%swap3A_354, %swap3A_355] {strides = array<i32>} : memref<3x80xi32, #tpu.memory_space<vmem>>, vector<1x16xi32>,
        %swap3A_357 = vector.shape_cast %swap3A_356 : vector<1x16xi32> to vector<16xi32>
        %swap3A_358 = vector.shape_cast %shift_right_logical3A_353 : vector<16xi32> to vector<1x16xi32>
        tpu.vector_store %arg8[%swap3A_354, %swap3A_355], %swap3A_358 {strides = array<i32>} : memref<3x80xi32, #tpu.memory_space<vmem>>, vector<1x16xi32>,
        %get3A_359 = arith.index_cast %add3A_336 : i32 to index
        %get3A_360 = arith.constant 16 : index
        %get3A_361 = tpu.vector_load %arg6[%get3A_359, %get3A_360] {strides = array<i32>} : memref<125x80xi32, #tpu.memory_space<vmem>>, vector<1x16xi32>,
        %get3A_362 = vector.shape_cast %get3A_361 : vector<1x16xi32> to vector<16xi32>
        %and3A_363 = arith.constant 65535 : i32
        %and3A_364 = vector.broadcast %and3A_363 : i32 to vector<16xi32>
        %and3A_365 = arith.andi %get3A_362, %and3A_364 : vector<16xi32>
        %swap3A_366 = arith.index_cast %rem3A_338 : i32 to index
        %swap3A_367 = arith.constant 16 : index
        %swap3A_368 = tpu.vector_load %arg7[%swap3A_366, %swap3A_367] {strides = array<i32>} : memref<3x80xi32, #tpu.memory_space<vmem>>, vector<1x16xi32>,
        %swap3A_369 = vector.shape_cast %swap3A_368 : vector<1x16xi32> to vector<16xi32>
        %swap3A_370 = vector.shape_cast %and3A_365 : vector<16xi32> to vector<1x16xi32>
        tpu.vector_store %arg7[%swap3A_366, %swap3A_367], %swap3A_370 {strides = array<i32>} : memref<3x80xi32, #tpu.memory_space<vmem>>, vector<1x16xi32>,
        %shift_right_logical3A_371 = arith.constant 16 : i32
        %shift_right_logical3A_372 = vector.broadcast %shift_right_logical3A_371 : i32 to vector<16xi32>
        %shift_right_logical3A_373 = arith.shrui %get3A_362, %shift_right_logical3A_372 : vector<16xi32>
        %swap3A_374 = arith.index_cast %rem3A_338 : i32 to index
        %swap3A_375 = arith.constant 16 : index
        %swap3A_376 = tpu.vector_load %arg8[%swap3A_374, %swap3A_375] {strides = array<i32>} : memref<3x80xi32, #tpu.memory_space<vmem>>, vector<1x16xi32>,
        %swap3A_377 = vector.shape_cast %swap3A_376 : vector<1x16xi32> to vector<16xi32>
        %swap3A_378 = vector.shape_cast %shift_right_logical3A_373 : vector<16xi32> to vector<1x16xi32>
        tpu.vector_store %arg8[%swap3A_374, %swap3A_375], %swap3A_378 {strides = array<i32>} : memref<3x80xi32, #tpu.memory_space<vmem>>, vector<1x16xi32>,
        %get3A_379 = arith.index_cast %add3A_336 : i32 to index
        %get3A_380 = arith.constant 32 : index
        %get3A_381 = tpu.vector_load %arg6[%get3A_379, %get3A_380] {strides = array<i32>} : memref<125x80xi32, #tpu.memory_space<vmem>>, vector<1x16xi32>,
        %get3A_382 = vector.shape_cast %get3A_381 : vector<1x16xi32> to vector<16xi32>
        %and3A_383 = arith.constant 65535 : i32
        %and3A_384 = vector.broadcast %and3A_383 : i32 to vector<16xi32>
        %and3A_385 = arith.andi %get3A_382, %and3A_384 : vector<16xi32>
        %swap3A_386 = arith.index_cast %rem3A_338 : i32 to index
        %swap3A_387 = arith.constant 32 : index
        %swap3A_388 = tpu.vector_load %arg7[%swap3A_386, %swap3A_387] {strides = array<i32>} : memref<3x80xi32, #tpu.memory_space<vmem>>, vector<1x16xi32>,
        %swap3A_389 = vector.shape_cast %swap3A_388 : vector<1x16xi32> to vector<16xi32>
        %swap3A_390 = vector.shape_cast %and3A_385 : vector<16xi32> to vector<1x16xi32>
        tpu.vector_store %arg7[%swap3A_386, %swap3A_387], %swap3A_390 {strides = array<i32>} : memref<3x80xi32, #tpu.memory_space<vmem>>, vector<1x16xi32>,
        %shift_right_logical3A_391 = arith.constant 16 : i32
        %shift_right_logical3A_392 = vector.broadcast %shift_right_logical3A_391 : i32 to vector<16xi32>
        %shift_right_logical3A_393 = arith.shrui %get3A_382, %shift_right_logical3A_392 : vector<16xi32>
        %swap3A_394 = arith.index_cast %rem3A_338 : i32 to index
        %swap3A_395 = arith.constant 32 : index
        %swap3A_396 = tpu.vector_load %arg8[%swap3A_394, %swap3A_395] {strides = array<i32>} : memref<3x80xi32, #tpu.memory_space<vmem>>, vector<1x16xi32>,
        %swap3A_397 = vector.shape_cast %swap3A_396 : vector<1x16xi32> to vector<16xi32>
        %swap3A_398 = vector.shape_cast %shift_right_logical3A_393 : vector<16xi32> to vector<1x16xi32>
        tpu.vector_store %arg8[%swap3A_394, %swap3A_395], %swap3A_398 {strides = array<i32>} : memref<3x80xi32, #tpu.memory_space<vmem>>, vector<1x16xi32>,
        %get3A_399 = arith.index_cast %add3A_336 : i32 to index
        %get3A_400 = arith.constant 48 : index
        %get3A_401 = tpu.vector_load %arg6[%get3A_399, %get3A_400] {strides = array<i32>} : memref<125x80xi32, #tpu.memory_space<vmem>>, vector<1x16xi32>,
        %get3A_402 = vector.shape_cast %get3A_401 : vector<1x16xi32> to vector<16xi32>
        %and3A_403 = arith.constant 65535 : i32
        %and3A_404 = vector.broadcast %and3A_403 : i32 to vector<16xi32>
        %and3A_405 = arith.andi %get3A_402, %and3A_404 : vector<16xi32>
        %swap3A_406 = arith.index_cast %rem3A_338 : i32 to index
        %swap3A_407 = arith.constant 48 : index
        %swap3A_408 = tpu.vector_load %arg7[%swap3A_406, %swap3A_407] {strides = array<i32>} : memref<3x80xi32, #tpu.memory_space<vmem>>, vector<1x16xi32>,
        %swap3A_409 = vector.shape_cast %swap3A_408 : vector<1x16xi32> to vector<16xi32>
        %swap3A_410 = vector.shape_cast %and3A_405 : vector<16xi32> to vector<1x16xi32>
        tpu.vector_store %arg7[%swap3A_406, %swap3A_407], %swap3A_410 {strides = array<i32>} : memref<3x80xi32, #tpu.memory_space<vmem>>, vector<1x16xi32>,
        %shift_right_logical3A_411 = arith.constant 16 : i32
        %shift_right_logical3A_412 = vector.broadcast %shift_right_logical3A_411 : i32 to vector<16xi32>
        %shift_right_logical3A_413 = arith.shrui %get3A_402, %shift_right_logical3A_412 : vector<16xi32>
        %swap3A_414 = arith.index_cast %rem3A_338 : i32 to index
        %swap3A_415 = arith.constant 48 : index
        %swap3A_416 = tpu.vector_load %arg8[%swap3A_414, %swap3A_415] {strides = array<i32>} : memref<3x80xi32, #tpu.memory_space<vmem>>, vector<1x16xi32>,
        %swap3A_417 = vector.shape_cast %swap3A_416 : vector<1x16xi32> to vector<16xi32>
        %swap3A_418 = vector.shape_cast %shift_right_logical3A_413 : vector<16xi32> to vector<1x16xi32>
        tpu.vector_store %arg8[%swap3A_414, %swap3A_415], %swap3A_418 {strides = array<i32>} : memref<3x80xi32, #tpu.memory_space<vmem>>, vector<1x16xi32>,
        %get3A_419 = arith.index_cast %add3A_336 : i32 to index
        %get3A_420 = arith.constant 64 : index
        %get3A_421 = tpu.vector_load %arg6[%get3A_419, %get3A_420] {strides = array<i32>} : memref<125x80xi32, #tpu.memory_space<vmem>>, vector<1x16xi32>,
        %get3A_422 = vector.shape_cast %get3A_421 : vector<1x16xi32> to vector<16xi32>
        %and3A_423 = arith.constant 65535 : i32
        %and3A_424 = vector.broadcast %and3A_423 : i32 to vector<16xi32>
        %and3A_425 = arith.andi %get3A_422, %and3A_424 : vector<16xi32>
        %swap3A_426 = arith.index_cast %rem3A_338 : i32 to index
        %swap3A_427 = arith.constant 64 : index
        %swap3A_428 = tpu.vector_load %arg7[%swap3A_426, %swap3A_427] {strides = array<i32>} : memref<3x80xi32, #tpu.memory_space<vmem>>, vector<1x16xi32>,
        %swap3A_429 = vector.shape_cast %swap3A_428 : vector<1x16xi32> to vector<16xi32>
        %swap3A_430 = vector.shape_cast %and3A_425 : vector<16xi32> to vector<1x16xi32>
        tpu.vector_store %arg7[%swap3A_426, %swap3A_427], %swap3A_430 {strides = array<i32>} : memref<3x80xi32, #tpu.memory_space<vmem>>, vector<1x16xi32>,
        %shift_right_logical3A_431 = arith.constant 16 : i32
        %shift_right_logical3A_432 = vector.broadcast %shift_right_logical3A_431 : i32 to vector<16xi32>
        %shift_right_logical3A_433 = arith.shrui %get3A_422, %shift_right_logical3A_432 : vector<16xi32>
        %swap3A_434 = arith.index_cast %rem3A_338 : i32 to index
        %swap3A_435 = arith.constant 64 : index
        %swap3A_436 = tpu.vector_load %arg8[%swap3A_434, %swap3A_435] {strides = array<i32>} : memref<3x80xi32, #tpu.memory_space<vmem>>, vector<1x16xi32>,
        %swap3A_437 = vector.shape_cast %swap3A_436 : vector<1x16xi32> to vector<16xi32>
        %swap3A_438 = vector.shape_cast %shift_right_logical3A_433 : vector<16xi32> to vector<1x16xi32>
        tpu.vector_store %arg8[%swap3A_434, %swap3A_435], %swap3A_438 {strides = array<i32>} : memref<3x80xi32, #tpu.memory_space<vmem>>, vector<1x16xi32>,
        %dma_start3A_439 = arith.constant 0 : i32
        %dma_start3A_440 = arith.constant 0 : i32
        %dma_start3A_441 = tpu.memref_slice %arg9[%rem3A_338, %dma_start3A_439, %dma_start3A_440] : memref<3x80x128xf32, #tpu.memory_space<vmem>> -> memref<1x80x128xf32, #tpu.memory_space<vmem>>
        %dma_start3A_442 = tpu.memref_squeeze %dma_start3A_441 : memref<1x80x128xf32, #tpu.memory_space<vmem>> -> memref<80x128xf32, #tpu.memory_space<vmem>>
        %dma_start3A_443 = arith.constant 0 : i32
        %dma_start3A_444 = tpu.memref_slice %arg7[%rem3A_338, %dma_start3A_443] : memref<3x80xi32, #tpu.memory_space<vmem>> -> memref<1x80xi32, #tpu.memory_space<vmem>>
        %dma_start3A_445 = tpu.memref_squeeze %dma_start3A_444 : memref<1x80xi32, #tpu.memory_space<vmem>> -> memref<80xi32, #tpu.memory_space<vmem>>
        %dma_start3A_446 = arith.constant 0 : i32
        %dma_start3A_447 = arith.constant 0 : i32
        %dma_start3A_448 = tpu.memref_slice %arg2[%arg0, %dma_start3A_446, %dma_start3A_447] : memref<2x10000x128xf32, #tpu.memory_space<hbm>> -> memref<1x10000x128xf32, #tpu.memory_space<hbm>>
        %dma_start3A_449 = tpu.memref_squeeze %dma_start3A_448 : memref<1x10000x128xf32, #tpu.memory_space<hbm>> -> memref<10000x128xf32, #tpu.memory_space<hbm>>
        %dma_start3A_450 = arith.constant 0 : i32
        %dma_start3A_451 = arith.constant 0 : i32
        %dma_start3A_452 = tpu.memref_slice %dma_start3A_449[%dma_start3A_450, %dma_start3A_451] : memref<10000x128xf32, #tpu.memory_space<hbm>> -> memref<10000x128xf32, #tpu.memory_space<hbm>>
        %dma_start3A_453 = tpu.memref_slice %arg11[%rem3A_338] : memref<3x!tpu.dma_semaphore, #tpu.memory_space<semaphore_mem>> -> memref<1x!tpu.dma_semaphore, #tpu.memory_space<semaphore_mem>>
        %dma_start3A_454 = tpu.memref_squeeze %dma_start3A_453 : memref<1x!tpu.dma_semaphore, #tpu.memory_space<semaphore_mem>> -> memref<!tpu.dma_semaphore, #tpu.memory_space<semaphore_mem>>
        tpu.enqueue_indirect_dma source(%dma_start3A_452 : memref<10000x128xf32, #tpu.memory_space<hbm>>) target(%dma_start3A_442 : memref<80x128xf32, #tpu.memory_space<vmem>>) offsets(%dma_start3A_445 : memref<80xi32, #tpu.memory_space<vmem>>) semaphore(%dma_start3A_454 : memref<!tpu.dma_semaphore, #tpu.memory_space<semaphore_mem>>)
      } else {
      }
      %rem3A_305 = arith.constant 3 : i32
      %rem3A_306 = arith.remsi %scan3A_295, %rem3A_305 : i32
      %dma_wait3A_307 = arith.constant 0 : i32
      %dma_wait3A_308 = arith.constant 0 : i32
      %dma_wait3A_309 = tpu.memref_slice %arg9[%rem3A_306, %dma_wait3A_307, %dma_wait3A_308] : memref<3x80x128xf32, #tpu.memory_space<vmem>> -> memref<1x80x128xf32, #tpu.memory_space<vmem>>
      %dma_wait3A_310 = tpu.memref_squeeze %dma_wait3A_309 : memref<1x80x128xf32, #tpu.memory_space<vmem>> -> memref<80x128xf32, #tpu.memory_space<vmem>>
      %dma_wait3A_311 = arith.constant 0 : i32
      %dma_wait3A_312 = tpu.memref_slice %arg7[%rem3A_306, %dma_wait3A_311] : memref<3x80xi32, #tpu.memory_space<vmem>> -> memref<1x80xi32, #tpu.memory_space<vmem>>
      %dma_wait3A_313 = tpu.memref_squeeze %dma_wait3A_312 : memref<1x80xi32, #tpu.memory_space<vmem>> -> memref<80xi32, #tpu.memory_space<vmem>>
      %dma_wait3A_314 = arith.constant 0 : i32
      %dma_wait3A_315 = arith.constant 0 : i32
      %dma_wait3A_316 = tpu.memref_slice %arg2[%arg0, %dma_wait3A_314, %dma_wait3A_315] : memref<2x10000x128xf32, #tpu.memory_space<hbm>> -> memref<1x10000x128xf32, #tpu.memory_space<hbm>>
      %dma_wait3A_317 = tpu.memref_squeeze %dma_wait3A_316 : memref<1x10000x128xf32, #tpu.memory_space<hbm>> -> memref<10000x128xf32, #tpu.memory_space<hbm>>
      %dma_wait3A_318 = arith.constant 0 : i32
      %dma_wait3A_319 = arith.constant 0 : i32
      %dma_wait3A_320 = tpu.memref_slice %dma_wait3A_317[%dma_wait3A_318, %dma_wait3A_319] : memref<10000x128xf32, #tpu.memory_space<hbm>> -> memref<10000x128xf32, #tpu.memory_space<hbm>>
      %dma_wait3A_321 = tpu.memref_slice %arg11[%rem3A_306] : memref<3x!tpu.dma_semaphore, #tpu.memory_space<semaphore_mem>> -> memref<1x!tpu.dma_semaphore, #tpu.memory_space<semaphore_mem>>
      %dma_wait3A_322 = tpu.memref_squeeze %dma_wait3A_321 : memref<1x!tpu.dma_semaphore, #tpu.memory_space<semaphore_mem>> -> memref<!tpu.dma_semaphore, #tpu.memory_space<semaphore_mem>>
      tpu.wait_indirect_dma semaphore(%dma_wait3A_322 : memref<!tpu.dma_semaphore, #tpu.memory_space<semaphore_mem>>) src(%dma_wait3A_320 : memref<10000x128xf32, #tpu.memory_space<hbm>>) dst(%dma_wait3A_310 : memref<80x128xf32, #tpu.memory_space<vmem>>)
      %dma_start3A_323 = arith.constant 0 : i32
      %dma_start3A_324 = arith.constant 0 : i32
      %dma_start3A_325 = tpu.memref_slice %arg9[%rem3A_306, %dma_start3A_323, %dma_start3A_324] : memref<3x80x128xf32, #tpu.memory_space<vmem>> -> memref<1x80x128xf32, #tpu.memory_space<vmem>>
      %dma_start3A_326 = tpu.memref_squeeze %dma_start3A_325 : memref<1x80x128xf32, #tpu.memory_space<vmem>> -> memref<80x128xf32, #tpu.memory_space<vmem>>
      %dma_start3A_327 = arith.constant 0 : i32
      %dma_start3A_328 = tpu.memref_slice %arg8[%rem3A_306, %dma_start3A_327] : memref<3x80xi32, #tpu.memory_space<vmem>> -> memref<1x80xi32, #tpu.memory_space<vmem>>
      %dma_start3A_329 = tpu.memref_squeeze %dma_start3A_328 : memref<1x80xi32, #tpu.memory_space<vmem>> -> memref<80xi32, #tpu.memory_space<vmem>>
      %dma_start3A_330 = arith.constant 0 : i32
      %dma_start3A_331 = arith.constant 0 : i32
      %dma_start3A_332 = tpu.memref_slice %arg10[%dma_start3A_330, %dma_start3A_331] : memref<10008x128xf32, #tpu.memory_space<vmem_shared>> -> memref<10008x128xf32, #tpu.memory_space<vmem_shared>>
      %dma_start3A_333 = tpu.memref_slice %arg12[%rem3A_306] : memref<3x!tpu.dma_semaphore, #tpu.memory_space<semaphore_mem>> -> memref<1x!tpu.dma_semaphore, #tpu.memory_space<semaphore_mem>>
      %dma_start3A_334 = tpu.memref_squeeze %dma_start3A_333 : memref<1x!tpu.dma_semaphore, #tpu.memory_space<semaphore_mem>> -> memref<!tpu.dma_semaphore, #tpu.memory_space<semaphore_mem>>
      tpu.enqueue_indirect_dma source(%dma_start3A_326 : memref<80x128xf32, #tpu.memory_space<vmem>>) target(%dma_start3A_332 : memref<10008x128xf32, #tpu.memory_space<vmem_shared>>) offsets(%dma_start3A_329 : memref<80xi32, #tpu.memory_space<vmem>>) semaphore(%dma_start3A_334 : memref<!tpu.dma_semaphore, #tpu.memory_space<semaphore_mem>>) {add = true}
    }
    %scan3A_269 = arith.constant 125 : i32
    %rem3A_270 = arith.constant 124 : i32
    %rem3A_271 = arith.constant 3 : i32
    %rem3A_272 = arith.remsi %rem3A_270, %rem3A_271 : i32
    %dma_wait3A_273 = arith.constant 0 : i32
    %dma_wait3A_274 = arith.constant 0 : i32
    %dma_wait3A_275 = tpu.memref_slice %arg9[%rem3A_272, %dma_wait3A_273, %dma_wait3A_274] : memref<3x80x128xf32, #tpu.memory_space<vmem>> -> memref<1x80x128xf32, #tpu.memory_space<vmem>>
    %dma_wait3A_276 = tpu.memref_squeeze %dma_wait3A_275 : memref<1x80x128xf32, #tpu.memory_space<vmem>> -> memref<80x128xf32, #tpu.memory_space<vmem>>
    %dma_wait3A_277 = arith.constant 0 : i32
    %dma_wait3A_278 = tpu.memref_slice %arg8[%rem3A_272, %dma_wait3A_277] : memref<3x80xi32, #tpu.memory_space<vmem>> -> memref<1x80xi32, #tpu.memory_space<vmem>>
    %dma_wait3A_279 = tpu.memref_squeeze %dma_wait3A_278 : memref<1x80xi32, #tpu.memory_space<vmem>> -> memref<80xi32, #tpu.memory_space<vmem>>
    %dma_wait3A_280 = arith.constant 0 : i32
    %dma_wait3A_281 = arith.constant 0 : i32
    %dma_wait3A_282 = tpu.memref_slice %arg10[%dma_wait3A_280, %dma_wait3A_281] : memref<10008x128xf32, #tpu.memory_space<vmem_shared>> -> memref<10008x128xf32, #tpu.memory_space<vmem_shared>>
    %dma_wait3A_283 = tpu.memref_slice %arg12[%rem3A_272] : memref<3x!tpu.dma_semaphore, #tpu.memory_space<semaphore_mem>> -> memref<1x!tpu.dma_semaphore, #tpu.memory_space<semaphore_mem>>
    %dma_wait3A_284 = tpu.memref_squeeze %dma_wait3A_283 : memref<1x!tpu.dma_semaphore, #tpu.memory_space<semaphore_mem>> -> memref<!tpu.dma_semaphore, #tpu.memory_space<semaphore_mem>>
    tpu.wait_indirect_dma semaphore(%dma_wait3A_284 : memref<!tpu.dma_semaphore, #tpu.memory_space<semaphore_mem>>) src(%dma_wait3A_276 : memref<80x128xf32, #tpu.memory_space<vmem>>) dst(%dma_wait3A_282 : memref<10008x128xf32, #tpu.memory_space<vmem_shared>>)
    %barrier3A_285 = arith.constant 0 : index
    tpu.barrier barrier_id(%barrier3A_285)
    %mul3A_286 = arith.constant 624 : i32
    %mul3A_287 = arith.muli %arg1, %mul3A_286 : i32
    %mul3A_288 = arith.constant 624 : i32
    %mul3A_289 = arith.muli %arg1, %mul3A_288 : i32
    "tpu.region"() ({
      %run_scoped3A = tpu.sem_alloc : memref<!tpu.dma_semaphore, #tpu.memory_space<semaphore_mem>>
      %dma_start3A_295 = arith.constant 0 : i32
      %dma_start3A_296 = tpu.memref_slice %arg5[%arg0, %mul3A_289, %dma_start3A_295] : memref<2x10000x128xf32, #tpu.memory_space<hbm>> -> memref<1x624x128xf32, #tpu.memory_space<hbm>>
      %dma_start3A_297 = tpu.memref_squeeze %dma_start3A_296 : memref<1x624x128xf32, #tpu.memory_space<hbm>> -> memref<624x128xf32, #tpu.memory_space<hbm>>
      %dma_start3A_298 = arith.constant 0 : i32
      %dma_start3A_299 = tpu.memref_slice %arg10[%mul3A_287, %dma_start3A_298] : memref<10008x128xf32, #tpu.memory_space<vmem_shared>> -> memref<624x128xf32, #tpu.memory_space<vmem_shared>>
      tpu.enqueue_dma source(%dma_start3A_299 : memref<624x128xf32, #tpu.memory_space<vmem_shared>>) target(%dma_start3A_297 : memref<624x128xf32, #tpu.memory_space<hbm>>) target_semaphore(%run_scoped3A : memref<!tpu.dma_semaphore, #tpu.memory_space<semaphore_mem>>)
      %dma_wait3A_300 = arith.constant 0 : i32
      %dma_wait3A_301 = tpu.memref_slice %arg5[%arg0, %mul3A_289, %dma_wait3A_300] : memref<2x10000x128xf32, #tpu.memory_space<hbm>> -> memref<1x624x128xf32, #tpu.memory_space<hbm>>
      %dma_wait3A_302 = tpu.memref_squeeze %dma_wait3A_301 : memref<1x624x128xf32, #tpu.memory_space<hbm>> -> memref<624x128xf32, #tpu.memory_space<hbm>>
      %dma_wait3A_303 = arith.constant 0 : i32
      %dma_wait3A_304 = tpu.memref_slice %arg10[%mul3A_287, %dma_wait3A_303] : memref<10008x128xf32, #tpu.memory_space<vmem_shared>> -> memref<624x128xf32, #tpu.memory_space<vmem_shared>>
      tpu.wait_dma2 semaphore(%run_scoped3A : memref<!tpu.dma_semaphore, #tpu.memory_space<semaphore_mem>>) src(%dma_wait3A_304 : memref<624x128xf32, #tpu.memory_space<vmem_shared>>) dst(%dma_wait3A_302 : memref<624x128xf32, #tpu.memory_space<hbm>>)
      tpu.yield
    }) : () -> ()
    %eq3A_290 = arith.constant 15 : i32
    %eq3A_291 = arith.cmpi eq, %arg1, %eq3A_290 : i32
    %convert_element_type3A_292 = arith.extui %eq3A_291 : i1 to i32
    %cond3A_293 = arith.constant 0 : i32
    %cond3A_294 = arith.cmpi ne, %convert_element_type3A_292, %cond3A_293 : i32
    scf.if %cond3A_294 {
      "tpu.region"() ({
        %run_scoped3A = tpu.sem_alloc : memref<!tpu.dma_semaphore, #tpu.memory_space<semaphore_mem>>
        %dma_start3A_295 = arith.constant 9984 : i32
        %dma_start3A_296 = arith.constant 0 : i32
        %dma_start3A_297 = tpu.memref_slice %arg5[%arg0, %dma_start3A_295, %dma_start3A_296] : memref<2x10000x128xf32, #tpu.memory_space<hbm>> -> memref<1x16x128xf32, #tpu.memory_space<hbm>>
        %dma_start3A_298 = tpu.memref_squeeze %dma_start3A_297 : memref<1x16x128xf32, #tpu.memory_space<hbm>> -> memref<16x128xf32, #tpu.memory_space<hbm>>
        %dma_start3A_299 = arith.constant 9984 : i32
        %dma_start3A_300 = arith.constant 0 : i32
        %dma_start3A_301 = tpu.memref_slice %arg10[%dma_start3A_299, %dma_start3A_300] : memref<10008x128xf32, #tpu.memory_space<vmem_shared>> -> memref<16x128xf32, #tpu.memory_space<vmem_shared>>
        tpu.enqueue_dma source(%dma_start3A_301 : memref<16x128xf32, #tpu.memory_space<vmem_shared>>) target(%dma_start3A_298 : memref<16x128xf32, #tpu.memory_space<hbm>>) target_semaphore(%run_scoped3A : memref<!tpu.dma_semaphore, #tpu.memory_space<semaphore_mem>>)
        %dma_wait3A_302 = arith.constant 9984 : i32
        %dma_wait3A_303 = arith.constant 0 : i32
        %dma_wait3A_304 = tpu.memref_slice %arg5[%arg0, %dma_wait3A_302, %dma_wait3A_303] : memref<2x10000x128xf32, #tpu.memory_space<hbm>> -> memref<1x16x128xf32, #tpu.memory_space<hbm>>
        %dma_wait3A_305 = tpu.memref_squeeze %dma_wait3A_304 : memref<1x16x128xf32, #tpu.memory_space<hbm>> -> memref<16x128xf32, #tpu.memory_space<hbm>>
        %dma_wait3A_306 = arith.constant 9984 : i32
        %dma_wait3A_307 = arith.constant 0 : i32
        %dma_wait3A_308 = tpu.memref_slice %arg10[%dma_wait3A_306, %dma_wait3A_307] : memref<10008x128xf32, #tpu.memory_space<vmem_shared>> -> memref<16x128xf32, #tpu.memory_space<vmem_shared>>
        tpu.wait_dma2 semaphore(%run_scoped3A : memref<!tpu.dma_semaphore, #tpu.memory_space<semaphore_mem>>) src(%dma_wait3A_308 : memref<16x128xf32, #tpu.memory_space<vmem_shared>>) dst(%dma_wait3A_305 : memref<16x128xf32, #tpu.memory_space<hbm>>)
        tpu.yield
      }) : () -> ()
    } else {
    }
    return
  }
}

module attributes {stable_mosaic.version = 14 : i64} {
  func.func @_mm_body(%arg0: i32, %arg1: memref<1000x256xf32, #tpu.memory_space<vmem>>, %arg2: memref<256x512xf32, #tpu.memory_space<vmem>>, %arg3: memref<1x256xf32, #tpu.memory_space<vmem>>, %arg4: memref<2x1000x128xf32, #tpu.memory_space<vmem>>, %arg5: memref<2x1000x128xf32, #tpu.memory_space<vmem>>) attributes {dimension_semantics = [#tpu.dimension_semantics<arbitrary>], iteration_bounds = array<i64: 10>, scalar_prefetch = 0 : i64, scratch_operands = 0 : i64, tpu.core_type = #tpu.core_type<tc>, window_params = [{transform_indices = @transform_0, window_bounds = array<i64: 1000, 256>}, {pipeline_mode = #tpu.pipeline_mode<synchronous>, transform_indices = @transform_1, window_bounds = array<i64: 256, 512>}, {pipeline_mode = #tpu.pipeline_mode<synchronous>, transform_indices = @transform_2, window_bounds = array<i64: 1, 256>}, {transform_indices = @transform_3, window_bounds = array<i64: 2, 1000, 128>}, {transform_indices = @transform_4, window_bounds = array<i64: 2, 1000, 128>}]} {
    %get3A = arith.constant 0 : index
    %get3A_0 = arith.constant 0 : index
    %get3A_1 = vector.load %arg1[%get3A, %get3A_0] : memref<1000x256xf32, #tpu.memory_space<vmem>>, vector<1000x256xf32>
    %get3A_2 = arith.constant 0 : index
    %get3A_3 = arith.constant 0 : index
    %get3A_4 = vector.load %arg2[%get3A_2, %get3A_3] : memref<256x512xf32, #tpu.memory_space<vmem>>, vector<256x512xf32>
    %dot_general3A = arith.constant dense<0.000000e+00> : vector<1000x512xf32>
    %dot_general3A_5 = tpu.matmul %get3A_1, %get3A_4, %dot_general3A {dimension_numbers = #tpu.dot_dimension_numbers<[1], [0], [0], [1], [0, 0, 1, 1], [], []>, transpose_lhs_hint = false} : vector<1000x256xf32>, vector<256x512xf32>, vector<1000x512xf32> -> vector<1000x512xf32>
    %slice3A = vector.extract_strided_slice %dot_general3A_5 {offsets = [0, 0], sizes = [1000, 128], strides = [1, 1]} : vector<1000x512xf32> to vector<1000x128xf32>
    %swap3A = arith.constant 0 : index
    %swap3A_6 = arith.constant 0 : index
    %swap3A_7 = arith.constant 0 : index
    %swap3A_8 = vector.load %arg4[%swap3A, %swap3A_6, %swap3A_7] : memref<2x1000x128xf32, #tpu.memory_space<vmem>>, vector<1x1000x128xf32>
    %swap3A_9 = vector.shape_cast %swap3A_8 : vector<1x1000x128xf32> to vector<1000x128xf32>
    %swap3A_10 = vector.shape_cast %slice3A : vector<1000x128xf32> to vector<1x1000x128xf32>
    tpu.vector_store %arg4[%swap3A, %swap3A_6, %swap3A_7], %swap3A_10 {strides = array<i32>} : memref<2x1000x128xf32, #tpu.memory_space<vmem>>, vector<1x1000x128xf32>,
    %slice3A_11 = vector.extract_strided_slice %dot_general3A_5 {offsets = [0, 128], sizes = [1000, 128], strides = [1, 1]} : vector<1000x512xf32> to vector<1000x128xf32>
    %swap3A_12 = arith.constant 1 : index
    %swap3A_13 = arith.constant 0 : index
    %swap3A_14 = arith.constant 0 : index
    %swap3A_15 = vector.load %arg4[%swap3A_12, %swap3A_13, %swap3A_14] : memref<2x1000x128xf32, #tpu.memory_space<vmem>>, vector<1x1000x128xf32>
    %swap3A_16 = vector.shape_cast %swap3A_15 : vector<1x1000x128xf32> to vector<1000x128xf32>
    %swap3A_17 = vector.shape_cast %slice3A_11 : vector<1000x128xf32> to vector<1x1000x128xf32>
    tpu.vector_store %arg4[%swap3A_12, %swap3A_13, %swap3A_14], %swap3A_17 {strides = array<i32>} : memref<2x1000x128xf32, #tpu.memory_space<vmem>>, vector<1x1000x128xf32>,
    %slice3A_18 = vector.extract_strided_slice %dot_general3A_5 {offsets = [0, 256], sizes = [1000, 128], strides = [1, 1]} : vector<1000x512xf32> to vector<1000x128xf32>
    %get3A_19 = arith.constant 0 : index
    %get3A_20 = arith.constant 0 : index
    %get3A_21 = vector.load %arg3[%get3A_19, %get3A_20] : memref<1x256xf32, #tpu.memory_space<vmem>>, vector<1x128xf32>
    %get3A_22 = vector.shape_cast %get3A_21 : vector<1x128xf32> to vector<128xf32>
    %broadcast_in_dim3A = vector.shape_cast %get3A_22 : vector<128xf32> to vector<1x128xf32>
    %add3A = vector.broadcast %broadcast_in_dim3A : vector<1x128xf32> to vector<1000x128xf32>
    %add3A_23 = arith.addf %slice3A_18, %add3A : vector<1000x128xf32>
    %swap3A_24 = arith.constant 0 : index
    %swap3A_25 = arith.constant 0 : index
    %swap3A_26 = arith.constant 0 : index
    %swap3A_27 = vector.load %arg5[%swap3A_24, %swap3A_25, %swap3A_26] : memref<2x1000x128xf32, #tpu.memory_space<vmem>>, vector<1x1000x128xf32>
    %swap3A_28 = vector.shape_cast %swap3A_27 : vector<1x1000x128xf32> to vector<1000x128xf32>
    %swap3A_29 = vector.shape_cast %add3A_23 : vector<1000x128xf32> to vector<1x1000x128xf32>
    tpu.vector_store %arg5[%swap3A_24, %swap3A_25, %swap3A_26], %swap3A_29 {strides = array<i32>} : memref<2x1000x128xf32, #tpu.memory_space<vmem>>, vector<1x1000x128xf32>,
    %slice3A_30 = vector.extract_strided_slice %dot_general3A_5 {offsets = [0, 384], sizes = [1000, 128], strides = [1, 1]} : vector<1000x512xf32> to vector<1000x128xf32>
    %get3A_31 = arith.constant 0 : index
    %get3A_32 = arith.constant 128 : index
    %get3A_33 = vector.load %arg3[%get3A_31, %get3A_32] : memref<1x256xf32, #tpu.memory_space<vmem>>, vector<1x128xf32>
    %get3A_34 = vector.shape_cast %get3A_33 : vector<1x128xf32> to vector<128xf32>
    %broadcast_in_dim3A_35 = vector.shape_cast %get3A_34 : vector<128xf32> to vector<1x128xf32>
    %add3A_36 = vector.broadcast %broadcast_in_dim3A_35 : vector<1x128xf32> to vector<1000x128xf32>
    %add3A_37 = arith.addf %slice3A_30, %add3A_36 : vector<1000x128xf32>
    %swap3A_38 = arith.constant 1 : index
    %swap3A_39 = arith.constant 0 : index
    %swap3A_40 = arith.constant 0 : index
    %swap3A_41 = vector.load %arg5[%swap3A_38, %swap3A_39, %swap3A_40] : memref<2x1000x128xf32, #tpu.memory_space<vmem>>, vector<1x1000x128xf32>
    %swap3A_42 = vector.shape_cast %swap3A_41 : vector<1x1000x128xf32> to vector<1000x128xf32>
    %swap3A_43 = vector.shape_cast %add3A_37 : vector<1000x128xf32> to vector<1x1000x128xf32>
    tpu.vector_store %arg5[%swap3A_38, %swap3A_39, %swap3A_40], %swap3A_43 {strides = array<i32>} : memref<2x1000x128xf32, #tpu.memory_space<vmem>>, vector<1x1000x128xf32>,
    return
  }
  func.func @transform_0(%arg0: i32) -> (i32, i32) {
    %c0_i32 = arith.constant 0 : i32
    %c0_i32_0 = arith.constant 0 : i32
    return %arg0, %c0_i32 : i32, i32
  }
  func.func @transform_1(%arg0: i32) -> (i32, i32) {
    %c0_i32 = arith.constant 0 : i32
    %c0_i32_0 = arith.constant 0 : i32
    %c0_i32_1 = arith.constant 0 : i32
    return %c0_i32, %c0_i32_0 : i32, i32
  }
  func.func @transform_2(%arg0: i32) -> (i32, i32) {
    %c0_i32 = arith.constant 0 : i32
    %c0_i32_0 = arith.constant 0 : i32
    %c0_i32_1 = arith.constant 0 : i32
    return %c0_i32, %c0_i32_0 : i32, i32
  }
  func.func @transform_3(%arg0: i32) -> (i32, i32, i32) {
    %c0_i32 = arith.constant 0 : i32
    %c0_i32_0 = arith.constant 0 : i32
    %c0_i32_1 = arith.constant 0 : i32
    return %c0_i32, %arg0, %c0_i32_0 : i32, i32, i32
  }
  func.func @transform_4(%arg0: i32) -> (i32, i32, i32) {
    %c0_i32 = arith.constant 0 : i32
    %c0_i32_0 = arith.constant 0 : i32
    %c0_i32_1 = arith.constant 0 : i32
    return %c0_i32, %arg0, %c0_i32_0 : i32, i32, i32
  }
}

module attributes {stable_mosaic.version = 14 : i64} {
  func.func @_mm_body(%arg0: i32, %arg1: memref<2x1000x128xf32, #tpu.memory_space<vmem>>, %arg2: memref<256x512xf32, #tpu.memory_space<vmem>>, %arg3: memref<1x256xf32, #tpu.memory_space<vmem>>, %arg4: memref<2x1000x128xf32, #tpu.memory_space<vmem>>, %arg5: memref<2x1000x128xf32, #tpu.memory_space<vmem>>) attributes {dimension_semantics = [#tpu.dimension_semantics<arbitrary>], iteration_bounds = array<i64: 10>, scalar_prefetch = 0 : i64, scratch_operands = 0 : i64, tpu.core_type = #tpu.core_type<tc>, window_params = [{transform_indices = @transform_0, window_bounds = array<i64: 2, 1000, 128>}, {pipeline_mode = #tpu.pipeline_mode<synchronous>, transform_indices = @transform_1, window_bounds = array<i64: 256, 512>}, {pipeline_mode = #tpu.pipeline_mode<synchronous>, transform_indices = @transform_2, window_bounds = array<i64: 1, 256>}, {transform_indices = @transform_3, window_bounds = array<i64: 2, 1000, 128>}, {transform_indices = @transform_4, window_bounds = array<i64: 2, 1000, 128>}]} {
    %get3A = arith.constant 0 : index
    %get3A_0 = arith.constant 0 : index
    %get3A_1 = arith.constant 0 : index
    %get3A_2 = vector.load %arg1[%get3A, %get3A_0, %get3A_1] : memref<2x1000x128xf32, #tpu.memory_space<vmem>>, vector<1x1000x128xf32>
    %get3A_3 = vector.shape_cast %get3A_2 : vector<1x1000x128xf32> to vector<1000x128xf32>
    %get3A_4 = arith.constant 1 : index
    %get3A_5 = arith.constant 0 : index
    %get3A_6 = arith.constant 0 : index
    %get3A_7 = vector.load %arg1[%get3A_4, %get3A_5, %get3A_6] : memref<2x1000x128xf32, #tpu.memory_space<vmem>>, vector<1x1000x128xf32>
    %get3A_8 = vector.shape_cast %get3A_7 : vector<1x1000x128xf32> to vector<1000x128xf32>
    %max3A = arith.constant 0.000000e+00 : f32
    %max3A_9 = vector.broadcast %max3A : f32 to vector<1000x128xf32>
    %max3A_10 = arith.maximumf %get3A_3, %max3A_9 : vector<1000x128xf32>
    %max3A_11 = arith.constant 0.000000e+00 : f32
    %max3A_12 = vector.broadcast %max3A_11 : f32 to vector<1000x128xf32>
    %max3A_13 = arith.maximumf %get3A_8, %max3A_12 : vector<1000x128xf32>
    %get3A_14 = arith.constant 0 : index
    %get3A_15 = arith.constant 0 : index
    %get3A_16 = vector.load %arg2[%get3A_14, %get3A_15] : memref<256x512xf32, #tpu.memory_space<vmem>>, vector<128x512xf32>
    %dot_general3A = arith.constant dense<0.000000e+00> : vector<1000x512xf32>
    %dot_general3A_17 = tpu.matmul %max3A_10, %get3A_16, %dot_general3A {dimension_numbers = #tpu.dot_dimension_numbers<[1], [0], [0], [1], [0, 0, 1, 1], [], []>, transpose_lhs_hint = false} : vector<1000x128xf32>, vector<128x512xf32>, vector<1000x512xf32> -> vector<1000x512xf32>
    %get3A_18 = arith.constant 128 : index
    %get3A_19 = arith.constant 0 : index
    %get3A_20 = vector.load %arg2[%get3A_18, %get3A_19] : memref<256x512xf32, #tpu.memory_space<vmem>>, vector<128x512xf32>
    %dot_general3A_21 = arith.constant dense<0.000000e+00> : vector<1000x512xf32>
    %dot_general3A_22 = tpu.matmul %max3A_13, %get3A_20, %dot_general3A_21 {dimension_numbers = #tpu.dot_dimension_numbers<[1], [0], [0], [1], [0, 0, 1, 1], [], []>, transpose_lhs_hint = false} : vector<1000x128xf32>, vector<128x512xf32>, vector<1000x512xf32> -> vector<1000x512xf32>
    %add3A = arith.addf %dot_general3A_17, %dot_general3A_22 : vector<1000x512xf32>
    %slice3A = vector.extract_strided_slice %add3A {offsets = [0, 0], sizes = [1000, 128], strides = [1, 1]} : vector<1000x512xf32> to vector<1000x128xf32>
    %swap3A = arith.constant 0 : index
    %swap3A_23 = arith.constant 0 : index
    %swap3A_24 = arith.constant 0 : index
    %swap3A_25 = vector.load %arg4[%swap3A, %swap3A_23, %swap3A_24] : memref<2x1000x128xf32, #tpu.memory_space<vmem>>, vector<1x1000x128xf32>
    %swap3A_26 = vector.shape_cast %swap3A_25 : vector<1x1000x128xf32> to vector<1000x128xf32>
    %swap3A_27 = vector.shape_cast %slice3A : vector<1000x128xf32> to vector<1x1000x128xf32>
    tpu.vector_store %arg4[%swap3A, %swap3A_23, %swap3A_24], %swap3A_27 {strides = array<i32>} : memref<2x1000x128xf32, #tpu.memory_space<vmem>>, vector<1x1000x128xf32>,
    %slice3A_28 = vector.extract_strided_slice %add3A {offsets = [0, 128], sizes = [1000, 128], strides = [1, 1]} : vector<1000x512xf32> to vector<1000x128xf32>
    %swap3A_29 = arith.constant 1 : index
    %swap3A_30 = arith.constant 0 : index
    %swap3A_31 = arith.constant 0 : index
    %swap3A_32 = vector.load %arg4[%swap3A_29, %swap3A_30, %swap3A_31] : memref<2x1000x128xf32, #tpu.memory_space<vmem>>, vector<1x1000x128xf32>
    %swap3A_33 = vector.shape_cast %swap3A_32 : vector<1x1000x128xf32> to vector<1000x128xf32>
    %swap3A_34 = vector.shape_cast %slice3A_28 : vector<1000x128xf32> to vector<1x1000x128xf32>
    tpu.vector_store %arg4[%swap3A_29, %swap3A_30, %swap3A_31], %swap3A_34 {strides = array<i32>} : memref<2x1000x128xf32, #tpu.memory_space<vmem>>, vector<1x1000x128xf32>,
    %slice3A_35 = vector.extract_strided_slice %add3A {offsets = [0, 256], sizes = [1000, 128], strides = [1, 1]} : vector<1000x512xf32> to vector<1000x128xf32>
    %get3A_36 = arith.constant 0 : index
    %get3A_37 = arith.constant 0 : index
    %get3A_38 = vector.load %arg3[%get3A_36, %get3A_37] : memref<1x256xf32, #tpu.memory_space<vmem>>, vector<1x128xf32>
    %get3A_39 = vector.shape_cast %get3A_38 : vector<1x128xf32> to vector<128xf32>
    %broadcast_in_dim3A = vector.shape_cast %get3A_39 : vector<128xf32> to vector<1x128xf32>
    %add3A_40 = vector.broadcast %broadcast_in_dim3A : vector<1x128xf32> to vector<1000x128xf32>
    %add3A_41 = arith.addf %slice3A_35, %add3A_40 : vector<1000x128xf32>
    %swap3A_42 = arith.constant 0 : index
    %swap3A_43 = arith.constant 0 : index
    %swap3A_44 = arith.constant 0 : index
    %swap3A_45 = vector.load %arg5[%swap3A_42, %swap3A_43, %swap3A_44] : memref<2x1000x128xf32, #tpu.memory_space<vmem>>, vector<1x1000x128xf32>
    %swap3A_46 = vector.shape_cast %swap3A_45 : vector<1x1000x128xf32> to vector<1000x128xf32>
    %swap3A_47 = vector.shape_cast %add3A_41 : vector<1000x128xf32> to vector<1x1000x128xf32>
    tpu.vector_store %arg5[%swap3A_42, %swap3A_43, %swap3A_44], %swap3A_47 {strides = array<i32>} : memref<2x1000x128xf32, #tpu.memory_space<vmem>>, vector<1x1000x128xf32>,
    %slice3A_48 = vector.extract_strided_slice %add3A {offsets = [0, 384], sizes = [1000, 128], strides = [1, 1]} : vector<1000x512xf32> to vector<1000x128xf32>
    %get3A_49 = arith.constant 0 : index
    %get3A_50 = arith.constant 128 : index
    %get3A_51 = vector.load %arg3[%get3A_49, %get3A_50] : memref<1x256xf32, #tpu.memory_space<vmem>>, vector<1x128xf32>
    %get3A_52 = vector.shape_cast %get3A_51 : vector<1x128xf32> to vector<128xf32>
    %broadcast_in_dim3A_53 = vector.shape_cast %get3A_52 : vector<128xf32> to vector<1x128xf32>
    %add3A_54 = vector.broadcast %broadcast_in_dim3A_53 : vector<1x128xf32> to vector<1000x128xf32>
    %add3A_55 = arith.addf %slice3A_48, %add3A_54 : vector<1000x128xf32>
    %swap3A_56 = arith.constant 1 : index
    %swap3A_57 = arith.constant 0 : index
    %swap3A_58 = arith.constant 0 : index
    %swap3A_59 = vector.load %arg5[%swap3A_56, %swap3A_57, %swap3A_58] : memref<2x1000x128xf32, #tpu.memory_space<vmem>>, vector<1x1000x128xf32>
    %swap3A_60 = vector.shape_cast %swap3A_59 : vector<1x1000x128xf32> to vector<1000x128xf32>
    %swap3A_61 = vector.shape_cast %add3A_55 : vector<1000x128xf32> to vector<1x1000x128xf32>
    tpu.vector_store %arg5[%swap3A_56, %swap3A_57, %swap3A_58], %swap3A_61 {strides = array<i32>} : memref<2x1000x128xf32, #tpu.memory_space<vmem>>, vector<1x1000x128xf32>,
    return
  }
  func.func @transform_0(%arg0: i32) -> (i32, i32, i32) {
    %c0_i32 = arith.constant 0 : i32
    %c0_i32_0 = arith.constant 0 : i32
    %c0_i32_1 = arith.constant 0 : i32
    return %c0_i32, %arg0, %c0_i32_0 : i32, i32, i32
  }
  func.func @transform_1(%arg0: i32) -> (i32, i32) {
    %c0_i32 = arith.constant 0 : i32
    %c0_i32_0 = arith.constant 0 : i32
    %c0_i32_1 = arith.constant 0 : i32
    return %c0_i32, %c0_i32_0 : i32, i32
  }
  func.func @transform_2(%arg0: i32) -> (i32, i32) {
    %c0_i32 = arith.constant 0 : i32
    %c0_i32_0 = arith.constant 0 : i32
    %c0_i32_1 = arith.constant 0 : i32
    return %c0_i32, %c0_i32_0 : i32, i32
  }
  func.func @transform_3(%arg0: i32) -> (i32, i32, i32) {
    %c0_i32 = arith.constant 0 : i32
    %c0_i32_0 = arith.constant 0 : i32
    %c0_i32_1 = arith.constant 0 : i32
    return %c0_i32, %arg0, %c0_i32_0 : i32, i32, i32
  }
  func.func @transform_4(%arg0: i32) -> (i32, i32, i32) {
    %c0_i32 = arith.constant 0 : i32
    %c0_i32_0 = arith.constant 0 : i32
    %c0_i32_1 = arith.constant 0 : i32
    return %c0_i32, %arg0, %c0_i32_0 : i32, i32, i32
  }
}

module attributes {stable_mosaic.version = 14 : i64} {
  func.func @_pool_body(%arg0: memref<2x10000x128xf32, #tpu.memory_space<vmem>>, %arg1: memref<256x10xf32, #tpu.memory_space<vmem>>, %arg2: memref<1x10xf32, #tpu.memory_space<vmem>>, %arg3: memref<1x10xf32, #tpu.memory_space<vmem>>) attributes {dimension_semantics = [], scalar_prefetch = 0 : i64, scratch_operands = 0 : i64, tpu.core_type = #tpu.core_type<tc>} {
    %get3A = arith.constant 0 : index
    %get3A_0 = arith.constant 0 : index
    %get3A_1 = arith.constant 0 : index
    %get3A_2 = vector.load %arg0[%get3A, %get3A_0, %get3A_1] : memref<2x10000x128xf32, #tpu.memory_space<vmem>>, vector<1x10000x128xf32>
    %get3A_3 = vector.shape_cast %get3A_2 : vector<1x10000x128xf32> to vector<10000x128xf32>
    %max3A = arith.constant 0.000000e+00 : f32
    %max3A_4 = vector.broadcast %max3A : f32 to vector<10000x128xf32>
    %max3A_5 = arith.maximumf %get3A_3, %max3A_4 : vector<10000x128xf32>
    %get3A_6 = arith.constant 1 : index
    %get3A_7 = arith.constant 0 : index
    %get3A_8 = arith.constant 0 : index
    %get3A_9 = vector.load %arg0[%get3A_6, %get3A_7, %get3A_8] : memref<2x10000x128xf32, #tpu.memory_space<vmem>>, vector<1x10000x128xf32>
    %get3A_10 = vector.shape_cast %get3A_9 : vector<1x10000x128xf32> to vector<10000x128xf32>
    %max3A_11 = arith.constant 0.000000e+00 : f32
    %max3A_12 = vector.broadcast %max3A_11 : f32 to vector<10000x128xf32>
    %max3A_13 = arith.maximumf %get3A_10, %max3A_12 : vector<10000x128xf32>
    %reduce_max3A = arith.constant dense<0xFF800000> : vector<128xf32>
    %reduce_max3A_14 = vector.multi_reduction <maximumf>, %max3A_5, %reduce_max3A [0] : vector<10000x128xf32> to vector<128xf32>
    %broadcast_in_dim3A = vector.shape_cast %reduce_max3A_14 : vector<128xf32> to vector<1x128xf32>
    %reduce_max3A_15 = arith.constant dense<0xFF800000> : vector<128xf32>
    %reduce_max3A_16 = vector.multi_reduction <maximumf>, %max3A_13, %reduce_max3A_15 [0] : vector<10000x128xf32> to vector<128xf32>
    %broadcast_in_dim3A_17 = vector.shape_cast %reduce_max3A_16 : vector<128xf32> to vector<1x128xf32>
    %concatenate3A = tpu.concatenate %broadcast_in_dim3A, %broadcast_in_dim3A_17 in 1 : vector<1x128xf32>, vector<1x128xf32> -> vector<1x256xf32>
    %get3A_18 = arith.constant 0 : index
    %get3A_19 = arith.constant 0 : index
    %get3A_20 = vector.load %arg1[%get3A_18, %get3A_19] : memref<256x10xf32, #tpu.memory_space<vmem>>, vector<256x10xf32>
    %dot_general3A = arith.constant dense<0.000000e+00> : vector<1x10xf32>
    %dot_general3A_21 = tpu.matmul %concatenate3A, %get3A_20, %dot_general3A {dimension_numbers = #tpu.dot_dimension_numbers<[1], [0], [0], [1], [0, 0, 1, 1], [], []>, transpose_lhs_hint = false} : vector<1x256xf32>, vector<256x10xf32>, vector<1x10xf32> -> vector<1x10xf32>
    %get3A_22 = arith.constant 0 : index
    %get3A_23 = arith.constant 0 : index
    %get3A_24 = vector.load %arg2[%get3A_22, %get3A_23] : memref<1x10xf32, #tpu.memory_space<vmem>>, vector<1x10xf32>
    %add3A = arith.addf %dot_general3A_21, %get3A_24 : vector<1x10xf32>
    %swap3A = arith.constant 0 : index
    %swap3A_25 = arith.constant 0 : index
    %swap3A_26 = vector.load %arg3[%swap3A, %swap3A_25] : memref<1x10xf32, #tpu.memory_space<vmem>>, vector<1x10xf32>
    tpu.vector_store %arg3[%swap3A, %swap3A_25], %add3A {strides = array<i32>} : memref<1x10xf32, #tpu.memory_space<vmem>>, vector<1x10xf32>,
    return
  }
}

</mosaic_0001>

<sc_bundles>
// kernel: kernel.12.cloned.1.call-start
scs
__scs_entry_jumppad:
0x0: {  	(pc) =	sbr.rel $0x88, $3  }
0x1: {  	(tag) =	ssettag $0x0;
	lr =	simm.s32 $0x1  }
0x2: {  	[smem:$0x3F94] =	sst lr;
	_ =	strace $0xD0000000  }
0x3: {  	_ = 	snop  }
0x4: {  	_ = 	snop  }
0x5: {  	_ = 	snop  }
0x6: {  	_ = 	snop  }
0x7: {  	_ = 	snop  }
__scs_overlays_trampoline_lowered:
0x8: {  	[smem:$0x3FA3] =	sst s0  }
0x9: {  	[smem:$0x3FA4] =	sst s1  }
0xa: {  	[smem:$0x3FA5] =	sst s2  }
0xb: {  	[smem:$0x3FA6] =	sst s3  }
0xc: {  	[smem:$0x3FA7] =	sst s4  }
0xd: {  	[smem:$0x3FA8] =	sst s5  }
0xe: {  	[smem:$0x3FA9] =	sst s6  }
0xf: {  	[smem:$0x3FAA] =	sst s7  }
0x10: {  	[smem:$0x3FAB] =	sst s8  }
0x11: {  	[smem:$0x3FAC] =	sst s9;
	s0 =	simm.s32 @!p0 $0x0  }
0x12: {  	s1 =	sld [smem:$0x3F92];
	s0 =	simm.s32 @p0 $0x1  }
0x13: {  	[smem:$0x3FAD] =	sst s0;
	s0 =	simm.s32 @!p1 $0x0  }
0x14: {  	s2 =	sld [smem:$0x3F91];
	s0 =	simm.s32 @p1 $0x1  }
0x15: {  	[smem:$0x3FAE] =	sst s0;
	s0 =	simm.s32 @!p2 $0x0  }
0x16: {  	s3 =	sld [smem:$0x3FDB];
	s0 =	simm.s32 @p2 $0x1  }
0x17: {  	s4 =	simm.s32 $0x1BF5;
	[smem:$0x3FB0] =	sst s0  }
0x18: {  	s0 =	sld [smem:$0x3F93];
	_ =	swait.ge [sflag:s4], $0x0  }
0x19: {  	s7 =	sld [smem:$0x3F94]  }
0x1a: {  	s8 =	sadd.s32 $0xFFFFE003, lr  }
0x1b: {  	s9 =	sadd.s32 $0xFFFFFEF7, lr;
	s5 =	simm.s32 $0xFFFFFFFF;
	p2 =	slt.u32 s8, $0xFFFFF086  }
0x1c: {  	p1 =	slt.u32 s9, $0xF7A;
	s5 =	simm.s32 @!p2 $0x0  }
0x1d: {  	s5 =	simm.s32 @p1 $0x1;
	p0 =	seq.s32 s7, s2  }
0x1e: {  	s7 =	smul.u32 @!p0 $0xF7A, s2;
	p2 =	seq.s32 @!p0 s5, $0x0  }
0x1f: {  	s9 =	smul.u32 $0xF7A, s1;
	s8 =	simm.s32 @!p0 $0x1BF5;
	p2 =	por !p2, p0  }
0x20: {  	[sflag:s8] =	ssyncset.s32 @!p0 $0xFFFFF086;
	s6 =	sadd.s32 @!p0 s3, s7;
	s7 =	simm.s32 @!p0 $0x108  }
0x21: {  	s3 =	sadd.s32 s3, s9;
	s6 =	sadd.s32 @!p0 $0x88, s6;
	s7 =	simm.s32 @p2 $0x1082  }
0x22: {  	[simem:s7], [sflag:s8] =	dma.local @!p0 [hbm:s6], $0xF7A  }
0x23: {  	s9 =	sor.u32 $0xD0000000, s2;
	s6 =	simm.s32 $0x108;
	_ =	swait.ge @!p0 [sflag:s8], $0x0  }
0x24: {  	s3 =	sadd.s32 $0x88, s3;
	s6 =	simm.s32 @!p1 $0x1082;
	[sflag:s4] =	ssyncset.s32 $0xFFFFF086  }
0x25: {  	[simem:s6], [sflag:s4] =	dma.local [hbm:s3], $0xF7A  }
0x26: {  	[smem:$0x3F94] =	sst s1;
	(tag) =	ssettag s2;
	_ =	strace s9  }
0x27: {  	s1 =	sld [smem:$0x3FA4]  }
0x28: {  	s2 =	sld [smem:$0x3FA5]  }
0x29: {  	s4 =	sld [smem:$0x3FA7]  }
0x2a: {  	p0 =	seq.s32 s5, $0x0;
	s5 =	sld [smem:$0x3FA8]  }
0x2b: {  	s6 =	sld [smem:$0x3FA9]  }
0x2c: {  	s7 =	sld [smem:$0x3FAA]  }
0x2d: {  	s3 =	simm.s32 $0x108;
	s8 =	sld [smem:$0x3FAB]  }
0x2e: {  	s3 =	simm.s32 @!p0 $0x1082;
	s9 =	sld [smem:$0x3FAC]  }
0x2f: {  	lr =	sadd.s32 s0, s3;
	s0 =	sld [smem:$0x3FA3]  }
0x30: {  	s3 =	sld [smem:$0x3FA6]  }
0x31: {  	[smem:$0x3FAF] =	sst s10  }
0x32: {  	s10 =	sld [smem:$0x3FAD];
	_ =	sdelay $0x3  }
0x33: {  	p0 =	seq.s32 s10, $0x1;
	s10 =	sld [smem:$0x3FAF];
	_ =	sdelay $0x3  }
0x34: {  	[smem:$0x3FAF] =	sst s10  }
0x35: {  	s10 =	sld [smem:$0x3FAE];
	_ =	sdelay $0x3  }
0x36: {  	p1 =	seq.s32 s10, $0x1;
	s10 =	sld [smem:$0x3FAF];
	_ =	sdelay $0x3  }
0x37: {  	[smem:$0x3FAF] =	sst s10  }
0x38: {  	s10 =	sld [smem:$0x3FB0]  }
0x39: {  	_ = 	snop;
	(pc) =	sbr.ind lr, $3  }
0x3a: {  	_ = 	snop  }
0x3b: {  	_ = 	snop  }
0x3c: {  	p2 =	seq.s32 s10, $0x1;
	s10 =	sld [smem:$0x3FAF]  }
0x3d: {  	_ =	shalt  }
0x3e: {  	_ =	shalt  }
0x3f: {  	_ =	shalt  }
0x40: {  	_ =	shalt  }
0x41: {  	_ =	shalt  }
0x42: {  	_ =	shalt  }
0x43: {  	_ =	shalt  }
0x44: {  	_ =	shalt  }
0x45: {  	_ =	shalt  }
0x46: {  	_ =	shalt  }
0x47: {  	_ =	shalt  }
0x48: {  	_ =	shalt  }
0x49: {  	_ =	shalt  }
0x4a: {  	_ =	shalt  }
0x4b: {  	_ =	shalt  }
0x4c: {  	_ =	shalt  }
0x4d: {  	_ =	shalt  }
0x4e: {  	_ =	shalt  }
0x4f: {  	_ =	shalt  }
0x50: {  	_ =	shalt  }
0x51: {  	_ =	shalt  }
0x52: {  	_ =	shalt  }
0x53: {  	_ =	shalt  }
0x54: {  	_ =	shalt  }
0x55: {  	_ =	shalt  }
0x56: {  	_ =	shalt  }
0x57: {  	_ =	shalt  }
0x58: {  	_ =	shalt  }
0x59: {  	_ =	shalt  }
0x5a: {  	_ =	shalt  }
0x5b: {  	_ =	shalt  }
0x5c: {  	_ =	shalt  }
0x5d: {  	_ =	shalt  }
0x5e: {  	_ =	shalt  }
0x5f: {  	_ =	shalt  }
0x60: {  	_ =	shalt  }
0x61: {  	_ =	shalt  }
0x62: {  	_ =	shalt  }
0x63: {  	_ =	shalt  }
0x64: {  	_ =	shalt  }
0x65: {  	_ =	shalt  }
0x66: {  	_ =	shalt  }
0x67: {  	_ =	shalt  }
0x68: {  	_ =	shalt  }
0x69: {  	_ =	shalt  }
0x6a: {  	_ =	shalt  }
0x6b: {  	_ =	shalt  }
0x6c: {  	_ =	shalt  }
0x6d: {  	_ =	shalt  }
0x6e: {  	_ =	shalt  }
0x6f: {  	_ =	shalt  }
0x70: {  	_ =	shalt  }
0x71: {  	_ =	shalt  }
0x72: {  	_ =	shalt  }
0x73: {  	_ =	shalt  }
0x74: {  	_ =	shalt  }
0x75: {  	_ =	shalt  }
0x76: {  	_ =	shalt  }
0x77: {  	_ =	shalt  }
0x78: {  	_ =	shalt  }
0x79: {  	_ =	shalt  }
0x7a: {  	_ =	shalt  }
0x7b: {  	_ =	shalt  }
0x7c: {  	_ =	shalt  }
0x7d: {  	_ =	shalt  }
0x7e: {  	_ =	shalt  }
0x7f: {  	_ =	shalt  }
0x80: {  	_ =	shalt  }
0x81: {  	_ =	shalt  }
0x82: {  	_ =	shalt  }
0x83: {  	_ =	shalt  }
0x84: {  	_ =	shalt  }
0x85: {  	_ =	shalt  }
0x86: {  	_ =	shalt  }
0x87: {  	_ =	shalt  }
.Lfunc_end0:
.L_simem_size_0:
called_computation.1_lowered:
.L_overlay_start_0:
0x88: {  	s2 =	sld [smem:$0x3FD9]  }
0x89: {  	s3 =	sld [smem:$0x3FFE];
	_ =	sdelay $0x1  }
0x8a: {  	s1 =	srdreg.scid  }
0x8b: {  	s0 =	sand.u32 $0x1, s1  }
0x8c: {  	s16 =	sshll.u32 s0, $0xA;
	s2 =	sadd.s32 s3, s2  }
0x8d: {  	s2 =	sadd.s32 s2, s16  }
0x8e: {  	[smem:$0x3FBB] =	sst s2  }
0x8f: {  	_ = 	snop  }
0x90: {  	(tm) =	ssettm $0x1  }
0x91: {  	s17 =	sld [smem:$0x3FFB];
	_ =	sdelay $0x3  }
0x92: {  	_ =	strace s17  }
0x93: {  	s2 =	sld [smem:$0x3FFC];
	_ =	sdelay $0x3  }
0x94: {  	_ =	strace s2  }
0x95: {  	s2 =	sld [smem:$0x3FFD];
	_ =	sdelay $0x3  }
0x96: {  	_ =	strace s2  }
0x97: {  	_ =	strace $0x8FFFFFFF  }
0x98: {  	s18 =	sld [smem:$0x3FDB];
	_ =	sdelay $0x1  }
0x99: {  	s19 =	simm.s32 $_scs_section_size  }
0x9a: {  	s4 =	simm.s32 $_size__tile_overlayer_lowered;
	s5 =	simm.s32 $_tile_overlayer_lowered  }
0x9b: {  	s22 =	simm.s32 $0x1BFF;
	s21 =	sshll.u32 s5, $0x1;
	s2 =	sadd.s32 s19, s18  }
0x9c: {  	s6 =	simm.s32 $0x0;
	s20 =	sshll.u32 s4, $0x1;
	s4 =	sadd.s32 s21, s2  }
0x9d: {  	[timem:s6], [sflag:s22] =	dma.local [hbm:s4], s20  }
0x9e: {  	_ =	swait.ge [sflag:s22], s20  }
0x9f: {  	s3 =	ssub.s32 $0x0, s20;
	[sflag:s22] =	ssyncset.done $0x0  }
0xa0: {  	[sflag:s22] =	ssyncadd.s32 s3;
	_ =	sdelay $0x1  }
0xa1: {  	s23 =	simm.s32 $0x1B8B  }
0xa2: {  	_ =	swait.ge [sflag:s23], $0x1  }
0xa3: {  	[sflag:s23] =	ssyncset.done $0x0  }
0xa4: {  	s25 =	simm.s32 $0x1B8E;
	s24 =	sld [smem:$0x3FFE];
	[sflag:s23] =	ssyncadd.s32 $0xFFFFFFFF  }
0xa5: {  	s26 =	simm.s32 $execute0_lowered;
	[smem:$0x3FD2] =	sst s25  }
0xa6: {  	s4 =	sshll.u32 s26, $0x1;
	_ =	strace $0x80000049;
	[dreg:$0x1] =	wrdreg $0xFFFFFFFF  }
0xa7: {  	s28 =	simm.s32 $_size_execute0_lowered;
	s2 =	sadd.s32 s2, s4;
	[dreg:$0x0] =	wrdreg $0x0  }
0xa8: {  	s4 =	sshll.u32 s28, $0x1;
	[dreg:$0x2] =	wrdreg s2  }
0xa9: {  	[dreg:$0x3] =	wrdreg s4  }
0xaa: {  	[dreg:$0x4] =	wrdreg $0xC0  }
0xab: {  	_ =	task [dreg:s6], $0x5FFFF  }
0xac: {  	[dreg:$0x1] =	wrdreg $0xFFFFFFFF  }
0xad: {  	[dreg:$0x0] =	wrdreg $0x60  }
0xae: {  	[dreg:$0x2] =	wrdreg s24  }
0xaf: {  	[dreg:$0x3] =	wrdreg $0xBC000  }
0xb0: {  	[dreg:$0x4] =	wrdreg $0x9  }
0xb1: {  	_ =	task.clear_ibuf [dreg:s6], $0x5FFFF;
	_ =	strace $0x90000049  }
0xb2: {  	s29 =	simm.s32 $0x9;
	_ =	strace $0x8000004B  }
0xb3: {  	_ =	swait.ge [sflag:s29], $0x1  }
0xb4: {  	[sflag:s29] =	ssyncadd.s32 $0xFFFFFFFF  }
0xb5: {  	_ =	strace $0x9000004B  }
0xb6: {  	_ =	sfence  }
0xb7: {  	s30 =	sld [smem:$0x0];
	_ =	sdelay $0x2  }
0xb8: {  	s31 =	sshll.u32 s1, $0xD;
	s1 =	sshrl.u32 s1, $0x2  }
0xb9: {  	s3 =	sand.u32 $0x4000, s31;
	s1 =	sadd.s32 s1, s30  }
0xba: {  	s0 =	sor.u32 s3, s0;
	s1 =	sshll.u32 s1, $0x11  }
0xbb: {  	s0 =	sor.u32 s1, s0  }
0xbc: {  	s0 =	sadd.s32 $0x8F2B, s0  }
0xbd: {  	[sflag:s0] =	ssyncadd.remote.s32 $0x1  }
0xbe: {  	_ =	sfence.sel $0xFFFF  }
0xbf: {  	[dreg:$0x0] =	wrdreg $0xFFFFFFFF;
	(pc) =	sbr.abs _section_cstart, $3  }
0xc0: {  	[dreg:$0x1] =	wrdreg $0xFFFFFFFF  }
0xc1: {  	_ =	task.clear_ibuf [dreg:s6], $0x2FFFF;
	_ =	strace $0x9FFFFFFF  }
0xc2: {  	(tm) =	ssettm $0x7FFFFFFF  }
0xc3: {  	_ =	shalt  }
tec
execute0_lowered:
.L_overlay_start_1:
0x0: {  	(tag) =	ssettag $0x1  }
0x1: {  	s4 =	rddreg [dreg:$0x0]  }
0x2: {  	s0 =	srdreg.scid;
	s1 =	rddreg [dreg:$0x1];
	s2 =	simm.s32 $0x0  }
0x3: {  	s3 =	stileid.u32;
	s17 =	simm.s32 $0x4000;
	s18 =	simm.s32 $0x4400  }
0x4: {  	s19 =	simm.s32 $0x4080;
	s20 =	simm.s32 $0x6C00;
	s21 =	simm.s32 $0x7  }
0x5: {  	s22 =	simm.s32 $0x5;
	s5 =	sand.u32 $0x1, s0;
	s0 =	rddreg [dreg:$0x2]  }
0x6: {  	s23 =	simm.s32 $0x0;
	[smem:$0x7FF] =	sst s2;
	s11 =	smul.u32 $0x13800, s3  }
0x7: {  	s8 =	sadd.s32 $0x59000, s4;
	s10 =	sshll.u32 s3, $0xB;
	s12 =	smul.u32 $0x4E000, s3  }
0x8: {  	s13 =	sadd.s32 $0xA7200, s4;
	s16 =	sadd.s32 $0x138000, s1;
	p0 =	sne.s32 s3, $0xF  }
0x9: {  	s6 =	smul.u32 $0x138800, s5;
	_ =	strace $0x8000004A;
	s5 =	ssub.s32 $0x2, s5  }
0xa: {  	s10 =	sadd.s32 s10, s4;
	s29 =	sshrl.u32 s5, $0x1;
	s30 =	sshrl.u32 s12, $0x2  }
0xb: {  	s7 =	sshrl.u32 s6, $0x3;
	s6 =	sadd.s32 s11, s6;
	s14 =	ssub.s32 s5, s29  }
0xc: {  	s15 =	sadd.s32 s30, s1;
	s5 =	sshll.u32 s3, $0x6;
	s9 =	sadd.s32 s7, s4  }
.Ltmp0:
0xd: {  	s11 =	sshrl.u32 s6, $0x3;
	s6 =	sor.u32 $0x1C07, s5;
	(pc) =	sbr.rel .LBB2_1-.Ltmp0, $4  }
0xe: {  	s31 =	sadd.s32 $0x27000, s7;
	s12 =	smax.u32 s14, $0x1;
	s14 =	sshrl.u32 @!p0 s16, $0x3  }
0xf: {  	s16 =	simm.s32 $0x50;
	s4 =	sadd.s32 s8, s11;
	s7 =	sadd.s32 s8, s31  }
0x10: {  	s8 =	sadd.s32 $0x2E00, s10;
	s9 =	sadd.s32 $0xAE00, s9;
	s10 =	sadd.s32 s13, s11  }
0x11: {  	s11 =	sadd.s32 s13, s31;
	s13 =	sshrl.u32 s15, $0x3;
	s15 =	simm.s32 $0x8  }
.LBB2_5:
0x12: {  	_ =	swait.ge [sflag:s22], $0x2800  }
0x13: {  	[sflag:s22] =	ssyncset.done $0x0  }
0x14: {  	[sflag:s22] =	ssyncadd.s32 $0xFFFFD800  }
0x15: {  	s24 =	sor.u32 $0x1C08, s5;
	[bflag:$0x0] =	sbarrier.arrive $0xFFFF  }
0x16: {  	[hbm:s10], [sflag:s24] =	dma.local [spmem:s13], $0x2700  }
0x17: {  	_ =	swait.ge [sflag:s15], $0x2700  }
0x18: {  	s23 =	sadd.s32 $0x1, s23;
	[sflag:s15] =	ssyncset.done $0x0  }
0x19: {  	p1 =	sne.s32 s23, s12;
	[sflag:s15] =	ssyncadd.s32 $0xFFFFD900  }
0x1a: {  	[hbm:s11], [sflag:s24] =	dma.local @!p0 [spmem:s14], $0x100  }
.Ltmp1:
0x1b: {  	_ = 	snop;
	(pc) =	sbr.rel @!p1 .LBB2_6-.Ltmp1, $4  }
0x1c: {  	s24 =	simm.s32 @!p0 $0x8  }
0x1d: {  	_ =	swait.ge @!p0 [sflag:s24], $0x100  }
0x1e: {  	[sflag:s24] =	ssyncset.done @!p0 $0x0  }
0x1f: {  	[sflag:s24] =	ssyncadd.s32 @!p0 $0xFFFFFF00  }
.LBB2_1:
0x20: {  	[spmem:s13], [sflag:s6] =	dma.local [hbm:s4], $0x2700  }
0x21: {  	[spmem:s14], [sflag:s6] =	dma.local @!p0 [hbm:s7], $0x100  }
0x22: {  	[tilespmem:s2], [sflag:$0x8] =	stream.linear.gather [hbm4b:s8+s2], $0x3E80, $0x38;
	[tilespmem:$0x1F4C0] =	vst v63  }
0x23: {  	_ =	swait.ge [sflag:s15], $0x3E80  }
0x24: {  	[sflag:s15] =	ssyncset.done $0x0  }
0x25: {  	[sflag:s15] =	ssyncadd.s32 $0xFFFFC180  }
0x26: {  	v0 =	vld [tilespmem:$0x0];
	_ =	sdelay $0x1  }
0x27: {  	v1 =	vld [tilespmem:$0x10];
	_ =	sdelay $0x1  }
0x28: {  	v2 =	vld [tilespmem:$0x20]  }
0x29: {  	v3 =	vand.u32 $0xFFFF, v0  }
0x2a: {  	v40 =	vld [tilespmem:$0x30];
	v0 =	vshrl.u32 v0, $0x10;
	[tilespmem:$0x4000] =	vst v3  }
0x2b: {  	v41 =	vand.u32 $0xFFFF, v1;
	[tilespmem:$0x4200] =	vst v0  }
0x2c: {  	v43 =	vld [tilespmem:$0x40];
	v42 =	vshrl.u32 v1, $0x10;
	[tilespmem:$0x4010] =	vst v41  }
0x2d: {  	v44 =	vand.u32 $0xFFFF, v2;
	[tilespmem:$0x4210] =	vst v42  }
0x2e: {  	v45 =	vshrl.u32 v2, $0x10;
	[tilespmem:$0x4020] =	vst v44  }
0x2f: {  	v46 =	vand.u32 $0xFFFF, v40;
	[tilespmem:$0x4220] =	vst v45  }
0x30: {  	v47 =	vshrl.u32 v40, $0x10;
	[tilespmem:$0x4030] =	vst v46  }
0x31: {  	v48 =	vand.u32 $0xFFFF, v43;
	[tilespmem:$0x4230] =	vst v47  }
0x32: {  	v49 =	vshrl.u32 v43, $0x10;
	[tilespmem:$0x4040] =	vst v48  }
0x33: {  	[tilespmem:$0x4240] =	vst v49  }
0x34: {  	[tilespmem:s18], [sflag:$0x1] =	stream.indirect.gather [hbm4b:s9+s16], $0x80, s17, s16, $0xb8;
	[tilespmem:$0x1F4C0] =	vst v63  }
0x35: {  	v50 =	vld [tilespmem:$0x80];
	_ =	sdelay $0x1  }
0x36: {  	v51 =	vld [tilespmem:$0x90];
	_ =	sdelay $0x1  }
0x37: {  	v52 =	vld [tilespmem:$0xA0]  }
0x38: {  	v53 =	vand.u32 $0xFFFF, v50  }
0x39: {  	v54 =	vld [tilespmem:$0xB0];
	v0 =	vshrl.u32 v50, $0x10;
	[tilespmem:$0x4080] =	vst v53  }
0x3a: {  	v55 =	vand.u32 $0xFFFF, v51;
	[tilespmem:$0x4280] =	vst v0  }
0x3b: {  	v57 =	vld [tilespmem:$0xC0];
	v56 =	vshrl.u32 v51, $0x10;
	[tilespmem:$0x4090] =	vst v55  }
0x3c: {  	v58 =	vand.u32 $0xFFFF, v52;
	[tilespmem:$0x4290] =	vst v56  }
0x3d: {  	v59 =	vshrl.u32 v52, $0x10;
	[tilespmem:$0x40A0] =	vst v58  }
0x3e: {  	v60 =	vand.u32 $0xFFFF, v54;
	[tilespmem:$0x42A0] =	vst v59  }
0x3f: {  	v61 =	vshrl.u32 v54, $0x10;
	[tilespmem:$0x40B0] =	vst v60  }
0x40: {  	v62 =	vand.u32 $0xFFFF, v57;
	[tilespmem:$0x42B0] =	vst v61  }
0x41: {  	v63 =	vshrl.u32 v57, $0x10;
	[tilespmem:$0x40C0] =	vst v62  }
0x42: {  	[tilespmem:$0x42C0] =	vst v63  }
0x43: {  	[tilespmem:s20], [sflag:$0x2] =	stream.indirect.gather [hbm4b:s9+s16], $0x80, s19, s16, $0xb8;
	[tilespmem:$0x1F4C0] =	vst v63  }
0x44: {  	_ =	swait.ge [sflag:s21], $0x2700  }
0x45: {  	[sflag:s21] =	ssyncset.done $0x0  }
0x46: {  	s24 =	simm.s32 @!p0 $0x7;
	[sflag:s21] =	ssyncadd.s32 $0xFFFFD900  }
.Ltmp2:
0x47: {  	_ =	swait.ge @!p0 [sflag:s24], $0x100;
	(pc) =	sbr.rel .LBB2_2-.Ltmp2, $4  }
0x48: {  	[sflag:s24] =	ssyncset.done @!p0 $0x0  }
0x49: {  	[sflag:s24] =	ssyncadd.s32 @!p0 $0xFFFFFF00  }
0x4a: {  	[bflag:$0x0] =	sbarrier.arrive $0xFFFF  }
0x4b: {  	s25 =	simm.s32 $0x0;
	s24 =	simm.s32 $0x140  }
.LBB2_4:
0x4c: {  	s28 =	sand.u32 $0xFF, s26  }
0x4d: {  	s28 =	smul.u32 $0xAB, s28;
	_ =	sdelay $0x1  }
0x4e: {  	s28 =	sshrl.u32 s28, $0x9  }
0x4f: {  	s28 =	smul.u32 $0x3, s28;
	_ =	sdelay $0x1  }
0x50: {  	s29 =	ssub.s32 s26, s28  }
0x51: {  	s25 =	sadd.s32 $0x1, s25;
	s26 =	sand.u32 $0xFF, s29  }
0x52: {  	p1 =	sne.s32 s25, $0x7D;
	s29 =	smul.u32 $0xA000, s26  }
.Ltmp3:
0x53: {  	s30 =	sadd.s32 $0x1, s26;
	(pc) =	sbr.rel @!p1 .LBB2_5-.Ltmp3, $4  }
0x54: {  	s24 =	sadd.s32 $0x80, s24;
	s31 =	sshll.u32 s26, $0x7;
	_ =	swait.ge [sflag:s30], $0x2800  }
0x55: {  	s26 =	sor.u32 $0x4, s26;
	[sflag:s30] =	ssyncset.done $0x0;
	s29 =	sshrl.u32 s29, $0x2  }
0x56: {  	s28 =	sor.u32 $0x4200, s31;
	[sflag:s30] =	ssyncadd.s32 $0xFFFFD800;
	s29 =	sadd.s32 $0x4400, s29  }
0x57: {  	[spmem:s1] =	stream.indirect.scatter.add.f32 [tilespmem:s29], [sflag:s26], $0x80, s28, s16, $0xb8;
	[tilespmem:$0x1F4C0] =	vst v63  }
.LBB2_2:
0x58: {  	p1 =	seq.s32 s25, $0x0  }
0x59: {  	s26 =	sadd.s32 @!p1 $0xFFFFFFFF, s25  }
0x5a: {  	s28 =	sand.u32 @!p1 $0xFF, s26  }
0x5b: {  	s28 =	smul.u32 @!p1 $0xAB, s28;
	_ =	sdelay $0x1  }
0x5c: {  	s28 =	sshrl.u32 @!p1 s28, $0x9  }
0x5d: {  	s28 =	smul.u32 @!p1 $0x3, s28  }
0x5e: {  	p2 =	sgt.u32 @!p1 s25, $0x7A  }
0x5f: {  	p2 =	por p1, !p2;
	s26 =	ssub.s32 @!p1 s26, s28  }
.Ltmp4:
0x60: {  	s26 =	sor.u32 @!p1 $0x4, s26;
	(pc) =	sbr.rel @!p2 .LBB2_4-.Ltmp4, $4  }
0x61: {  	s26 =	sand.u32 @!p1 $0xFF, s26  }
0x62: {  	_ =	swait.ge @!p1 [sflag:s26], $0x2800  }
0x63: {  	[sflag:s26] =	ssyncset.done @!p1 $0x0  }
0x64: {  	[sflag:s26] =	ssyncadd.s32 @!p1 $0xFFFFD800;
	s26 =	smov.u32 s25  }
0x65: {  	s26 =	sadd.s32 $0x2, s25  }
0x66: {  	s28 =	smul.u32 $0xAB, s26;
	_ =	sdelay $0x1  }
0x67: {  	s28 =	sshrl.u32 s28, $0x9  }
0x68: {  	s28 =	sand.u32 $0x7F, s28  }
0x69: {  	v0 =	vld [tilespmem:s24+$0xFFFFFFC0];
	s28 =	smul.u32 $0x3, s28;
	_ =	sdelay $0x1  }
0x6a: {  	s26 =	ssub.s32 s26, s28  }
0x6b: {  	s26 =	sand.u32 $0xFF, s26  }
0x6c: {  	s28 =	sshll.u32 s26, $0x7  }
0x6d: {  	v1 =	vand.u32 $0xFFFF, v0;
	s29 =	sor.u32 $0x4000, s28  }
0x6e: {  	v0 =	vshrl.u32 v0, $0x10;
	s30 =	sor.u32 $0x4200, s28;
	[tilespmem:s29+$0x0] =	vst v1  }
0x6f: {  	[tilespmem:s30+$0x0] =	vst v0  }
0x70: {  	v0 =	vld [tilespmem:s24+$0xFFFFFFD0];
	_ =	sdelay $0x4  }
0x71: {  	s31 =	sor.u32 $0x4010, s28;
	v60 =	vand.u32 $0xFFFF, v0  }
0x72: {  	v0 =	vshrl.u32 v0, $0x10;
	[tilespmem:s31+$0x0] =	vst v60;
	s31 =	sor.u32 $0x4210, s28  }
0x73: {  	[tilespmem:s31+$0x0] =	vst v0  }
0x74: {  	v0 =	vld [tilespmem:s24+$0xFFFFFFE0];
	_ =	sdelay $0x4  }
0x75: {  	s31 =	sor.u32 $0x4020, s28;
	v61 =	vand.u32 $0xFFFF, v0  }
0x76: {  	v0 =	vshrl.u32 v0, $0x10;
	[tilespmem:s31+$0x0] =	vst v61;
	s31 =	sor.u32 $0x4220, s28  }
0x77: {  	[tilespmem:s31+$0x0] =	vst v0  }
0x78: {  	v0 =	vld [tilespmem:s24+$0xFFFFFFF0];
	_ =	sdelay $0x4  }
0x79: {  	s31 =	sor.u32 $0x4030, s28;
	v62 =	vand.u32 $0xFFFF, v0  }
0x7a: {  	v0 =	vshrl.u32 v0, $0x10;
	[tilespmem:s31+$0x0] =	vst v62;
	s31 =	sor.u32 $0x4230, s28  }
0x7b: {  	[tilespmem:s31+$0x0] =	vst v0  }
0x7c: {  	v0 =	vld [tilespmem:s24+$0x0];
	_ =	sdelay $0x3  }
0x7d: {  	s30 =	smul.u32 $0xA000, s26  }
0x7e: {  	s31 =	sor.u32 $0x4040, s28;
	v63 =	vand.u32 $0xFFFF, v0  }
.Ltmp5:
0x7f: {  	s30 =	sshrl.u32 s30, $0x2;
	s28 =	sor.u32 $0x4240, s28;
	v0 =	vshrl.u32 v0, $0x10;
	[tilespmem:s31+$0x0] =	vst v63;
	(pc) =	sbr.rel .LBB2_4-.Ltmp5, $4  }
0x80: {  	s26 =	sadd.s32 $0x1, s26;
	s31 =	sadd.s32 $0x4400, s30;
	[tilespmem:s28+$0x0] =	vst v0  }
0x81: {  	[tilespmem:s31], [sflag:s26] =	stream.indirect.gather [hbm4b:s9+s16], $0x80, s29, s16, $0xb8;
	[tilespmem:$0x1F4C0] =	vst v63  }
0x82: {  	s26 =	smov.u32 s25  }
0x83: {  	s26 =	simm.s32 @p1 $0x0  }
.LBB2_6:
0x84: {  	_ =	sfence.sel $0x180000  }
0x85: {  	[bflag:$0x0] =	sbarrier.arrive $0xFFFF  }
0x86: {  	p0 =	sne.s32 s3, $0x0;
	_ =	strace $0x9000004A  }
0x87: {  	s0 =	sadd.s32 @!p0 $0x100000, s0;
	[bflag:$0x2] =	sbarrier.arrive $0xFFFF  }
0x88: {  	[sflag:s0] =	ssyncadd.tile.s32 @!p0 $0x1;
	_ =	shalt  }
.Lfunc_end2:
_tile_overlayer_lowered:
.L_overlay_start_2:
0x89: {  	(tag) =	ssettag $0x2  }
0x8a: {  	s0 =	rddreg [dreg:$0x0];
	s2 =	stileid.u32  }
0x8b: {  	s1 =	rddreg [dreg:$0x1];
	p0 =	sne.s32 s2, $0x0  }
0x8c: {  	s3 =	rddreg [dreg:$0x2];
	[bflag:$0x3] =	sbarrier.arrive $0xFFFF;
	s2 =	simm.s32 @!p0 $0x1C08  }
0x8d: {  	[timem:s3], [sflag:s2] =	dma.local @!p0 [hbm:s0], s1  }
0x8e: {  	s0 =	simm.s32 @!p0 $0x8  }
0x8f: {  	_ =	swait.ge @!p0 [sflag:s0], s1  }
0x90: {  	s1 =	ssub.s32 @!p0 $0x0, s1;
	[sflag:s0] =	ssyncset.done @!p0 $0x0  }
0x91: {  	[sflag:s0] =	ssyncadd.s32 @!p0 s1  }
0x92: {  	[bflag:$0x3] =	sbarrier.arrive $0xFFFF  }
0x93: {  	_ =	shalt  }

// kernel: kernel.15.cloned.1.call-start
scs
__scs_entry_jumppad:
0x0: {  	(pc) =	sbr.rel $0x88, $3  }
0x1: {  	(tag) =	ssettag $0x0;
	lr =	simm.s32 $0x1  }
0x2: {  	[smem:$0x3F94] =	sst lr;
	_ =	strace $0xD0000000  }
0x3: {  	_ = 	snop  }
0x4: {  	_ = 	snop  }
0x5: {  	_ = 	snop  }
0x6: {  	_ = 	snop  }
0x7: {  	_ = 	snop  }
__scs_overlays_trampoline_lowered:
0x8: {  	[smem:$0x3FA3] =	sst s0  }
0x9: {  	[smem:$0x3FA4] =	sst s1  }
0xa: {  	[smem:$0x3FA5] =	sst s2  }
0xb: {  	[smem:$0x3FA6] =	sst s3  }
0xc: {  	[smem:$0x3FA7] =	sst s4  }
0xd: {  	[smem:$0x3FA8] =	sst s5  }
0xe: {  	[smem:$0x3FA9] =	sst s6  }
0xf: {  	[smem:$0x3FAA] =	sst s7  }
0x10: {  	[smem:$0x3FAB] =	sst s8  }
0x11: {  	[smem:$0x3FAC] =	sst s9;
	s0 =	simm.s32 @!p0 $0x0  }
0x12: {  	s1 =	sld [smem:$0x3F92];
	s0 =	simm.s32 @p0 $0x1  }
0x13: {  	[smem:$0x3FAD] =	sst s0;
	s0 =	simm.s32 @!p1 $0x0  }
0x14: {  	s2 =	sld [smem:$0x3F91];
	s0 =	simm.s32 @p1 $0x1  }
0x15: {  	[smem:$0x3FAE] =	sst s0;
	s0 =	simm.s32 @!p2 $0x0  }
0x16: {  	s3 =	sld [smem:$0x3FDB];
	s0 =	simm.s32 @p2 $0x1  }
0x17: {  	s4 =	simm.s32 $0x1BF5;
	[smem:$0x3FB0] =	sst s0  }
0x18: {  	s0 =	sld [smem:$0x3F93];
	_ =	swait.ge [sflag:s4], $0x0  }
0x19: {  	s7 =	sld [smem:$0x3F94]  }
0x1a: {  	s8 =	sadd.s32 $0xFFFFE003, lr  }
0x1b: {  	s9 =	sadd.s32 $0xFFFFFEF7, lr;
	s5 =	simm.s32 $0xFFFFFFFF;
	p2 =	slt.u32 s8, $0xFFFFF086  }
0x1c: {  	p1 =	slt.u32 s9, $0xF7A;
	s5 =	simm.s32 @!p2 $0x0  }
0x1d: {  	s5 =	simm.s32 @p1 $0x1;
	p0 =	seq.s32 s7, s2  }
0x1e: {  	s7 =	smul.u32 @!p0 $0xF7A, s2;
	p2 =	seq.s32 @!p0 s5, $0x0  }
0x1f: {  	s9 =	smul.u32 $0xF7A, s1;
	s8 =	simm.s32 @!p0 $0x1BF5;
	p2 =	por !p2, p0  }
0x20: {  	[sflag:s8] =	ssyncset.s32 @!p0 $0xFFFFF086;
	s6 =	sadd.s32 @!p0 s3, s7;
	s7 =	simm.s32 @!p0 $0x108  }
0x21: {  	s3 =	sadd.s32 s3, s9;
	s6 =	sadd.s32 @!p0 $0x88, s6;
	s7 =	simm.s32 @p2 $0x1082  }
0x22: {  	[simem:s7], [sflag:s8] =	dma.local @!p0 [hbm:s6], $0xF7A  }
0x23: {  	s9 =	sor.u32 $0xD0000000, s2;
	s6 =	simm.s32 $0x108;
	_ =	swait.ge @!p0 [sflag:s8], $0x0  }
0x24: {  	s3 =	sadd.s32 $0x88, s3;
	s6 =	simm.s32 @!p1 $0x1082;
	[sflag:s4] =	ssyncset.s32 $0xFFFFF086  }
0x25: {  	[simem:s6], [sflag:s4] =	dma.local [hbm:s3], $0xF7A  }
0x26: {  	[smem:$0x3F94] =	sst s1;
	(tag) =	ssettag s2;
	_ =	strace s9  }
0x27: {  	s1 =	sld [smem:$0x3FA4]  }
0x28: {  	s2 =	sld [smem:$0x3FA5]  }
0x29: {  	s4 =	sld [smem:$0x3FA7]  }
0x2a: {  	p0 =	seq.s32 s5, $0x0;
	s5 =	sld [smem:$0x3FA8]  }
0x2b: {  	s6 =	sld [smem:$0x3FA9]  }
0x2c: {  	s7 =	sld [smem:$0x3FAA]  }
0x2d: {  	s3 =	simm.s32 $0x108;
	s8 =	sld [smem:$0x3FAB]  }
0x2e: {  	s3 =	simm.s32 @!p0 $0x1082;
	s9 =	sld [smem:$0x3FAC]  }
0x2f: {  	lr =	sadd.s32 s0, s3;
	s0 =	sld [smem:$0x3FA3]  }
0x30: {  	s3 =	sld [smem:$0x3FA6]  }
0x31: {  	[smem:$0x3FAF] =	sst s10  }
0x32: {  	s10 =	sld [smem:$0x3FAD];
	_ =	sdelay $0x3  }
0x33: {  	p0 =	seq.s32 s10, $0x1;
	s10 =	sld [smem:$0x3FAF];
	_ =	sdelay $0x3  }
0x34: {  	[smem:$0x3FAF] =	sst s10  }
0x35: {  	s10 =	sld [smem:$0x3FAE];
	_ =	sdelay $0x3  }
0x36: {  	p1 =	seq.s32 s10, $0x1;
	s10 =	sld [smem:$0x3FAF];
	_ =	sdelay $0x3  }
0x37: {  	[smem:$0x3FAF] =	sst s10  }
0x38: {  	s10 =	sld [smem:$0x3FB0]  }
0x39: {  	_ = 	snop;
	(pc) =	sbr.ind lr, $3  }
0x3a: {  	_ = 	snop  }
0x3b: {  	_ = 	snop  }
0x3c: {  	p2 =	seq.s32 s10, $0x1;
	s10 =	sld [smem:$0x3FAF]  }
0x3d: {  	_ =	shalt  }
0x3e: {  	_ =	shalt  }
0x3f: {  	_ =	shalt  }
0x40: {  	_ =	shalt  }
0x41: {  	_ =	shalt  }
0x42: {  	_ =	shalt  }
0x43: {  	_ =	shalt  }
0x44: {  	_ =	shalt  }
0x45: {  	_ =	shalt  }
0x46: {  	_ =	shalt  }
0x47: {  	_ =	shalt  }
0x48: {  	_ =	shalt  }
0x49: {  	_ =	shalt  }
0x4a: {  	_ =	shalt  }
0x4b: {  	_ =	shalt  }
0x4c: {  	_ =	shalt  }
0x4d: {  	_ =	shalt  }
0x4e: {  	_ =	shalt  }
0x4f: {  	_ =	shalt  }
0x50: {  	_ =	shalt  }
0x51: {  	_ =	shalt  }
0x52: {  	_ =	shalt  }
0x53: {  	_ =	shalt  }
0x54: {  	_ =	shalt  }
0x55: {  	_ =	shalt  }
0x56: {  	_ =	shalt  }
0x57: {  	_ =	shalt  }
0x58: {  	_ =	shalt  }
0x59: {  	_ =	shalt  }
0x5a: {  	_ =	shalt  }
0x5b: {  	_ =	shalt  }
0x5c: {  	_ =	shalt  }
0x5d: {  	_ =	shalt  }
0x5e: {  	_ =	shalt  }
0x5f: {  	_ =	shalt  }
0x60: {  	_ =	shalt  }
0x61: {  	_ =	shalt  }
0x62: {  	_ =	shalt  }
0x63: {  	_ =	shalt  }
0x64: {  	_ =	shalt  }
0x65: {  	_ =	shalt  }
0x66: {  	_ =	shalt  }
0x67: {  	_ =	shalt  }
0x68: {  	_ =	shalt  }
0x69: {  	_ =	shalt  }
0x6a: {  	_ =	shalt  }
0x6b: {  	_ =	shalt  }
0x6c: {  	_ =	shalt  }
0x6d: {  	_ =	shalt  }
0x6e: {  	_ =	shalt  }
0x6f: {  	_ =	shalt  }
0x70: {  	_ =	shalt  }
0x71: {  	_ =	shalt  }
0x72: {  	_ =	shalt  }
0x73: {  	_ =	shalt  }
0x74: {  	_ =	shalt  }
0x75: {  	_ =	shalt  }
0x76: {  	_ =	shalt  }
0x77: {  	_ =	shalt  }
0x78: {  	_ =	shalt  }
0x79: {  	_ =	shalt  }
0x7a: {  	_ =	shalt  }
0x7b: {  	_ =	shalt  }
0x7c: {  	_ =	shalt  }
0x7d: {  	_ =	shalt  }
0x7e: {  	_ =	shalt  }
0x7f: {  	_ =	shalt  }
0x80: {  	_ =	shalt  }
0x81: {  	_ =	shalt  }
0x82: {  	_ =	shalt  }
0x83: {  	_ =	shalt  }
0x84: {  	_ =	shalt  }
0x85: {  	_ =	shalt  }
0x86: {  	_ =	shalt  }
0x87: {  	_ =	shalt  }
.Lfunc_end0:
.L_simem_size_0:
called_computation.2_lowered:
.L_overlay_start_0:
0x88: {  	s2 =	sld [smem:$0x3FD9]  }
0x89: {  	s3 =	sld [smem:$0x3FFE];
	_ =	sdelay $0x1  }
0x8a: {  	s1 =	srdreg.scid  }
0x8b: {  	s0 =	sand.u32 $0x1, s1  }
0x8c: {  	s16 =	sshll.u32 s0, $0xA;
	s2 =	sadd.s32 s3, s2  }
0x8d: {  	s2 =	sadd.s32 s2, s16  }
0x8e: {  	[smem:$0x3FBB] =	sst s2  }
0x8f: {  	_ = 	snop  }
0x90: {  	(tm) =	ssettm $0x1  }
0x91: {  	s17 =	sld [smem:$0x3FFB];
	_ =	sdelay $0x3  }
0x92: {  	_ =	strace s17  }
0x93: {  	s2 =	sld [smem:$0x3FFC];
	_ =	sdelay $0x3  }
0x94: {  	_ =	strace s2  }
0x95: {  	s2 =	sld [smem:$0x3FFD];
	_ =	sdelay $0x3  }
0x96: {  	_ =	strace s2  }
0x97: {  	_ =	strace $0x8FFFFFFF  }
0x98: {  	s18 =	sld [smem:$0x3FDB];
	_ =	sdelay $0x1  }
0x99: {  	s19 =	simm.s32 $_scs_section_size  }
0x9a: {  	s4 =	simm.s32 $_size__tile_overlayer_lowered;
	s5 =	simm.s32 $_tile_overlayer_lowered  }
0x9b: {  	s22 =	simm.s32 $0x1BFF;
	s21 =	sshll.u32 s5, $0x1;
	s2 =	sadd.s32 s19, s18  }
0x9c: {  	s6 =	simm.s32 $0x0;
	s20 =	sshll.u32 s4, $0x1;
	s4 =	sadd.s32 s21, s2  }
0x9d: {  	[timem:s6], [sflag:s22] =	dma.local [hbm:s4], s20  }
0x9e: {  	_ =	swait.ge [sflag:s22], s20  }
0x9f: {  	s3 =	ssub.s32 $0x0, s20;
	[sflag:s22] =	ssyncset.done $0x0  }
0xa0: {  	[sflag:s22] =	ssyncadd.s32 s3;
	_ =	sdelay $0x1  }
0xa1: {  	s23 =	simm.s32 $0x1B8B  }
0xa2: {  	_ =	swait.ge [sflag:s23], $0x1  }
0xa3: {  	[sflag:s23] =	ssyncset.done $0x0  }
0xa4: {  	s25 =	simm.s32 $0x1B8E;
	s24 =	sld [smem:$0x3FFE];
	[sflag:s23] =	ssyncadd.s32 $0xFFFFFFFF  }
0xa5: {  	s26 =	simm.s32 $execute0_lowered;
	[smem:$0x3FD2] =	sst s25  }
0xa6: {  	s4 =	sshll.u32 s26, $0x1;
	_ =	strace $0x8000004C;
	[dreg:$0x1] =	wrdreg $0xFFFFFFFF  }
0xa7: {  	s28 =	simm.s32 $_size_execute0_lowered;
	s2 =	sadd.s32 s2, s4;
	[dreg:$0x0] =	wrdreg $0x0  }
0xa8: {  	s4 =	sshll.u32 s28, $0x1;
	[dreg:$0x2] =	wrdreg s2  }
0xa9: {  	[dreg:$0x3] =	wrdreg s4  }
0xaa: {  	[dreg:$0x4] =	wrdreg $0xC0  }
0xab: {  	_ =	task [dreg:s6], $0x5FFFF  }
0xac: {  	[dreg:$0x1] =	wrdreg $0xFFFFFFFF  }
0xad: {  	[dreg:$0x0] =	wrdreg $0x60  }
0xae: {  	[dreg:$0x2] =	wrdreg s24  }
0xaf: {  	[dreg:$0x3] =	wrdreg $0xBC000  }
0xb0: {  	[dreg:$0x4] =	wrdreg $0x9  }
0xb1: {  	_ =	task.clear_ibuf [dreg:s6], $0x5FFFF;
	_ =	strace $0x9000004C  }
0xb2: {  	s29 =	simm.s32 $0x9;
	_ =	strace $0x8000004E  }
0xb3: {  	_ =	swait.ge [sflag:s29], $0x1  }
0xb4: {  	[sflag:s29] =	ssyncadd.s32 $0xFFFFFFFF  }
0xb5: {  	_ =	strace $0x9000004E  }
0xb6: {  	_ =	sfence  }
0xb7: {  	s30 =	sld [smem:$0x0];
	_ =	sdelay $0x2  }
0xb8: {  	s31 =	sshll.u32 s1, $0xD;
	s1 =	sshrl.u32 s1, $0x2  }
0xb9: {  	s3 =	sand.u32 $0x4000, s31;
	s1 =	sadd.s32 s1, s30  }
0xba: {  	s0 =	sor.u32 s3, s0;
	s1 =	sshll.u32 s1, $0x11  }
0xbb: {  	s0 =	sor.u32 s1, s0  }
0xbc: {  	s0 =	sadd.s32 $0x8F2B, s0  }
0xbd: {  	[sflag:s0] =	ssyncadd.remote.s32 $0x1  }
0xbe: {  	_ =	sfence.sel $0xFFFF  }
0xbf: {  	[dreg:$0x0] =	wrdreg $0xFFFFFFFF;
	(pc) =	sbr.abs _section_cstart, $3  }
0xc0: {  	[dreg:$0x1] =	wrdreg $0xFFFFFFFF  }
0xc1: {  	_ =	task.clear_ibuf [dreg:s6], $0x2FFFF;
	_ =	strace $0x9FFFFFFF  }
0xc2: {  	(tm) =	ssettm $0x7FFFFFFF  }
0xc3: {  	_ =	shalt  }
tec
execute0_lowered:
.L_overlay_start_1:
0x0: {  	(tag) =	ssettag $0x1  }
0x1: {  	s4 =	rddreg [dreg:$0x0]  }
0x2: {  	s0 =	srdreg.scid;
	s1 =	rddreg [dreg:$0x1];
	s2 =	simm.s32 $0x0  }
0x3: {  	s3 =	stileid.u32;
	s17 =	simm.s32 $0x4000;
	s18 =	simm.s32 $0x4400  }
0x4: {  	s19 =	simm.s32 $0x4080;
	s20 =	simm.s32 $0x6C00;
	s21 =	simm.s32 $0x7  }
0x5: {  	s22 =	simm.s32 $0x5;
	s5 =	sand.u32 $0x1, s0;
	s0 =	rddreg [dreg:$0x2]  }
0x6: {  	s23 =	simm.s32 $0x0;
	[smem:$0x7FF] =	sst s2;
	s11 =	smul.u32 $0x13800, s3  }
0x7: {  	s8 =	sadd.s32 $0x59000, s4;
	s10 =	sshll.u32 s3, $0xB;
	s12 =	smul.u32 $0x4E000, s3  }
0x8: {  	s13 =	sadd.s32 $0xA7200, s4;
	s16 =	sadd.s32 $0x138000, s1;
	p0 =	sne.s32 s3, $0xF  }
0x9: {  	s6 =	smul.u32 $0x138800, s5;
	_ =	strace $0x8000004D;
	s5 =	ssub.s32 $0x2, s5  }
0xa: {  	s10 =	sadd.s32 s10, s4;
	s29 =	sshrl.u32 s5, $0x1;
	s30 =	sshrl.u32 s12, $0x2  }
0xb: {  	s7 =	sshrl.u32 s6, $0x3;
	s6 =	sadd.s32 s11, s6;
	s14 =	ssub.s32 s5, s29  }
0xc: {  	s15 =	sadd.s32 s30, s1;
	s5 =	sshll.u32 s3, $0x6;
	s9 =	sadd.s32 s7, s4  }
.Ltmp0:
0xd: {  	s11 =	sshrl.u32 s6, $0x3;
	s6 =	sor.u32 $0x1C07, s5;
	(pc) =	sbr.rel .LBB2_1-.Ltmp0, $4  }
0xe: {  	s31 =	sadd.s32 $0x27000, s7;
	s12 =	smax.u32 s14, $0x1;
	s14 =	sshrl.u32 @!p0 s16, $0x3  }
0xf: {  	s16 =	simm.s32 $0x50;
	s4 =	sadd.s32 s8, s11;
	s7 =	sadd.s32 s8, s31  }
0x10: {  	s8 =	sadd.s32 $0x2E00, s10;
	s9 =	sadd.s32 $0xAE00, s9;
	s10 =	sadd.s32 s13, s11  }
0x11: {  	s11 =	sadd.s32 s13, s31;
	s13 =	sshrl.u32 s15, $0x3;
	s15 =	simm.s32 $0x8  }
.LBB2_5:
0x12: {  	_ =	swait.ge [sflag:s22], $0x2800  }
0x13: {  	[sflag:s22] =	ssyncset.done $0x0  }
0x14: {  	[sflag:s22] =	ssyncadd.s32 $0xFFFFD800  }
0x15: {  	s24 =	sor.u32 $0x1C08, s5;
	[bflag:$0x0] =	sbarrier.arrive $0xFFFF  }
0x16: {  	[hbm:s10], [sflag:s24] =	dma.local [spmem:s13], $0x2700  }
0x17: {  	_ =	swait.ge [sflag:s15], $0x2700  }
0x18: {  	s23 =	sadd.s32 $0x1, s23;
	[sflag:s15] =	ssyncset.done $0x0  }
0x19: {  	p1 =	sne.s32 s23, s12;
	[sflag:s15] =	ssyncadd.s32 $0xFFFFD900  }
0x1a: {  	[hbm:s11], [sflag:s24] =	dma.local @!p0 [spmem:s14], $0x100  }
.Ltmp1:
0x1b: {  	_ = 	snop;
	(pc) =	sbr.rel @!p1 .LBB2_6-.Ltmp1, $4  }
0x1c: {  	s24 =	simm.s32 @!p0 $0x8  }
0x1d: {  	_ =	swait.ge @!p0 [sflag:s24], $0x100  }
0x1e: {  	[sflag:s24] =	ssyncset.done @!p0 $0x0  }
0x1f: {  	[sflag:s24] =	ssyncadd.s32 @!p0 $0xFFFFFF00  }
.LBB2_1:
0x20: {  	[spmem:s13], [sflag:s6] =	dma.local [hbm:s4], $0x2700  }
0x21: {  	[spmem:s14], [sflag:s6] =	dma.local @!p0 [hbm:s7], $0x100  }
0x22: {  	[tilespmem:s2], [sflag:$0x8] =	stream.linear.gather [hbm4b:s8+s2], $0x3E80, $0x38;
	[tilespmem:$0x1F4C0] =	vst v63  }
0x23: {  	_ =	swait.ge [sflag:s15], $0x3E80  }
0x24: {  	[sflag:s15] =	ssyncset.done $0x0  }
0x25: {  	[sflag:s15] =	ssyncadd.s32 $0xFFFFC180  }
0x26: {  	v0 =	vld [tilespmem:$0x0];
	_ =	sdelay $0x1  }
0x27: {  	v1 =	vld [tilespmem:$0x10];
	_ =	sdelay $0x1  }
0x28: {  	v2 =	vld [tilespmem:$0x20]  }
0x29: {  	v3 =	vand.u32 $0xFFFF, v0  }
0x2a: {  	v40 =	vld [tilespmem:$0x30];
	v0 =	vshrl.u32 v0, $0x10;
	[tilespmem:$0x4000] =	vst v3  }
0x2b: {  	v41 =	vand.u32 $0xFFFF, v1;
	[tilespmem:$0x4200] =	vst v0  }
0x2c: {  	v43 =	vld [tilespmem:$0x40];
	v42 =	vshrl.u32 v1, $0x10;
	[tilespmem:$0x4010] =	vst v41  }
0x2d: {  	v44 =	vand.u32 $0xFFFF, v2;
	[tilespmem:$0x4210] =	vst v42  }
0x2e: {  	v45 =	vshrl.u32 v2, $0x10;
	[tilespmem:$0x4020] =	vst v44  }
0x2f: {  	v46 =	vand.u32 $0xFFFF, v40;
	[tilespmem:$0x4220] =	vst v45  }
0x30: {  	v47 =	vshrl.u32 v40, $0x10;
	[tilespmem:$0x4030] =	vst v46  }
0x31: {  	v48 =	vand.u32 $0xFFFF, v43;
	[tilespmem:$0x4230] =	vst v47  }
0x32: {  	v49 =	vshrl.u32 v43, $0x10;
	[tilespmem:$0x4040] =	vst v48  }
0x33: {  	[tilespmem:$0x4240] =	vst v49  }
0x34: {  	[tilespmem:s18], [sflag:$0x1] =	stream.indirect.gather [hbm4b:s9+s16], $0x80, s17, s16, $0xb8;
	[tilespmem:$0x1F4C0] =	vst v63  }
0x35: {  	v50 =	vld [tilespmem:$0x80];
	_ =	sdelay $0x1  }
0x36: {  	v51 =	vld [tilespmem:$0x90];
	_ =	sdelay $0x1  }
0x37: {  	v52 =	vld [tilespmem:$0xA0]  }
0x38: {  	v53 =	vand.u32 $0xFFFF, v50  }
0x39: {  	v54 =	vld [tilespmem:$0xB0];
	v0 =	vshrl.u32 v50, $0x10;
	[tilespmem:$0x4080] =	vst v53  }
0x3a: {  	v55 =	vand.u32 $0xFFFF, v51;
	[tilespmem:$0x4280] =	vst v0  }
0x3b: {  	v57 =	vld [tilespmem:$0xC0];
	v56 =	vshrl.u32 v51, $0x10;
	[tilespmem:$0x4090] =	vst v55  }
0x3c: {  	v58 =	vand.u32 $0xFFFF, v52;
	[tilespmem:$0x4290] =	vst v56  }
0x3d: {  	v59 =	vshrl.u32 v52, $0x10;
	[tilespmem:$0x40A0] =	vst v58  }
0x3e: {  	v60 =	vand.u32 $0xFFFF, v54;
	[tilespmem:$0x42A0] =	vst v59  }
0x3f: {  	v61 =	vshrl.u32 v54, $0x10;
	[tilespmem:$0x40B0] =	vst v60  }
0x40: {  	v62 =	vand.u32 $0xFFFF, v57;
	[tilespmem:$0x42B0] =	vst v61  }
0x41: {  	v63 =	vshrl.u32 v57, $0x10;
	[tilespmem:$0x40C0] =	vst v62  }
0x42: {  	[tilespmem:$0x42C0] =	vst v63  }
0x43: {  	[tilespmem:s20], [sflag:$0x2] =	stream.indirect.gather [hbm4b:s9+s16], $0x80, s19, s16, $0xb8;
	[tilespmem:$0x1F4C0] =	vst v63  }
0x44: {  	_ =	swait.ge [sflag:s21], $0x2700  }
0x45: {  	[sflag:s21] =	ssyncset.done $0x0  }
0x46: {  	s24 =	simm.s32 @!p0 $0x7;
	[sflag:s21] =	ssyncadd.s32 $0xFFFFD900  }
.Ltmp2:
0x47: {  	_ =	swait.ge @!p0 [sflag:s24], $0x100;
	(pc) =	sbr.rel .LBB2_2-.Ltmp2, $4  }
0x48: {  	[sflag:s24] =	ssyncset.done @!p0 $0x0  }
0x49: {  	[sflag:s24] =	ssyncadd.s32 @!p0 $0xFFFFFF00  }
0x4a: {  	[bflag:$0x0] =	sbarrier.arrive $0xFFFF  }
0x4b: {  	s25 =	simm.s32 $0x0;
	s24 =	simm.s32 $0x140  }
.LBB2_4:
0x4c: {  	s28 =	sand.u32 $0xFF, s26  }
0x4d: {  	s28 =	smul.u32 $0xAB, s28;
	_ =	sdelay $0x1  }
0x4e: {  	s28 =	sshrl.u32 s28, $0x9  }
0x4f: {  	s28 =	smul.u32 $0x3, s28;
	_ =	sdelay $0x1  }
0x50: {  	s29 =	ssub.s32 s26, s28  }
0x51: {  	s25 =	sadd.s32 $0x1, s25;
	s26 =	sand.u32 $0xFF, s29  }
0x52: {  	p1 =	sne.s32 s25, $0x7D;
	s29 =	smul.u32 $0xA000, s26  }
.Ltmp3:
0x53: {  	s30 =	sadd.s32 $0x1, s26;
	(pc) =	sbr.rel @!p1 .LBB2_5-.Ltmp3, $4  }
0x54: {  	s24 =	sadd.s32 $0x80, s24;
	s31 =	sshll.u32 s26, $0x7;
	_ =	swait.ge [sflag:s30], $0x2800  }
0x55: {  	s26 =	sor.u32 $0x4, s26;
	[sflag:s30] =	ssyncset.done $0x0;
	s29 =	sshrl.u32 s29, $0x2  }
0x56: {  	s28 =	sor.u32 $0x4200, s31;
	[sflag:s30] =	ssyncadd.s32 $0xFFFFD800;
	s29 =	sadd.s32 $0x4400, s29  }
0x57: {  	[spmem:s1] =	stream.indirect.scatter.add.f32 [tilespmem:s29], [sflag:s26], $0x80, s28, s16, $0xb8;
	[tilespmem:$0x1F4C0] =	vst v63  }
.LBB2_2:
0x58: {  	p1 =	seq.s32 s25, $0x0  }
0x59: {  	s26 =	sadd.s32 @!p1 $0xFFFFFFFF, s25  }
0x5a: {  	s28 =	sand.u32 @!p1 $0xFF, s26  }
0x5b: {  	s28 =	smul.u32 @!p1 $0xAB, s28;
	_ =	sdelay $0x1  }
0x5c: {  	s28 =	sshrl.u32 @!p1 s28, $0x9  }
0x5d: {  	s28 =	smul.u32 @!p1 $0x3, s28  }
0x5e: {  	p2 =	sgt.u32 @!p1 s25, $0x7A  }
0x5f: {  	p2 =	por p1, !p2;
	s26 =	ssub.s32 @!p1 s26, s28  }
.Ltmp4:
0x60: {  	s26 =	sor.u32 @!p1 $0x4, s26;
	(pc) =	sbr.rel @!p2 .LBB2_4-.Ltmp4, $4  }
0x61: {  	s26 =	sand.u32 @!p1 $0xFF, s26  }
0x62: {  	_ =	swait.ge @!p1 [sflag:s26], $0x2800  }
0x63: {  	[sflag:s26] =	ssyncset.done @!p1 $0x0  }
0x64: {  	[sflag:s26] =	ssyncadd.s32 @!p1 $0xFFFFD800;
	s26 =	smov.u32 s25  }
0x65: {  	s26 =	sadd.s32 $0x2, s25  }
0x66: {  	s28 =	smul.u32 $0xAB, s26;
	_ =	sdelay $0x1  }
0x67: {  	s28 =	sshrl.u32 s28, $0x9  }
0x68: {  	s28 =	sand.u32 $0x7F, s28  }
0x69: {  	v0 =	vld [tilespmem:s24+$0xFFFFFFC0];
	s28 =	smul.u32 $0x3, s28;
	_ =	sdelay $0x1  }
0x6a: {  	s26 =	ssub.s32 s26, s28  }
0x6b: {  	s26 =	sand.u32 $0xFF, s26  }
0x6c: {  	s28 =	sshll.u32 s26, $0x7  }
0x6d: {  	v1 =	vand.u32 $0xFFFF, v0;
	s29 =	sor.u32 $0x4000, s28  }
0x6e: {  	v0 =	vshrl.u32 v0, $0x10;
	s30 =	sor.u32 $0x4200, s28;
	[tilespmem:s29+$0x0] =	vst v1  }
0x6f: {  	[tilespmem:s30+$0x0] =	vst v0  }
0x70: {  	v0 =	vld [tilespmem:s24+$0xFFFFFFD0];
	_ =	sdelay $0x4  }
0x71: {  	s31 =	sor.u32 $0x4010, s28;
	v60 =	vand.u32 $0xFFFF, v0  }
0x72: {  	v0 =	vshrl.u32 v0, $0x10;
	[tilespmem:s31+$0x0] =	vst v60;
	s31 =	sor.u32 $0x4210, s28  }
0x73: {  	[tilespmem:s31+$0x0] =	vst v0  }
0x74: {  	v0 =	vld [tilespmem:s24+$0xFFFFFFE0];
	_ =	sdelay $0x4  }
0x75: {  	s31 =	sor.u32 $0x4020, s28;
	v61 =	vand.u32 $0xFFFF, v0  }
0x76: {  	v0 =	vshrl.u32 v0, $0x10;
	[tilespmem:s31+$0x0] =	vst v61;
	s31 =	sor.u32 $0x4220, s28  }
0x77: {  	[tilespmem:s31+$0x0] =	vst v0  }
0x78: {  	v0 =	vld [tilespmem:s24+$0xFFFFFFF0];
	_ =	sdelay $0x4  }
0x79: {  	s31 =	sor.u32 $0x4030, s28;
	v62 =	vand.u32 $0xFFFF, v0  }
0x7a: {  	v0 =	vshrl.u32 v0, $0x10;
	[tilespmem:s31+$0x0] =	vst v62;
	s31 =	sor.u32 $0x4230, s28  }
0x7b: {  	[tilespmem:s31+$0x0] =	vst v0  }
0x7c: {  	v0 =	vld [tilespmem:s24+$0x0];
	_ =	sdelay $0x3  }
0x7d: {  	s30 =	smul.u32 $0xA000, s26  }
0x7e: {  	s31 =	sor.u32 $0x4040, s28;
	v63 =	vand.u32 $0xFFFF, v0  }
.Ltmp5:
0x7f: {  	s30 =	sshrl.u32 s30, $0x2;
	s28 =	sor.u32 $0x4240, s28;
	v0 =	vshrl.u32 v0, $0x10;
	[tilespmem:s31+$0x0] =	vst v63;
	(pc) =	sbr.rel .LBB2_4-.Ltmp5, $4  }
0x80: {  	s26 =	sadd.s32 $0x1, s26;
	s31 =	sadd.s32 $0x4400, s30;
	[tilespmem:s28+$0x0] =	vst v0  }
0x81: {  	[tilespmem:s31], [sflag:s26] =	stream.indirect.gather [hbm4b:s9+s16], $0x80, s29, s16, $0xb8;
	[tilespmem:$0x1F4C0] =	vst v63  }
0x82: {  	s26 =	smov.u32 s25  }
0x83: {  	s26 =	simm.s32 @p1 $0x0  }
.LBB2_6:
0x84: {  	_ =	sfence.sel $0x180000  }
0x85: {  	[bflag:$0x0] =	sbarrier.arrive $0xFFFF  }
0x86: {  	p0 =	sne.s32 s3, $0x0;
	_ =	strace $0x9000004D  }
0x87: {  	s0 =	sadd.s32 @!p0 $0x100000, s0;
	[bflag:$0x2] =	sbarrier.arrive $0xFFFF  }
0x88: {  	[sflag:s0] =	ssyncadd.tile.s32 @!p0 $0x1;
	_ =	shalt  }
.Lfunc_end2:
_tile_overlayer_lowered:
.L_overlay_start_2:
0x89: {  	(tag) =	ssettag $0x2  }
0x8a: {  	s0 =	rddreg [dreg:$0x0];
	s2 =	stileid.u32  }
0x8b: {  	s1 =	rddreg [dreg:$0x1];
	p0 =	sne.s32 s2, $0x0  }
0x8c: {  	s3 =	rddreg [dreg:$0x2];
	[bflag:$0x3] =	sbarrier.arrive $0xFFFF;
	s2 =	simm.s32 @!p0 $0x1C08  }
0x8d: {  	[timem:s3], [sflag:s2] =	dma.local @!p0 [hbm:s0], s1  }
0x8e: {  	s0 =	simm.s32 @!p0 $0x8  }
0x8f: {  	_ =	swait.ge @!p0 [sflag:s0], s1  }
0x90: {  	s1 =	ssub.s32 @!p0 $0x0, s1;
	[sflag:s0] =	ssyncset.done @!p0 $0x0  }
0x91: {  	[sflag:s0] =	ssyncadd.s32 @!p0 s1  }
0x92: {  	[bflag:$0x3] =	sbarrier.arrive $0xFFFF  }
0x93: {  	_ =	shalt  }

// kernel: kernel.9.cloned.1.call-start
scs
__scs_entry_jumppad:
0x0: {  	(pc) =	sbr.rel $0x88, $3  }
0x1: {  	(tag) =	ssettag $0x0;
	lr =	simm.s32 $0x1  }
0x2: {  	[smem:$0x3F94] =	sst lr;
	_ =	strace $0xD0000000  }
0x3: {  	_ = 	snop  }
0x4: {  	_ = 	snop  }
0x5: {  	_ = 	snop  }
0x6: {  	_ = 	snop  }
0x7: {  	_ = 	snop  }
__scs_overlays_trampoline_lowered:
0x8: {  	[smem:$0x3FA3] =	sst s0  }
0x9: {  	[smem:$0x3FA4] =	sst s1  }
0xa: {  	[smem:$0x3FA5] =	sst s2  }
0xb: {  	[smem:$0x3FA6] =	sst s3  }
0xc: {  	[smem:$0x3FA7] =	sst s4  }
0xd: {  	[smem:$0x3FA8] =	sst s5  }
0xe: {  	[smem:$0x3FA9] =	sst s6  }
0xf: {  	[smem:$0x3FAA] =	sst s7  }
0x10: {  	[smem:$0x3FAB] =	sst s8  }
0x11: {  	[smem:$0x3FAC] =	sst s9;
	s0 =	simm.s32 @!p0 $0x0  }
0x12: {  	s1 =	sld [smem:$0x3F92];
	s0 =	simm.s32 @p0 $0x1  }
0x13: {  	[smem:$0x3FAD] =	sst s0;
	s0 =	simm.s32 @!p1 $0x0  }
0x14: {  	s2 =	sld [smem:$0x3F91];
	s0 =	simm.s32 @p1 $0x1  }
0x15: {  	[smem:$0x3FAE] =	sst s0;
	s0 =	simm.s32 @!p2 $0x0  }
0x16: {  	s3 =	sld [smem:$0x3FDB];
	s0 =	simm.s32 @p2 $0x1  }
0x17: {  	s4 =	simm.s32 $0x1BF5;
	[smem:$0x3FB0] =	sst s0  }
0x18: {  	s0 =	sld [smem:$0x3F93];
	_ =	swait.ge [sflag:s4], $0x0  }
0x19: {  	s7 =	sld [smem:$0x3F94]  }
0x1a: {  	s8 =	sadd.s32 $0xFFFFE003, lr  }
0x1b: {  	s9 =	sadd.s32 $0xFFFFFEF7, lr;
	s5 =	simm.s32 $0xFFFFFFFF;
	p2 =	slt.u32 s8, $0xFFFFF086  }
0x1c: {  	p1 =	slt.u32 s9, $0xF7A;
	s5 =	simm.s32 @!p2 $0x0  }
0x1d: {  	s5 =	simm.s32 @p1 $0x1;
	p0 =	seq.s32 s7, s2  }
0x1e: {  	s7 =	smul.u32 @!p0 $0xF7A, s2;
	p2 =	seq.s32 @!p0 s5, $0x0  }
0x1f: {  	s9 =	smul.u32 $0xF7A, s1;
	s8 =	simm.s32 @!p0 $0x1BF5;
	p2 =	por !p2, p0  }
0x20: {  	[sflag:s8] =	ssyncset.s32 @!p0 $0xFFFFF086;
	s6 =	sadd.s32 @!p0 s3, s7;
	s7 =	simm.s32 @!p0 $0x108  }
0x21: {  	s3 =	sadd.s32 s3, s9;
	s6 =	sadd.s32 @!p0 $0x88, s6;
	s7 =	simm.s32 @p2 $0x1082  }
0x22: {  	[simem:s7], [sflag:s8] =	dma.local @!p0 [hbm:s6], $0xF7A  }
0x23: {  	s9 =	sor.u32 $0xD0000000, s2;
	s6 =	simm.s32 $0x108;
	_ =	swait.ge @!p0 [sflag:s8], $0x0  }
0x24: {  	s3 =	sadd.s32 $0x88, s3;
	s6 =	simm.s32 @!p1 $0x1082;
	[sflag:s4] =	ssyncset.s32 $0xFFFFF086  }
0x25: {  	[simem:s6], [sflag:s4] =	dma.local [hbm:s3], $0xF7A  }
0x26: {  	[smem:$0x3F94] =	sst s1;
	(tag) =	ssettag s2;
	_ =	strace s9  }
0x27: {  	s1 =	sld [smem:$0x3FA4]  }
0x28: {  	s2 =	sld [smem:$0x3FA5]  }
0x29: {  	s4 =	sld [smem:$0x3FA7]  }
0x2a: {  	p0 =	seq.s32 s5, $0x0;
	s5 =	sld [smem:$0x3FA8]  }
0x2b: {  	s6 =	sld [smem:$0x3FA9]  }
0x2c: {  	s7 =	sld [smem:$0x3FAA]  }
0x2d: {  	s3 =	simm.s32 $0x108;
	s8 =	sld [smem:$0x3FAB]  }
0x2e: {  	s3 =	simm.s32 @!p0 $0x1082;
	s9 =	sld [smem:$0x3FAC]  }
0x2f: {  	lr =	sadd.s32 s0, s3;
	s0 =	sld [smem:$0x3FA3]  }
0x30: {  	s3 =	sld [smem:$0x3FA6]  }
0x31: {  	[smem:$0x3FAF] =	sst s10  }
0x32: {  	s10 =	sld [smem:$0x3FAD];
	_ =	sdelay $0x3  }
0x33: {  	p0 =	seq.s32 s10, $0x1;
	s10 =	sld [smem:$0x3FAF];
	_ =	sdelay $0x3  }
0x34: {  	[smem:$0x3FAF] =	sst s10  }
0x35: {  	s10 =	sld [smem:$0x3FAE];
	_ =	sdelay $0x3  }
0x36: {  	p1 =	seq.s32 s10, $0x1;
	s10 =	sld [smem:$0x3FAF];
	_ =	sdelay $0x3  }
0x37: {  	[smem:$0x3FAF] =	sst s10  }
0x38: {  	s10 =	sld [smem:$0x3FB0]  }
0x39: {  	_ = 	snop;
	(pc) =	sbr.ind lr, $3  }
0x3a: {  	_ = 	snop  }
0x3b: {  	_ = 	snop  }
0x3c: {  	p2 =	seq.s32 s10, $0x1;
	s10 =	sld [smem:$0x3FAF]  }
0x3d: {  	_ =	shalt  }
0x3e: {  	_ =	shalt  }
0x3f: {  	_ =	shalt  }
0x40: {  	_ =	shalt  }
0x41: {  	_ =	shalt  }
0x42: {  	_ =	shalt  }
0x43: {  	_ =	shalt  }
0x44: {  	_ =	shalt  }
0x45: {  	_ =	shalt  }
0x46: {  	_ =	shalt  }
0x47: {  	_ =	shalt  }
0x48: {  	_ =	shalt  }
0x49: {  	_ =	shalt  }
0x4a: {  	_ =	shalt  }
0x4b: {  	_ =	shalt  }
0x4c: {  	_ =	shalt  }
0x4d: {  	_ =	shalt  }
0x4e: {  	_ =	shalt  }
0x4f: {  	_ =	shalt  }
0x50: {  	_ =	shalt  }
0x51: {  	_ =	shalt  }
0x52: {  	_ =	shalt  }
0x53: {  	_ =	shalt  }
0x54: {  	_ =	shalt  }
0x55: {  	_ =	shalt  }
0x56: {  	_ =	shalt  }
0x57: {  	_ =	shalt  }
0x58: {  	_ =	shalt  }
0x59: {  	_ =	shalt  }
0x5a: {  	_ =	shalt  }
0x5b: {  	_ =	shalt  }
0x5c: {  	_ =	shalt  }
0x5d: {  	_ =	shalt  }
0x5e: {  	_ =	shalt  }
0x5f: {  	_ =	shalt  }
0x60: {  	_ =	shalt  }
0x61: {  	_ =	shalt  }
0x62: {  	_ =	shalt  }
0x63: {  	_ =	shalt  }
0x64: {  	_ =	shalt  }
0x65: {  	_ =	shalt  }
0x66: {  	_ =	shalt  }
0x67: {  	_ =	shalt  }
0x68: {  	_ =	shalt  }
0x69: {  	_ =	shalt  }
0x6a: {  	_ =	shalt  }
0x6b: {  	_ =	shalt  }
0x6c: {  	_ =	shalt  }
0x6d: {  	_ =	shalt  }
0x6e: {  	_ =	shalt  }
0x6f: {  	_ =	shalt  }
0x70: {  	_ =	shalt  }
0x71: {  	_ =	shalt  }
0x72: {  	_ =	shalt  }
0x73: {  	_ =	shalt  }
0x74: {  	_ =	shalt  }
0x75: {  	_ =	shalt  }
0x76: {  	_ =	shalt  }
0x77: {  	_ =	shalt  }
0x78: {  	_ =	shalt  }
0x79: {  	_ =	shalt  }
0x7a: {  	_ =	shalt  }
0x7b: {  	_ =	shalt  }
0x7c: {  	_ =	shalt  }
0x7d: {  	_ =	shalt  }
0x7e: {  	_ =	shalt  }
0x7f: {  	_ =	shalt  }
0x80: {  	_ =	shalt  }
0x81: {  	_ =	shalt  }
0x82: {  	_ =	shalt  }
0x83: {  	_ =	shalt  }
0x84: {  	_ =	shalt  }
0x85: {  	_ =	shalt  }
0x86: {  	_ =	shalt  }
0x87: {  	_ =	shalt  }
.Lfunc_end0:
.L_simem_size_0:
called_computation_lowered:
.L_overlay_start_0:
0x88: {  	s2 =	sld [smem:$0x3FD9]  }
0x89: {  	s3 =	sld [smem:$0x3FFE];
	_ =	sdelay $0x1  }
0x8a: {  	s1 =	srdreg.scid  }
0x8b: {  	s0 =	sand.u32 $0x1, s1  }
0x8c: {  	s16 =	sshll.u32 s0, $0xA;
	s2 =	sadd.s32 s3, s2  }
0x8d: {  	s2 =	sadd.s32 s2, s16  }
0x8e: {  	[smem:$0x3FBB] =	sst s2  }
0x8f: {  	_ = 	snop  }
0x90: {  	(tm) =	ssettm $0x1  }
0x91: {  	s17 =	sld [smem:$0x3FFB];
	_ =	sdelay $0x3  }
0x92: {  	_ =	strace s17  }
0x93: {  	s2 =	sld [smem:$0x3FFC];
	_ =	sdelay $0x3  }
0x94: {  	_ =	strace s2  }
0x95: {  	s2 =	sld [smem:$0x3FFD];
	_ =	sdelay $0x3  }
0x96: {  	_ =	strace s2  }
0x97: {  	_ =	strace $0x8FFFFFFF  }
0x98: {  	s18 =	sld [smem:$0x3FDB];
	_ =	sdelay $0x1  }
0x99: {  	s19 =	simm.s32 $_scs_section_size  }
0x9a: {  	s4 =	simm.s32 $_size__tile_overlayer_lowered;
	s5 =	simm.s32 $_tile_overlayer_lowered  }
0x9b: {  	s22 =	simm.s32 $0x1BFF;
	s21 =	sshll.u32 s5, $0x1;
	s2 =	sadd.s32 s19, s18  }
0x9c: {  	s6 =	simm.s32 $0x0;
	s20 =	sshll.u32 s4, $0x1;
	s4 =	sadd.s32 s21, s2  }
0x9d: {  	[timem:s6], [sflag:s22] =	dma.local [hbm:s4], s20  }
0x9e: {  	_ =	swait.ge [sflag:s22], s20  }
0x9f: {  	s3 =	ssub.s32 $0x0, s20;
	[sflag:s22] =	ssyncset.done $0x0  }
0xa0: {  	[sflag:s22] =	ssyncadd.s32 s3;
	_ =	sdelay $0x1  }
0xa1: {  	s23 =	simm.s32 $0x1B8B  }
0xa2: {  	_ =	swait.ge [sflag:s23], $0x1  }
0xa3: {  	[sflag:s23] =	ssyncset.done $0x0  }
0xa4: {  	s25 =	simm.s32 $0x1B8E;
	s24 =	sld [smem:$0x3FFE];
	[sflag:s23] =	ssyncadd.s32 $0xFFFFFFFF  }
0xa5: {  	s26 =	simm.s32 $execute0_lowered;
	[smem:$0x3FD2] =	sst s25  }
0xa6: {  	s4 =	sshll.u32 s26, $0x1;
	_ =	strace $0x80000046;
	[dreg:$0x1] =	wrdreg $0xFFFFFFFF  }
0xa7: {  	s28 =	simm.s32 $_size_execute0_lowered;
	s2 =	sadd.s32 s2, s4;
	[dreg:$0x0] =	wrdreg $0x0  }
0xa8: {  	s4 =	sshll.u32 s28, $0x1;
	[dreg:$0x2] =	wrdreg s2  }
0xa9: {  	[dreg:$0x3] =	wrdreg s4  }
0xaa: {  	[dreg:$0x4] =	wrdreg $0xC0  }
0xab: {  	_ =	task [dreg:s6], $0x5FFFF  }
0xac: {  	[dreg:$0x1] =	wrdreg $0xFFFFFFFF  }
0xad: {  	[dreg:$0x0] =	wrdreg $0x60  }
0xae: {  	[dreg:$0x2] =	wrdreg s24  }
0xaf: {  	[dreg:$0x3] =	wrdreg $0xBC000  }
0xb0: {  	[dreg:$0x4] =	wrdreg $0x9  }
0xb1: {  	_ =	task.clear_ibuf [dreg:s6], $0x5FFFF;
	_ =	strace $0x90000046  }
0xb2: {  	s29 =	simm.s32 $0x9;
	_ =	strace $0x80000048  }
0xb3: {  	_ =	swait.ge [sflag:s29], $0x1  }
0xb4: {  	[sflag:s29] =	ssyncadd.s32 $0xFFFFFFFF  }
0xb5: {  	_ =	strace $0x90000048  }
0xb6: {  	_ =	sfence  }
0xb7: {  	s30 =	sld [smem:$0x0];
	_ =	sdelay $0x2  }
0xb8: {  	s31 =	sshll.u32 s1, $0xD;
	s1 =	sshrl.u32 s1, $0x2  }
0xb9: {  	s3 =	sand.u32 $0x4000, s31;
	s1 =	sadd.s32 s1, s30  }
0xba: {  	s0 =	sor.u32 s3, s0;
	s1 =	sshll.u32 s1, $0x11  }
0xbb: {  	s0 =	sor.u32 s1, s0  }
0xbc: {  	s0 =	sadd.s32 $0x8F2B, s0  }
0xbd: {  	[sflag:s0] =	ssyncadd.remote.s32 $0x1  }
0xbe: {  	_ =	sfence.sel $0xFFFF  }
0xbf: {  	[dreg:$0x0] =	wrdreg $0xFFFFFFFF;
	(pc) =	sbr.abs _section_cstart, $3  }
0xc0: {  	[dreg:$0x1] =	wrdreg $0xFFFFFFFF  }
0xc1: {  	_ =	task.clear_ibuf [dreg:s6], $0x2FFFF;
	_ =	strace $0x9FFFFFFF  }
0xc2: {  	(tm) =	ssettm $0x7FFFFFFF  }
0xc3: {  	_ =	shalt  }
tec
execute0_lowered:
.L_overlay_start_1:
0x0: {  	(tag) =	ssettag $0x1  }
0x1: {  	s4 =	rddreg [dreg:$0x0]  }
0x2: {  	s0 =	srdreg.scid;
	s1 =	rddreg [dreg:$0x1];
	s2 =	simm.s32 $0x0  }
0x3: {  	s3 =	stileid.u32;
	s17 =	simm.s32 $0x4000;
	s18 =	simm.s32 $0x4400  }
0x4: {  	s19 =	simm.s32 $0x4080;
	s20 =	simm.s32 $0x6C00;
	s21 =	simm.s32 $0x7  }
0x5: {  	s22 =	simm.s32 $0x5;
	s5 =	sand.u32 $0x1, s0;
	s0 =	rddreg [dreg:$0x2]  }
0x6: {  	s23 =	simm.s32 $0x0;
	[smem:$0x7FF] =	sst s2;
	s11 =	smul.u32 $0x13800, s3  }
0x7: {  	s8 =	sadd.s32 $0x59000, s4;
	s10 =	sshll.u32 s3, $0xB;
	s12 =	smul.u32 $0x4E000, s3  }
0x8: {  	s13 =	sadd.s32 $0xA7200, s4;
	s16 =	sadd.s32 $0x138000, s1;
	p0 =	sne.s32 s3, $0xF  }
0x9: {  	s6 =	smul.u32 $0x138800, s5;
	_ =	strace $0x80000047;
	s5 =	ssub.s32 $0x2, s5  }
0xa: {  	s10 =	sadd.s32 s10, s4;
	s29 =	sshrl.u32 s5, $0x1;
	s30 =	sshrl.u32 s12, $0x2  }
0xb: {  	s7 =	sshrl.u32 s6, $0x3;
	s6 =	sadd.s32 s11, s6;
	s14 =	ssub.s32 s5, s29  }
0xc: {  	s15 =	sadd.s32 s30, s1;
	s5 =	sshll.u32 s3, $0x6;
	s9 =	sadd.s32 s7, s4  }
.Ltmp0:
0xd: {  	s11 =	sshrl.u32 s6, $0x3;
	s6 =	sor.u32 $0x1C07, s5;
	(pc) =	sbr.rel .LBB2_1-.Ltmp0, $4  }
0xe: {  	s31 =	sadd.s32 $0x27000, s7;
	s12 =	smax.u32 s14, $0x1;
	s14 =	sshrl.u32 @!p0 s16, $0x3  }
0xf: {  	s16 =	simm.s32 $0x50;
	s4 =	sadd.s32 s8, s11;
	s7 =	sadd.s32 s8, s31  }
0x10: {  	s8 =	sadd.s32 $0x2E00, s10;
	s9 =	sadd.s32 $0xAE00, s9;
	s10 =	sadd.s32 s13, s11  }
0x11: {  	s11 =	sadd.s32 s13, s31;
	s13 =	sshrl.u32 s15, $0x3;
	s15 =	simm.s32 $0x8  }
.LBB2_5:
0x12: {  	_ =	swait.ge [sflag:s22], $0x2800  }
0x13: {  	[sflag:s22] =	ssyncset.done $0x0  }
0x14: {  	[sflag:s22] =	ssyncadd.s32 $0xFFFFD800  }
0x15: {  	s24 =	sor.u32 $0x1C08, s5;
	[bflag:$0x0] =	sbarrier.arrive $0xFFFF  }
0x16: {  	[hbm:s10], [sflag:s24] =	dma.local [spmem:s13], $0x2700  }
0x17: {  	_ =	swait.ge [sflag:s15], $0x2700  }
0x18: {  	s23 =	sadd.s32 $0x1, s23;
	[sflag:s15] =	ssyncset.done $0x0  }
0x19: {  	p1 =	sne.s32 s23, s12;
	[sflag:s15] =	ssyncadd.s32 $0xFFFFD900  }
0x1a: {  	[hbm:s11], [sflag:s24] =	dma.local @!p0 [spmem:s14], $0x100  }
.Ltmp1:
0x1b: {  	_ = 	snop;
	(pc) =	sbr.rel @!p1 .LBB2_6-.Ltmp1, $4  }
0x1c: {  	s24 =	simm.s32 @!p0 $0x8  }
0x1d: {  	_ =	swait.ge @!p0 [sflag:s24], $0x100  }
0x1e: {  	[sflag:s24] =	ssyncset.done @!p0 $0x0  }
0x1f: {  	[sflag:s24] =	ssyncadd.s32 @!p0 $0xFFFFFF00  }
.LBB2_1:
0x20: {  	[spmem:s13], [sflag:s6] =	dma.local [hbm:s4], $0x2700  }
0x21: {  	[spmem:s14], [sflag:s6] =	dma.local @!p0 [hbm:s7], $0x100  }
0x22: {  	[tilespmem:s2], [sflag:$0x8] =	stream.linear.gather [hbm4b:s8+s2], $0x3E80, $0x38;
	[tilespmem:$0x1F4C0] =	vst v63  }
0x23: {  	_ =	swait.ge [sflag:s15], $0x3E80  }
0x24: {  	[sflag:s15] =	ssyncset.done $0x0  }
0x25: {  	[sflag:s15] =	ssyncadd.s32 $0xFFFFC180  }
0x26: {  	v0 =	vld [tilespmem:$0x0];
	_ =	sdelay $0x1  }
0x27: {  	v1 =	vld [tilespmem:$0x10];
	_ =	sdelay $0x1  }
0x28: {  	v2 =	vld [tilespmem:$0x20]  }
0x29: {  	v3 =	vand.u32 $0xFFFF, v0  }
0x2a: {  	v40 =	vld [tilespmem:$0x30];
	v0 =	vshrl.u32 v0, $0x10;
	[tilespmem:$0x4000] =	vst v3  }
0x2b: {  	v41 =	vand.u32 $0xFFFF, v1;
	[tilespmem:$0x4200] =	vst v0  }
0x2c: {  	v43 =	vld [tilespmem:$0x40];
	v42 =	vshrl.u32 v1, $0x10;
	[tilespmem:$0x4010] =	vst v41  }
0x2d: {  	v44 =	vand.u32 $0xFFFF, v2;
	[tilespmem:$0x4210] =	vst v42  }
0x2e: {  	v45 =	vshrl.u32 v2, $0x10;
	[tilespmem:$0x4020] =	vst v44  }
0x2f: {  	v46 =	vand.u32 $0xFFFF, v40;
	[tilespmem:$0x4220] =	vst v45  }
0x30: {  	v47 =	vshrl.u32 v40, $0x10;
	[tilespmem:$0x4030] =	vst v46  }
0x31: {  	v48 =	vand.u32 $0xFFFF, v43;
	[tilespmem:$0x4230] =	vst v47  }
0x32: {  	v49 =	vshrl.u32 v43, $0x10;
	[tilespmem:$0x4040] =	vst v48  }
0x33: {  	[tilespmem:$0x4240] =	vst v49  }
0x34: {  	[tilespmem:s18], [sflag:$0x1] =	stream.indirect.gather [hbm4b:s9+s16], $0x80, s17, s16, $0xb8;
	[tilespmem:$0x1F4C0] =	vst v63  }
0x35: {  	v50 =	vld [tilespmem:$0x80];
	_ =	sdelay $0x1  }
0x36: {  	v51 =	vld [tilespmem:$0x90];
	_ =	sdelay $0x1  }
0x37: {  	v52 =	vld [tilespmem:$0xA0]  }
0x38: {  	v53 =	vand.u32 $0xFFFF, v50  }
0x39: {  	v54 =	vld [tilespmem:$0xB0];
	v0 =	vshrl.u32 v50, $0x10;
	[tilespmem:$0x4080] =	vst v53  }
0x3a: {  	v55 =	vand.u32 $0xFFFF, v51;
	[tilespmem:$0x4280] =	vst v0  }
0x3b: {  	v57 =	vld [tilespmem:$0xC0];
	v56 =	vshrl.u32 v51, $0x10;
	[tilespmem:$0x4090] =	vst v55  }
0x3c: {  	v58 =	vand.u32 $0xFFFF, v52;
	[tilespmem:$0x4290] =	vst v56  }
0x3d: {  	v59 =	vshrl.u32 v52, $0x10;
	[tilespmem:$0x40A0] =	vst v58  }
0x3e: {  	v60 =	vand.u32 $0xFFFF, v54;
	[tilespmem:$0x42A0] =	vst v59  }
0x3f: {  	v61 =	vshrl.u32 v54, $0x10;
	[tilespmem:$0x40B0] =	vst v60  }
0x40: {  	v62 =	vand.u32 $0xFFFF, v57;
	[tilespmem:$0x42B0] =	vst v61  }
0x41: {  	v63 =	vshrl.u32 v57, $0x10;
	[tilespmem:$0x40C0] =	vst v62  }
0x42: {  	[tilespmem:$0x42C0] =	vst v63  }
0x43: {  	[tilespmem:s20], [sflag:$0x2] =	stream.indirect.gather [hbm4b:s9+s16], $0x80, s19, s16, $0xb8;
	[tilespmem:$0x1F4C0] =	vst v63  }
0x44: {  	_ =	swait.ge [sflag:s21], $0x2700  }
0x45: {  	[sflag:s21] =	ssyncset.done $0x0  }
0x46: {  	s24 =	simm.s32 @!p0 $0x7;
	[sflag:s21] =	ssyncadd.s32 $0xFFFFD900  }
.Ltmp2:
0x47: {  	_ =	swait.ge @!p0 [sflag:s24], $0x100;
	(pc) =	sbr.rel .LBB2_2-.Ltmp2, $4  }
0x48: {  	[sflag:s24] =	ssyncset.done @!p0 $0x0  }
0x49: {  	[sflag:s24] =	ssyncadd.s32 @!p0 $0xFFFFFF00  }
0x4a: {  	[bflag:$0x0] =	sbarrier.arrive $0xFFFF  }
0x4b: {  	s25 =	simm.s32 $0x0;
	s24 =	simm.s32 $0x140  }
.LBB2_4:
0x4c: {  	s28 =	sand.u32 $0xFF, s26  }
0x4d: {  	s28 =	smul.u32 $0xAB, s28;
	_ =	sdelay $0x1  }
0x4e: {  	s28 =	sshrl.u32 s28, $0x9  }
0x4f: {  	s28 =	smul.u32 $0x3, s28;
	_ =	sdelay $0x1  }
0x50: {  	s29 =	ssub.s32 s26, s28  }
0x51: {  	s25 =	sadd.s32 $0x1, s25;
	s26 =	sand.u32 $0xFF, s29  }
0x52: {  	p1 =	sne.s32 s25, $0x7D;
	s29 =	smul.u32 $0xA000, s26  }
.Ltmp3:
0x53: {  	s30 =	sadd.s32 $0x1, s26;
	(pc) =	sbr.rel @!p1 .LBB2_5-.Ltmp3, $4  }
0x54: {  	s24 =	sadd.s32 $0x80, s24;
	s31 =	sshll.u32 s26, $0x7;
	_ =	swait.ge [sflag:s30], $0x2800  }
0x55: {  	s26 =	sor.u32 $0x4, s26;
	[sflag:s30] =	ssyncset.done $0x0;
	s29 =	sshrl.u32 s29, $0x2  }
0x56: {  	s28 =	sor.u32 $0x4200, s31;
	[sflag:s30] =	ssyncadd.s32 $0xFFFFD800;
	s29 =	sadd.s32 $0x4400, s29  }
0x57: {  	[spmem:s1] =	stream.indirect.scatter.add.f32 [tilespmem:s29], [sflag:s26], $0x80, s28, s16, $0xb8;
	[tilespmem:$0x1F4C0] =	vst v63  }
.LBB2_2:
0x58: {  	p1 =	seq.s32 s25, $0x0  }
0x59: {  	s26 =	sadd.s32 @!p1 $0xFFFFFFFF, s25  }
0x5a: {  	s28 =	sand.u32 @!p1 $0xFF, s26  }
0x5b: {  	s28 =	smul.u32 @!p1 $0xAB, s28;
	_ =	sdelay $0x1  }
0x5c: {  	s28 =	sshrl.u32 @!p1 s28, $0x9  }
0x5d: {  	s28 =	smul.u32 @!p1 $0x3, s28  }
0x5e: {  	p2 =	sgt.u32 @!p1 s25, $0x7A  }
0x5f: {  	p2 =	por p1, !p2;
	s26 =	ssub.s32 @!p1 s26, s28  }
.Ltmp4:
0x60: {  	s26 =	sor.u32 @!p1 $0x4, s26;
	(pc) =	sbr.rel @!p2 .LBB2_4-.Ltmp4, $4  }
0x61: {  	s26 =	sand.u32 @!p1 $0xFF, s26  }
0x62: {  	_ =	swait.ge @!p1 [sflag:s26], $0x2800  }
0x63: {  	[sflag:s26] =	ssyncset.done @!p1 $0x0  }
0x64: {  	[sflag:s26] =	ssyncadd.s32 @!p1 $0xFFFFD800;
	s26 =	smov.u32 s25  }
0x65: {  	s26 =	sadd.s32 $0x2, s25  }
0x66: {  	s28 =	smul.u32 $0xAB, s26;
	_ =	sdelay $0x1  }
0x67: {  	s28 =	sshrl.u32 s28, $0x9  }
0x68: {  	s28 =	sand.u32 $0x7F, s28  }
0x69: {  	v0 =	vld [tilespmem:s24+$0xFFFFFFC0];
	s28 =	smul.u32 $0x3, s28;
	_ =	sdelay $0x1  }
0x6a: {  	s26 =	ssub.s32 s26, s28  }
0x6b: {  	s26 =	sand.u32 $0xFF, s26  }
0x6c: {  	s28 =	sshll.u32 s26, $0x7  }
0x6d: {  	v1 =	vand.u32 $0xFFFF, v0;
	s29 =	sor.u32 $0x4000, s28  }
0x6e: {  	v0 =	vshrl.u32 v0, $0x10;
	s30 =	sor.u32 $0x4200, s28;
	[tilespmem:s29+$0x0] =	vst v1  }
0x6f: {  	[tilespmem:s30+$0x0] =	vst v0  }
0x70: {  	v0 =	vld [tilespmem:s24+$0xFFFFFFD0];
	_ =	sdelay $0x4  }
0x71: {  	s31 =	sor.u32 $0x4010, s28;
	v60 =	vand.u32 $0xFFFF, v0  }
0x72: {  	v0 =	vshrl.u32 v0, $0x10;
	[tilespmem:s31+$0x0] =	vst v60;
	s31 =	sor.u32 $0x4210, s28  }
0x73: {  	[tilespmem:s31+$0x0] =	vst v0  }
0x74: {  	v0 =	vld [tilespmem:s24+$0xFFFFFFE0];
	_ =	sdelay $0x4  }
0x75: {  	s31 =	sor.u32 $0x4020, s28;
	v61 =	vand.u32 $0xFFFF, v0  }
0x76: {  	v0 =	vshrl.u32 v0, $0x10;
	[tilespmem:s31+$0x0] =	vst v61;
	s31 =	sor.u32 $0x4220, s28  }
0x77: {  	[tilespmem:s31+$0x0] =	vst v0  }
0x78: {  	v0 =	vld [tilespmem:s24+$0xFFFFFFF0];
	_ =	sdelay $0x4  }
0x79: {  	s31 =	sor.u32 $0x4030, s28;
	v62 =	vand.u32 $0xFFFF, v0  }
0x7a: {  	v0 =	vshrl.u32 v0, $0x10;
	[tilespmem:s31+$0x0] =	vst v62;
	s31 =	sor.u32 $0x4230, s28  }
0x7b: {  	[tilespmem:s31+$0x0] =	vst v0  }
0x7c: {  	v0 =	vld [tilespmem:s24+$0x0];
	_ =	sdelay $0x3  }
0x7d: {  	s30 =	smul.u32 $0xA000, s26  }
0x7e: {  	s31 =	sor.u32 $0x4040, s28;
	v63 =	vand.u32 $0xFFFF, v0  }
.Ltmp5:
0x7f: {  	s30 =	sshrl.u32 s30, $0x2;
	s28 =	sor.u32 $0x4240, s28;
	v0 =	vshrl.u32 v0, $0x10;
	[tilespmem:s31+$0x0] =	vst v63;
	(pc) =	sbr.rel .LBB2_4-.Ltmp5, $4  }
0x80: {  	s26 =	sadd.s32 $0x1, s26;
	s31 =	sadd.s32 $0x4400, s30;
	[tilespmem:s28+$0x0] =	vst v0  }
0x81: {  	[tilespmem:s31], [sflag:s26] =	stream.indirect.gather [hbm4b:s9+s16], $0x80, s29, s16, $0xb8;
	[tilespmem:$0x1F4C0] =	vst v63  }
0x82: {  	s26 =	smov.u32 s25  }
0x83: {  	s26 =	simm.s32 @p1 $0x0  }
.LBB2_6:
0x84: {  	_ =	sfence.sel $0x180000  }
0x85: {  	[bflag:$0x0] =	sbarrier.arrive $0xFFFF  }
0x86: {  	p0 =	sne.s32 s3, $0x0;
	_ =	strace $0x90000047  }
0x87: {  	s0 =	sadd.s32 @!p0 $0x100000, s0;
	[bflag:$0x2] =	sbarrier.arrive $0xFFFF  }
0x88: {  	[sflag:s0] =	ssyncadd.tile.s32 @!p0 $0x1;
	_ =	shalt  }
.Lfunc_end2:
_tile_overlayer_lowered:
.L_overlay_start_2:
0x89: {  	(tag) =	ssettag $0x2  }
0x8a: {  	s0 =	rddreg [dreg:$0x0];
	s2 =	stileid.u32  }
0x8b: {  	s1 =	rddreg [dreg:$0x1];
	p0 =	sne.s32 s2, $0x0  }
0x8c: {  	s3 =	rddreg [dreg:$0x2];
	[bflag:$0x3] =	sbarrier.arrive $0xFFFF;
	s2 =	simm.s32 @!p0 $0x1C08  }
0x8d: {  	[timem:s3], [sflag:s2] =	dma.local @!p0 [hbm:s0], s1  }
0x8e: {  	s0 =	simm.s32 @!p0 $0x8  }
0x8f: {  	_ =	swait.ge @!p0 [sflag:s0], s1  }
0x90: {  	s1 =	ssub.s32 @!p0 $0x0, s1;
	[sflag:s0] =	ssyncset.done @!p0 $0x0  }
0x91: {  	[sflag:s0] =	ssyncadd.s32 @!p0 s1  }
0x92: {  	[bflag:$0x3] =	sbarrier.arrive $0xFFFF  }
0x93: {  	_ =	shalt  }

</sc_bundles>
